<compile_context>
chip_gen: v7x
topology: tpu7x:2x2x1
jax: 0.10.2.dev20260603
libtpu: 0.0.44.dev20260713+nightly
codegen_flags: <defaults>
</compile_context>

<pallas_src>
import functools

import jax
import jax.numpy as jnp
from jax import lax
from jax.experimental import pallas as pl
from jax.experimental.pallas import tpu as pltpu
from jax.experimental.pallas import tpu_sc as plsc

NC = 2
NS = 16
NW = NC * NS

BATCH = 16384
HIST = 50
DIM = 64
LB = 128
NTB = BATCH // LB
TB_PER_W = NTB // NW
NSLOT = 2


@functools.lru_cache(maxsize=None)
def _build(vocab: int):
    mesh = plsc.VectorSubcoreMesh(
        core_axis_name="c", subcore_axis_name="s",
        num_cores=NC, num_subcores=NS)

    @functools.partial(
        pl.kernel,
        out_type=jax.ShapeDtypeStruct((HIST, DIM, BATCH), jnp.float32),
        mesh=mesh,
        compiler_params=pltpu.CompilerParams(use_tc_tiling_on_sc=True,
                                             needs_layout_passes=False),
        scratch_types=[
            pltpu.VMEM((TB_PER_W * HIST, LB), jnp.int32),
            [pltpu.VMEM((LB,), jnp.int32)] * NSLOT,
            [pltpu.VMEM((LB, LB), jnp.float32)] * NSLOT,
            [pltpu.VMEM((DIM, LB), jnp.float32)] * NSLOT,
            pltpu.SemaphoreType.DMA((NSLOT,)),
            pltpu.SemaphoreType.DMA((NSLOT,)),
        ],
    )
    def emb(x2, t2, out, xv, gidx, rows, tbuf, gsem, osem):
        wid = lax.axis_index("s") * NC + lax.axis_index("c")
        iota = lax.iota(jnp.int32, 16)

        def prep(toff, h, s):
            for g in range(8):
                v = iota * HIST + (toff + g * 16 * HIST + h)
                xval = plsc.load_gather(xv, [v >> 7, v & 127])
                gidx[s][pl.ds(g * 16, 16)] = xval

        def start_gather(s):
            pltpu.async_copy(t2.at[gidx[s]], rows[s], gsem.at[s])

        def wait_gather(s):
            pltpu.make_async_copy(t2.at[gidx[s]], rows[s], gsem.at[s]).wait()

        def transpose(s):
            zero = iota * 0
            for g in range(8):
                ri = iota + g * 16

                @plsc.parallel_loop(0, DIM, step=1, unroll=16)
                def _(d):
                    vals = plsc.load_gather(rows[s], [ri, zero + d])
                    tbuf[s][d, pl.ds(g * 16, 16)] = vals

        def start_out(tbg, h, s):
            pltpu.async_copy(tbuf[s],
                             out.at[h, :, pl.ds(tbg * LB, LB)], osem.at[s])

        def wait_out(tbg, h, s):
            pltpu.make_async_copy(tbuf[s],
                                  out.at[h, :, pl.ds(tbg * LB, LB)],
                                  osem.at[s]).wait()

        pltpu.sync_copy(
            x2.at[pl.ds(wid * (TB_PER_W * HIST), TB_PER_W * HIST), :], xv)

        def tb_body(t, carry):
            tbg = wid * TB_PER_W + t
            toff = t * (HIST * LB)
            for s in range(NSLOT):
                prep(toff, s, s)
                start_gather(s)

            def pair_body(i, carry2):
                for s in range(NSLOT):
                    h = i * NSLOT + s
                    wait_gather(s)

                    @pl.when(h >= NSLOT)
                    def _():
                        wait_out(tbg, h - NSLOT, s)

                    transpose(s)
                    start_out(tbg, h, s)

                    @pl.when(h + NSLOT < HIST)
                    def _():
                        prep(toff, h + NSLOT, s)
                        start_gather(s)
                return carry2

            lax.fori_loop(0, HIST // NSLOT, pair_body, 0)
            for s in range(NSLOT):
                wait_out(tbg, HIST - NSLOT + s, s)
            return carry

        lax.fori_loop(0, TB_PER_W, tb_body, 0)

    return emb


def kernel(x, embeddings):
    V, D = embeddings.shape
    x2 = x.reshape(BATCH * HIST // 128, 128).astype(jnp.int32)
    t2 = jnp.pad(embeddings, ((0, 0), (0, 128 - D)))
    outp = _build(V)(x2, t2)
    return jnp.transpose(outp, (2, 0, 1))

# --- scband reference (transcript-rebuilt; emitter-appended) ---
"""Pipeline reference for scband-embedding-30073361007036 (READ-ONLY COPY).

The authoritative reference and input builder live on the scoring server;
editing this copy changes nothing except your own understanding.
"""

import jax, jax.numpy as jnp
import numpy as np

VOCAB_SIZE = 1000000
DIM = 64
BATCH = 16384
HIST = 50

def setup_inputs(seed: int = 0) -> dict:
    key = jax.random.key(seed)
    k1, k2 = jax.random.split(key)
    x = jax.random.randint(k1, (BATCH, HIST), 0, VOCAB_SIZE, dtype=jnp.int64 if jax.config.jax_enable_x64 else jnp.int32)
    embeddings = jax.random.uniform(k2, (VOCAB_SIZE, DIM), dtype=jnp.float32)
    return {"x": x, "embeddings": embeddings}

def reference(x, embeddings):
    # Faithful translation of: return self.embeddings[x]
    return jnp.take(embeddings, x, axis=0)

if __name__ == "__main__":
    import jax
    _d = setup_inputs()
    print(jax.jit(kernel)(*tuple(_d.values())))

</pallas_src>

<mosaic_0001>
#map = affine_map<(d0, d1) -> (0, 0)>
#map1 = affine_map<(d0, d1) -> (0, 0, 0)>
module attributes {stable_mosaic.version = 14 : i64} {
  func.func @emb(%arg0: i32, %arg1: i32, %arg2: memref<6400x128xi32, #tpu.memory_space<hbm>>, %arg3: memref<1000000x128xf32, #tpu.memory_space<hbm>>, %arg4: memref<50x64x16384xf32, #tpu.memory_space<hbm>>, %arg5: memref<200x128xi32, #tpu.memory_space<vmem>>, %arg6: memref<128xi32, #tpu.memory_space<vmem>>, %arg7: memref<128xi32, #tpu.memory_space<vmem>>, %arg8: memref<128x128xf32, #tpu.memory_space<vmem>>, %arg9: memref<128x128xf32, #tpu.memory_space<vmem>>, %arg10: memref<64x128xf32, #tpu.memory_space<vmem>>, %arg11: memref<64x128xf32, #tpu.memory_space<vmem>>, %arg12: memref<2x!tpu.dma_semaphore, #tpu.memory_space<semaphore_mem>>, %arg13: memref<2x!tpu.dma_semaphore, #tpu.memory_space<semaphore_mem>>) attributes {dimension_semantics = [#tpu.dimension_semantics<core_parallel>, #tpu.dimension_semantics<subcore_parallel>], iteration_bounds = array<i64: 2, 16>, scalar_prefetch = 0 : i64, scratch_operands = 9 : i64, tpu.core_type = #tpu.core_type<sc_vector_subcore>, window_params = [{transform_indices = #map}, {transform_indices = #map}, {transform_indices = #map1}]} {
    %mul3A = arith.constant 2 : i32
    %mul3A_0 = arith.muli %arg1, %mul3A : i32
    %add3A = arith.addi %mul3A_0, %arg0 : i32
    %iota3A = tpu.iota {dimensions = array<i32: 0>} : vector<16xi32>
    %mul3A_1 = arith.constant 200 : i32
    %mul3A_2 = arith.muli %add3A, %mul3A_1 : i32
    "tpu.region"() ({
      %run_scoped3A = tpu.sem_alloc : memref<!tpu.dma_semaphore, #tpu.memory_space<semaphore_mem>>
      %dma_start3A = arith.constant 0 : i32
      %dma_start3A_8 = tpu.memref_slice %arg2[%mul3A_2, %dma_start3A] : memref<6400x128xi32, #tpu.memory_space<hbm>> -> memref<200x128xi32, #tpu.memory_space<hbm>>
      %dma_start3A_9 = arith.constant 0 : i32
      %dma_start3A_10 = tpu.memref_slice %arg2[%mul3A_2, %dma_start3A_9] : memref<6400x128xi32, #tpu.memory_space<hbm>> -> memref<200x128xi32, #tpu.memory_space<hbm>>
      tpu.enqueue_dma source(%dma_start3A_10 : memref<200x128xi32, #tpu.memory_space<hbm>>) target(%arg5 : memref<200x128xi32, #tpu.memory_space<vmem>>) target_semaphore(%run_scoped3A : memref<!tpu.dma_semaphore, #tpu.memory_space<semaphore_mem>>)
      %dma_wait3A = arith.constant 0 : i32
      %dma_wait3A_11 = tpu.memref_slice %arg2[%mul3A_2, %dma_wait3A] : memref<6400x128xi32, #tpu.memory_space<hbm>> -> memref<200x128xi32, #tpu.memory_space<hbm>>
      %dma_wait3A_12 = arith.constant 0 : i32
      %dma_wait3A_13 = tpu.memref_slice %arg2[%mul3A_2, %dma_wait3A_12] : memref<6400x128xi32, #tpu.memory_space<hbm>> -> memref<200x128xi32, #tpu.memory_space<hbm>>
      tpu.wait_dma2 semaphore(%run_scoped3A : memref<!tpu.dma_semaphore, #tpu.memory_space<semaphore_mem>>) src(%dma_wait3A_13 : memref<200x128xi32, #tpu.memory_space<hbm>>) dst(%arg5 : memref<200x128xi32, #tpu.memory_space<vmem>>)
      tpu.yield
    }) : () -> ()
    %scan3A = arith.constant 0 : i32
    %scan3A_3 = arith.constant 0 : i32
    %scan3A_4 = arith.constant 4 : i32
    %scan3A_5 = arith.addi %scan3A_3, %scan3A_4 : i32
    %scan3A_6 = arith.constant 1 : i32
    scf.for %scan3A_8 = %scan3A_3 to %scan3A_5 step %scan3A_6  : i32 {
      %mul3A_9 = arith.constant 4 : i32
      %mul3A_10 = arith.muli %add3A, %mul3A_9 : i32
      %add3A_11 = arith.addi %mul3A_10, %scan3A_8 : i32
      %mul3A_12 = arith.constant 6400 : i32
      %mul3A_13 = arith.muli %scan3A_8, %mul3A_12 : i32
      %mul3A_14 = arith.constant 50 : i32
      %mul3A_15 = vector.broadcast %mul3A_14 : i32 to vector<16xi32>
      %mul3A_16 = arith.muli %iota3A, %mul3A_15 : vector<16xi32>
      %add3A_17 = arith.constant 0 : i32
      %add3A_18 = arith.addi %mul3A_13, %add3A_17 : i32
      %add3A_19 = arith.constant 0 : i32
      %add3A_20 = arith.addi %add3A_18, %add3A_19 : i32
      %add3A_21 = vector.broadcast %add3A_20 : i32 to vector<16xi32>
      %add3A_22 = arith.addi %mul3A_16, %add3A_21 : vector<16xi32>
      %shift_right_arithmetic3A = arith.constant 7 : i32
      %shift_right_arithmetic3A_23 = vector.broadcast %shift_right_arithmetic3A : i32 to vector<16xi32>
      %shift_right_arithmetic3A_24 = arith.shrsi %add3A_22, %shift_right_arithmetic3A_23 : vector<16xi32>
      %and3A = arith.constant 127 : i32
      %and3A_25 = vector.broadcast %and3A : i32 to vector<16xi32>
      %and3A_26 = arith.andi %add3A_22, %and3A_25 : vector<16xi32>
      %gather3A = tpu.vector_load_idx %arg5[%shift_right_arithmetic3A_24, %and3A_26] : memref<200x128xi32, #tpu.memory_space<vmem>>[vector<16xi32>, vector<16xi32>], vector<16xi32>,
      %swap3A = arith.constant 0 : index
      %swap3A_27 = tpu.vector_load %arg6[%swap3A] {strides = array<i32>} : memref<128xi32, #tpu.memory_space<vmem>>, vector<16xi32>,
      tpu.vector_store %arg6[%swap3A], %gather3A {strides = array<i32>} : memref<128xi32, #tpu.memory_space<vmem>>, vector<16xi32>,
      %mul3A_28 = arith.constant 50 : i32
      %mul3A_29 = vector.broadcast %mul3A_28 : i32 to vector<16xi32>
      %mul3A_30 = arith.muli %iota3A, %mul3A_29 : vector<16xi32>
      %add3A_31 = arith.constant 800 : i32
      %add3A_32 = arith.addi %mul3A_13, %add3A_31 : i32
      %add3A_33 = arith.constant 0 : i32
      %add3A_34 = arith.addi %add3A_32, %add3A_33 : i32
      %add3A_35 = vector.broadcast %add3A_34 : i32 to vector<16xi32>
      %add3A_36 = arith.addi %mul3A_30, %add3A_35 : vector<16xi32>
      %shift_right_arithmetic3A_37 = arith.constant 7 : i32
      %shift_right_arithmetic3A_38 = vector.broadcast %shift_right_arithmetic3A_37 : i32 to vector<16xi32>
      %shift_right_arithmetic3A_39 = arith.shrsi %add3A_36, %shift_right_arithmetic3A_38 : vector<16xi32>
      %and3A_40 = arith.constant 127 : i32
      %and3A_41 = vector.broadcast %and3A_40 : i32 to vector<16xi32>
      %and3A_42 = arith.andi %add3A_36, %and3A_41 : vector<16xi32>
      %gather3A_43 = tpu.vector_load_idx %arg5[%shift_right_arithmetic3A_39, %and3A_42] : memref<200x128xi32, #tpu.memory_space<vmem>>[vector<16xi32>, vector<16xi32>], vector<16xi32>,
      %swap3A_44 = arith.constant 16 : index
      %swap3A_45 = tpu.vector_load %arg6[%swap3A_44] {strides = array<i32>} : memref<128xi32, #tpu.memory_space<vmem>>, vector<16xi32>,
      tpu.vector_store %arg6[%swap3A_44], %gather3A_43 {strides = array<i32>} : memref<128xi32, #tpu.memory_space<vmem>>, vector<16xi32>,
      %mul3A_46 = arith.constant 50 : i32
      %mul3A_47 = vector.broadcast %mul3A_46 : i32 to vector<16xi32>
      %mul3A_48 = arith.muli %iota3A, %mul3A_47 : vector<16xi32>
      %add3A_49 = arith.constant 1600 : i32
      %add3A_50 = arith.addi %mul3A_13, %add3A_49 : i32
      %add3A_51 = arith.constant 0 : i32
      %add3A_52 = arith.addi %add3A_50, %add3A_51 : i32
      %add3A_53 = vector.broadcast %add3A_52 : i32 to vector<16xi32>
      %add3A_54 = arith.addi %mul3A_48, %add3A_53 : vector<16xi32>
      %shift_right_arithmetic3A_55 = arith.constant 7 : i32
      %shift_right_arithmetic3A_56 = vector.broadcast %shift_right_arithmetic3A_55 : i32 to vector<16xi32>
      %shift_right_arithmetic3A_57 = arith.shrsi %add3A_54, %shift_right_arithmetic3A_56 : vector<16xi32>
      %and3A_58 = arith.constant 127 : i32
      %and3A_59 = vector.broadcast %and3A_58 : i32 to vector<16xi32>
      %and3A_60 = arith.andi %add3A_54, %and3A_59 : vector<16xi32>
      %gather3A_61 = tpu.vector_load_idx %arg5[%shift_right_arithmetic3A_57, %and3A_60] : memref<200x128xi32, #tpu.memory_space<vmem>>[vector<16xi32>, vector<16xi32>], vector<16xi32>,
      %swap3A_62 = arith.constant 32 : index
      %swap3A_63 = tpu.vector_load %arg6[%swap3A_62] {strides = array<i32>} : memref<128xi32, #tpu.memory_space<vmem>>, vector<16xi32>,
      tpu.vector_store %arg6[%swap3A_62], %gather3A_61 {strides = array<i32>} : memref<128xi32, #tpu.memory_space<vmem>>, vector<16xi32>,
      %mul3A_64 = arith.constant 50 : i32
      %mul3A_65 = vector.broadcast %mul3A_64 : i32 to vector<16xi32>
      %mul3A_66 = arith.muli %iota3A, %mul3A_65 : vector<16xi32>
      %add3A_67 = arith.constant 2400 : i32
      %add3A_68 = arith.addi %mul3A_13, %add3A_67 : i32
      %add3A_69 = arith.constant 0 : i32
      %add3A_70 = arith.addi %add3A_68, %add3A_69 : i32
      %add3A_71 = vector.broadcast %add3A_70 : i32 to vector<16xi32>
      %add3A_72 = arith.addi %mul3A_66, %add3A_71 : vector<16xi32>
      %shift_right_arithmetic3A_73 = arith.constant 7 : i32
      %shift_right_arithmetic3A_74 = vector.broadcast %shift_right_arithmetic3A_73 : i32 to vector<16xi32>
      %shift_right_arithmetic3A_75 = arith.shrsi %add3A_72, %shift_right_arithmetic3A_74 : vector<16xi32>
      %and3A_76 = arith.constant 127 : i32
      %and3A_77 = vector.broadcast %and3A_76 : i32 to vector<16xi32>
      %and3A_78 = arith.andi %add3A_72, %and3A_77 : vector<16xi32>
      %gather3A_79 = tpu.vector_load_idx %arg5[%shift_right_arithmetic3A_75, %and3A_78] : memref<200x128xi32, #tpu.memory_space<vmem>>[vector<16xi32>, vector<16xi32>], vector<16xi32>,
      %swap3A_80 = arith.constant 48 : index
      %swap3A_81 = tpu.vector_load %arg6[%swap3A_80] {strides = array<i32>} : memref<128xi32, #tpu.memory_space<vmem>>, vector<16xi32>,
      tpu.vector_store %arg6[%swap3A_80], %gather3A_79 {strides = array<i32>} : memref<128xi32, #tpu.memory_space<vmem>>, vector<16xi32>,
      %mul3A_82 = arith.constant 50 : i32
      %mul3A_83 = vector.broadcast %mul3A_82 : i32 to vector<16xi32>
      %mul3A_84 = arith.muli %iota3A, %mul3A_83 : vector<16xi32>
      %add3A_85 = arith.constant 3200 : i32
      %add3A_86 = arith.addi %mul3A_13, %add3A_85 : i32
      %add3A_87 = arith.constant 0 : i32
      %add3A_88 = arith.addi %add3A_86, %add3A_87 : i32
      %add3A_89 = vector.broadcast %add3A_88 : i32 to vector<16xi32>
      %add3A_90 = arith.addi %mul3A_84, %add3A_89 : vector<16xi32>
      %shift_right_arithmetic3A_91 = arith.constant 7 : i32
      %shift_right_arithmetic3A_92 = vector.broadcast %shift_right_arithmetic3A_91 : i32 to vector<16xi32>
      %shift_right_arithmetic3A_93 = arith.shrsi %add3A_90, %shift_right_arithmetic3A_92 : vector<16xi32>
      %and3A_94 = arith.constant 127 : i32
      %and3A_95 = vector.broadcast %and3A_94 : i32 to vector<16xi32>
      %and3A_96 = arith.andi %add3A_90, %and3A_95 : vector<16xi32>
      %gather3A_97 = tpu.vector_load_idx %arg5[%shift_right_arithmetic3A_93, %and3A_96] : memref<200x128xi32, #tpu.memory_space<vmem>>[vector<16xi32>, vector<16xi32>], vector<16xi32>,
      %swap3A_98 = arith.constant 64 : index
      %swap3A_99 = tpu.vector_load %arg6[%swap3A_98] {strides = array<i32>} : memref<128xi32, #tpu.memory_space<vmem>>, vector<16xi32>,
      tpu.vector_store %arg6[%swap3A_98], %gather3A_97 {strides = array<i32>} : memref<128xi32, #tpu.memory_space<vmem>>, vector<16xi32>,
      %mul3A_100 = arith.constant 50 : i32
      %mul3A_101 = vector.broadcast %mul3A_100 : i32 to vector<16xi32>
      %mul3A_102 = arith.muli %iota3A, %mul3A_101 : vector<16xi32>
      %add3A_103 = arith.constant 4000 : i32
      %add3A_104 = arith.addi %mul3A_13, %add3A_103 : i32
      %add3A_105 = arith.constant 0 : i32
      %add3A_106 = arith.addi %add3A_104, %add3A_105 : i32
      %add3A_107 = vector.broadcast %add3A_106 : i32 to vector<16xi32>
      %add3A_108 = arith.addi %mul3A_102, %add3A_107 : vector<16xi32>
      %shift_right_arithmetic3A_109 = arith.constant 7 : i32
      %shift_right_arithmetic3A_110 = vector.broadcast %shift_right_arithmetic3A_109 : i32 to vector<16xi32>
      %shift_right_arithmetic3A_111 = arith.shrsi %add3A_108, %shift_right_arithmetic3A_110 : vector<16xi32>
      %and3A_112 = arith.constant 127 : i32
      %and3A_113 = vector.broadcast %and3A_112 : i32 to vector<16xi32>
      %and3A_114 = arith.andi %add3A_108, %and3A_113 : vector<16xi32>
      %gather3A_115 = tpu.vector_load_idx %arg5[%shift_right_arithmetic3A_111, %and3A_114] : memref<200x128xi32, #tpu.memory_space<vmem>>[vector<16xi32>, vector<16xi32>], vector<16xi32>,
      %swap3A_116 = arith.constant 80 : index
      %swap3A_117 = tpu.vector_load %arg6[%swap3A_116] {strides = array<i32>} : memref<128xi32, #tpu.memory_space<vmem>>, vector<16xi32>,
      tpu.vector_store %arg6[%swap3A_116], %gather3A_115 {strides = array<i32>} : memref<128xi32, #tpu.memory_space<vmem>>, vector<16xi32>,
      %mul3A_118 = arith.constant 50 : i32
      %mul3A_119 = vector.broadcast %mul3A_118 : i32 to vector<16xi32>
      %mul3A_120 = arith.muli %iota3A, %mul3A_119 : vector<16xi32>
      %add3A_121 = arith.constant 4800 : i32
      %add3A_122 = arith.addi %mul3A_13, %add3A_121 : i32
      %add3A_123 = arith.constant 0 : i32
      %add3A_124 = arith.addi %add3A_122, %add3A_123 : i32
      %add3A_125 = vector.broadcast %add3A_124 : i32 to vector<16xi32>
      %add3A_126 = arith.addi %mul3A_120, %add3A_125 : vector<16xi32>
      %shift_right_arithmetic3A_127 = arith.constant 7 : i32
      %shift_right_arithmetic3A_128 = vector.broadcast %shift_right_arithmetic3A_127 : i32 to vector<16xi32>
      %shift_right_arithmetic3A_129 = arith.shrsi %add3A_126, %shift_right_arithmetic3A_128 : vector<16xi32>
      %and3A_130 = arith.constant 127 : i32
      %and3A_131 = vector.broadcast %and3A_130 : i32 to vector<16xi32>
      %and3A_132 = arith.andi %add3A_126, %and3A_131 : vector<16xi32>
      %gather3A_133 = tpu.vector_load_idx %arg5[%shift_right_arithmetic3A_129, %and3A_132] : memref<200x128xi32, #tpu.memory_space<vmem>>[vector<16xi32>, vector<16xi32>], vector<16xi32>,
      %swap3A_134 = arith.constant 96 : index
      %swap3A_135 = tpu.vector_load %arg6[%swap3A_134] {strides = array<i32>} : memref<128xi32, #tpu.memory_space<vmem>>, vector<16xi32>,
      tpu.vector_store %arg6[%swap3A_134], %gather3A_133 {strides = array<i32>} : memref<128xi32, #tpu.memory_space<vmem>>, vector<16xi32>,
      %mul3A_136 = arith.constant 50 : i32
      %mul3A_137 = vector.broadcast %mul3A_136 : i32 to vector<16xi32>
      %mul3A_138 = arith.muli %iota3A, %mul3A_137 : vector<16xi32>
      %add3A_139 = arith.constant 5600 : i32
      %add3A_140 = arith.addi %mul3A_13, %add3A_139 : i32
      %add3A_141 = arith.constant 0 : i32
      %add3A_142 = arith.addi %add3A_140, %add3A_141 : i32
      %add3A_143 = vector.broadcast %add3A_142 : i32 to vector<16xi32>
      %add3A_144 = arith.addi %mul3A_138, %add3A_143 : vector<16xi32>
      %shift_right_arithmetic3A_145 = arith.constant 7 : i32
      %shift_right_arithmetic3A_146 = vector.broadcast %shift_right_arithmetic3A_145 : i32 to vector<16xi32>
      %shift_right_arithmetic3A_147 = arith.shrsi %add3A_144, %shift_right_arithmetic3A_146 : vector<16xi32>
      %and3A_148 = arith.constant 127 : i32
      %and3A_149 = vector.broadcast %and3A_148 : i32 to vector<16xi32>
      %and3A_150 = arith.andi %add3A_144, %and3A_149 : vector<16xi32>
      %gather3A_151 = tpu.vector_load_idx %arg5[%shift_right_arithmetic3A_147, %and3A_150] : memref<200x128xi32, #tpu.memory_space<vmem>>[vector<16xi32>, vector<16xi32>], vector<16xi32>,
      %swap3A_152 = arith.constant 112 : index
      %swap3A_153 = tpu.vector_load %arg6[%swap3A_152] {strides = array<i32>} : memref<128xi32, #tpu.memory_space<vmem>>, vector<16xi32>,
      tpu.vector_store %arg6[%swap3A_152], %gather3A_151 {strides = array<i32>} : memref<128xi32, #tpu.memory_space<vmem>>, vector<16xi32>,
      %dma_start3A = arith.constant 0 : i32
      %dma_start3A_154 = arith.constant 0 : i32
      %dma_start3A_155 = arith.constant 0 : i32
      %dma_start3A_156 = tpu.memref_slice %arg3[%dma_start3A_154, %dma_start3A_155] : memref<1000000x128xf32, #tpu.memory_space<hbm>> -> memref<1000000x128xf32, #tpu.memory_space<hbm>>
      %dma_start3A_157 = tpu.memref_slice %arg12[%dma_start3A] : memref<2x!tpu.dma_semaphore, #tpu.memory_space<semaphore_mem>> -> memref<1x!tpu.dma_semaphore, #tpu.memory_space<semaphore_mem>>
      %dma_start3A_158 = tpu.memref_squeeze %dma_start3A_157 : memref<1x!tpu.dma_semaphore, #tpu.memory_space<semaphore_mem>> -> memref<!tpu.dma_semaphore, #tpu.memory_space<semaphore_mem>>
      tpu.enqueue_indirect_dma source(%dma_start3A_156 : memref<1000000x128xf32, #tpu.memory_space<hbm>>) target(%arg8 : memref<128x128xf32, #tpu.memory_space<vmem>>) offsets(%arg6 : memref<128xi32, #tpu.memory_space<vmem>>) semaphore(%dma_start3A_158 : memref<!tpu.dma_semaphore, #tpu.memory_space<semaphore_mem>>)
      %mul3A_159 = arith.constant 50 : i32
      %mul3A_160 = vector.broadcast %mul3A_159 : i32 to vector<16xi32>
      %mul3A_161 = arith.muli %iota3A, %mul3A_160 : vector<16xi32>
      %add3A_162 = arith.constant 0 : i32
      %add3A_163 = arith.addi %mul3A_13, %add3A_162 : i32
      %add3A_164 = arith.constant 1 : i32
      %add3A_165 = arith.addi %add3A_163, %add3A_164 : i32
      %add3A_166 = vector.broadcast %add3A_165 : i32 to vector<16xi32>
      %add3A_167 = arith.addi %mul3A_161, %add3A_166 : vector<16xi32>
      %shift_right_arithmetic3A_168 = arith.constant 7 : i32
      %shift_right_arithmetic3A_169 = vector.broadcast %shift_right_arithmetic3A_168 : i32 to vector<16xi32>
      %shift_right_arithmetic3A_170 = arith.shrsi %add3A_167, %shift_right_arithmetic3A_169 : vector<16xi32>
      %and3A_171 = arith.constant 127 : i32
      %and3A_172 = vector.broadcast %and3A_171 : i32 to vector<16xi32>
      %and3A_173 = arith.andi %add3A_167, %and3A_172 : vector<16xi32>
      %gather3A_174 = tpu.vector_load_idx %arg5[%shift_right_arithmetic3A_170, %and3A_173] : memref<200x128xi32, #tpu.memory_space<vmem>>[vector<16xi32>, vector<16xi32>], vector<16xi32>,
      %swap3A_175 = arith.constant 0 : index
      %swap3A_176 = tpu.vector_load %arg7[%swap3A_175] {strides = array<i32>} : memref<128xi32, #tpu.memory_space<vmem>>, vector<16xi32>,
      tpu.vector_store %arg7[%swap3A_175], %gather3A_174 {strides = array<i32>} : memref<128xi32, #tpu.memory_space<vmem>>, vector<16xi32>,
      %mul3A_177 = arith.constant 50 : i32
      %mul3A_178 = vector.broadcast %mul3A_177 : i32 to vector<16xi32>
      %mul3A_179 = arith.muli %iota3A, %mul3A_178 : vector<16xi32>
      %add3A_180 = arith.constant 800 : i32
      %add3A_181 = arith.addi %mul3A_13, %add3A_180 : i32
      %add3A_182 = arith.constant 1 : i32
      %add3A_183 = arith.addi %add3A_181, %add3A_182 : i32
      %add3A_184 = vector.broadcast %add3A_183 : i32 to vector<16xi32>
      %add3A_185 = arith.addi %mul3A_179, %add3A_184 : vector<16xi32>
      %shift_right_arithmetic3A_186 = arith.constant 7 : i32
      %shift_right_arithmetic3A_187 = vector.broadcast %shift_right_arithmetic3A_186 : i32 to vector<16xi32>
      %shift_right_arithmetic3A_188 = arith.shrsi %add3A_185, %shift_right_arithmetic3A_187 : vector<16xi32>
      %and3A_189 = arith.constant 127 : i32
      %and3A_190 = vector.broadcast %and3A_189 : i32 to vector<16xi32>
      %and3A_191 = arith.andi %add3A_185, %and3A_190 : vector<16xi32>
      %gather3A_192 = tpu.vector_load_idx %arg5[%shift_right_arithmetic3A_188, %and3A_191] : memref<200x128xi32, #tpu.memory_space<vmem>>[vector<16xi32>, vector<16xi32>], vector<16xi32>,
      %swap3A_193 = arith.constant 16 : index
      %swap3A_194 = tpu.vector_load %arg7[%swap3A_193] {strides = array<i32>} : memref<128xi32, #tpu.memory_space<vmem>>, vector<16xi32>,
      tpu.vector_store %arg7[%swap3A_193], %gather3A_192 {strides = array<i32>} : memref<128xi32, #tpu.memory_space<vmem>>, vector<16xi32>,
      %mul3A_195 = arith.constant 50 : i32
      %mul3A_196 = vector.broadcast %mul3A_195 : i32 to vector<16xi32>
      %mul3A_197 = arith.muli %iota3A, %mul3A_196 : vector<16xi32>
      %add3A_198 = arith.constant 1600 : i32
      %add3A_199 = arith.addi %mul3A_13, %add3A_198 : i32
      %add3A_200 = arith.constant 1 : i32
      %add3A_201 = arith.addi %add3A_199, %add3A_200 : i32
      %add3A_202 = vector.broadcast %add3A_201 : i32 to vector<16xi32>
      %add3A_203 = arith.addi %mul3A_197, %add3A_202 : vector<16xi32>
      %shift_right_arithmetic3A_204 = arith.constant 7 : i32
      %shift_right_arithmetic3A_205 = vector.broadcast %shift_right_arithmetic3A_204 : i32 to vector<16xi32>
      %shift_right_arithmetic3A_206 = arith.shrsi %add3A_203, %shift_right_arithmetic3A_205 : vector<16xi32>
      %and3A_207 = arith.constant 127 : i32
      %and3A_208 = vector.broadcast %and3A_207 : i32 to vector<16xi32>
      %and3A_209 = arith.andi %add3A_203, %and3A_208 : vector<16xi32>
      %gather3A_210 = tpu.vector_load_idx %arg5[%shift_right_arithmetic3A_206, %and3A_209] : memref<200x128xi32, #tpu.memory_space<vmem>>[vector<16xi32>, vector<16xi32>], vector<16xi32>,
      %swap3A_211 = arith.constant 32 : index
      %swap3A_212 = tpu.vector_load %arg7[%swap3A_211] {strides = array<i32>} : memref<128xi32, #tpu.memory_space<vmem>>, vector<16xi32>,
      tpu.vector_store %arg7[%swap3A_211], %gather3A_210 {strides = array<i32>} : memref<128xi32, #tpu.memory_space<vmem>>, vector<16xi32>,
      %mul3A_213 = arith.constant 50 : i32
      %mul3A_214 = vector.broadcast %mul3A_213 : i32 to vector<16xi32>
      %mul3A_215 = arith.muli %iota3A, %mul3A_214 : vector<16xi32>
      %add3A_216 = arith.constant 2400 : i32
      %add3A_217 = arith.addi %mul3A_13, %add3A_216 : i32
      %add3A_218 = arith.constant 1 : i32
      %add3A_219 = arith.addi %add3A_217, %add3A_218 : i32
      %add3A_220 = vector.broadcast %add3A_219 : i32 to vector<16xi32>
      %add3A_221 = arith.addi %mul3A_215, %add3A_220 : vector<16xi32>
      %shift_right_arithmetic3A_222 = arith.constant 7 : i32
      %shift_right_arithmetic3A_223 = vector.broadcast %shift_right_arithmetic3A_222 : i32 to vector<16xi32>
      %shift_right_arithmetic3A_224 = arith.shrsi %add3A_221, %shift_right_arithmetic3A_223 : vector<16xi32>
      %and3A_225 = arith.constant 127 : i32
      %and3A_226 = vector.broadcast %and3A_225 : i32 to vector<16xi32>
      %and3A_227 = arith.andi %add3A_221, %and3A_226 : vector<16xi32>
      %gather3A_228 = tpu.vector_load_idx %arg5[%shift_right_arithmetic3A_224, %and3A_227] : memref<200x128xi32, #tpu.memory_space<vmem>>[vector<16xi32>, vector<16xi32>], vector<16xi32>,
      %swap3A_229 = arith.constant 48 : index
      %swap3A_230 = tpu.vector_load %arg7[%swap3A_229] {strides = array<i32>} : memref<128xi32, #tpu.memory_space<vmem>>, vector<16xi32>,
      tpu.vector_store %arg7[%swap3A_229], %gather3A_228 {strides = array<i32>} : memref<128xi32, #tpu.memory_space<vmem>>, vector<16xi32>,
      %mul3A_231 = arith.constant 50 : i32
      %mul3A_232 = vector.broadcast %mul3A_231 : i32 to vector<16xi32>
      %mul3A_233 = arith.muli %iota3A, %mul3A_232 : vector<16xi32>
      %add3A_234 = arith.constant 3200 : i32
      %add3A_235 = arith.addi %mul3A_13, %add3A_234 : i32
      %add3A_236 = arith.constant 1 : i32
      %add3A_237 = arith.addi %add3A_235, %add3A_236 : i32
      %add3A_238 = vector.broadcast %add3A_237 : i32 to vector<16xi32>
      %add3A_239 = arith.addi %mul3A_233, %add3A_238 : vector<16xi32>
      %shift_right_arithmetic3A_240 = arith.constant 7 : i32
      %shift_right_arithmetic3A_241 = vector.broadcast %shift_right_arithmetic3A_240 : i32 to vector<16xi32>
      %shift_right_arithmetic3A_242 = arith.shrsi %add3A_239, %shift_right_arithmetic3A_241 : vector<16xi32>
      %and3A_243 = arith.constant 127 : i32
      %and3A_244 = vector.broadcast %and3A_243 : i32 to vector<16xi32>
      %and3A_245 = arith.andi %add3A_239, %and3A_244 : vector<16xi32>
      %gather3A_246 = tpu.vector_load_idx %arg5[%shift_right_arithmetic3A_242, %and3A_245] : memref<200x128xi32, #tpu.memory_space<vmem>>[vector<16xi32>, vector<16xi32>], vector<16xi32>,
      %swap3A_247 = arith.constant 64 : index
      %swap3A_248 = tpu.vector_load %arg7[%swap3A_247] {strides = array<i32>} : memref<128xi32, #tpu.memory_space<vmem>>, vector<16xi32>,
      tpu.vector_store %arg7[%swap3A_247], %gather3A_246 {strides = array<i32>} : memref<128xi32, #tpu.memory_space<vmem>>, vector<16xi32>,
      %mul3A_249 = arith.constant 50 : i32
      %mul3A_250 = vector.broadcast %mul3A_249 : i32 to vector<16xi32>
      %mul3A_251 = arith.muli %iota3A, %mul3A_250 : vector<16xi32>
      %add3A_252 = arith.constant 4000 : i32
      %add3A_253 = arith.addi %mul3A_13, %add3A_252 : i32
      %add3A_254 = arith.constant 1 : i32
      %add3A_255 = arith.addi %add3A_253, %add3A_254 : i32
      %add3A_256 = vector.broadcast %add3A_255 : i32 to vector<16xi32>
      %add3A_257 = arith.addi %mul3A_251, %add3A_256 : vector<16xi32>
      %shift_right_arithmetic3A_258 = arith.constant 7 : i32
      %shift_right_arithmetic3A_259 = vector.broadcast %shift_right_arithmetic3A_258 : i32 to vector<16xi32>
      %shift_right_arithmetic3A_260 = arith.shrsi %add3A_257, %shift_right_arithmetic3A_259 : vector<16xi32>
      %and3A_261 = arith.constant 127 : i32
      %and3A_262 = vector.broadcast %and3A_261 : i32 to vector<16xi32>
      %and3A_263 = arith.andi %add3A_257, %and3A_262 : vector<16xi32>
      %gather3A_264 = tpu.vector_load_idx %arg5[%shift_right_arithmetic3A_260, %and3A_263] : memref<200x128xi32, #tpu.memory_space<vmem>>[vector<16xi32>, vector<16xi32>], vector<16xi32>,
      %swap3A_265 = arith.constant 80 : index
      %swap3A_266 = tpu.vector_load %arg7[%swap3A_265] {strides = array<i32>} : memref<128xi32, #tpu.memory_space<vmem>>, vector<16xi32>,
      tpu.vector_store %arg7[%swap3A_265], %gather3A_264 {strides = array<i32>} : memref<128xi32, #tpu.memory_space<vmem>>, vector<16xi32>,
      %mul3A_267 = arith.constant 50 : i32
      %mul3A_268 = vector.broadcast %mul3A_267 : i32 to vector<16xi32>
      %mul3A_269 = arith.muli %iota3A, %mul3A_268 : vector<16xi32>
      %add3A_270 = arith.constant 4800 : i32
      %add3A_271 = arith.addi %mul3A_13, %add3A_270 : i32
      %add3A_272 = arith.constant 1 : i32
      %add3A_273 = arith.addi %add3A_271, %add3A_272 : i32
      %add3A_274 = vector.broadcast %add3A_273 : i32 to vector<16xi32>
      %add3A_275 = arith.addi %mul3A_269, %add3A_274 : vector<16xi32>
      %shift_right_arithmetic3A_276 = arith.constant 7 : i32
      %shift_right_arithmetic3A_277 = vector.broadcast %shift_right_arithmetic3A_276 : i32 to vector<16xi32>
      %shift_right_arithmetic3A_278 = arith.shrsi %add3A_275, %shift_right_arithmetic3A_277 : vector<16xi32>
      %and3A_279 = arith.constant 127 : i32
      %and3A_280 = vector.broadcast %and3A_279 : i32 to vector<16xi32>
      %and3A_281 = arith.andi %add3A_275, %and3A_280 : vector<16xi32>
      %gather3A_282 = tpu.vector_load_idx %arg5[%shift_right_arithmetic3A_278, %and3A_281] : memref<200x128xi32, #tpu.memory_space<vmem>>[vector<16xi32>, vector<16xi32>], vector<16xi32>,
      %swap3A_283 = arith.constant 96 : index
      %swap3A_284 = tpu.vector_load %arg7[%swap3A_283] {strides = array<i32>} : memref<128xi32, #tpu.memory_space<vmem>>, vector<16xi32>,
      tpu.vector_store %arg7[%swap3A_283], %gather3A_282 {strides = array<i32>} : memref<128xi32, #tpu.memory_space<vmem>>, vector<16xi32>,
      %mul3A_285 = arith.constant 50 : i32
      %mul3A_286 = vector.broadcast %mul3A_285 : i32 to vector<16xi32>
      %mul3A_287 = arith.muli %iota3A, %mul3A_286 : vector<16xi32>
      %add3A_288 = arith.constant 5600 : i32
      %add3A_289 = arith.addi %mul3A_13, %add3A_288 : i32
      %add3A_290 = arith.constant 1 : i32
      %add3A_291 = arith.addi %add3A_289, %add3A_290 : i32
      %add3A_292 = vector.broadcast %add3A_291 : i32 to vector<16xi32>
      %add3A_293 = arith.addi %mul3A_287, %add3A_292 : vector<16xi32>
      %shift_right_arithmetic3A_294 = arith.constant 7 : i32
      %shift_right_arithmetic3A_295 = vector.broadcast %shift_right_arithmetic3A_294 : i32 to vector<16xi32>
      %shift_right_arithmetic3A_296 = arith.shrsi %add3A_293, %shift_right_arithmetic3A_295 : vector<16xi32>
      %and3A_297 = arith.constant 127 : i32
      %and3A_298 = vector.broadcast %and3A_297 : i32 to vector<16xi32>
      %and3A_299 = arith.andi %add3A_293, %and3A_298 : vector<16xi32>
      %gather3A_300 = tpu.vector_load_idx %arg5[%shift_right_arithmetic3A_296, %and3A_299] : memref<200x128xi32, #tpu.memory_space<vmem>>[vector<16xi32>, vector<16xi32>], vector<16xi32>,
      %swap3A_301 = arith.constant 112 : index
      %swap3A_302 = tpu.vector_load %arg7[%swap3A_301] {strides = array<i32>} : memref<128xi32, #tpu.memory_space<vmem>>, vector<16xi32>,
      tpu.vector_store %arg7[%swap3A_301], %gather3A_300 {strides = array<i32>} : memref<128xi32, #tpu.memory_space<vmem>>, vector<16xi32>,
      %dma_start3A_303 = arith.constant 1 : i32
      %dma_start3A_304 = arith.constant 0 : i32
      %dma_start3A_305 = arith.constant 0 : i32
      %dma_start3A_306 = tpu.memref_slice %arg3[%dma_start3A_304, %dma_start3A_305] : memref<1000000x128xf32, #tpu.memory_space<hbm>> -> memref<1000000x128xf32, #tpu.memory_space<hbm>>
      %dma_start3A_307 = tpu.memref_slice %arg12[%dma_start3A_303] : memref<2x!tpu.dma_semaphore, #tpu.memory_space<semaphore_mem>> -> memref<1x!tpu.dma_semaphore, #tpu.memory_space<semaphore_mem>>
      %dma_start3A_308 = tpu.memref_squeeze %dma_start3A_307 : memref<1x!tpu.dma_semaphore, #tpu.memory_space<semaphore_mem>> -> memref<!tpu.dma_semaphore, #tpu.memory_space<semaphore_mem>>
      tpu.enqueue_indirect_dma source(%dma_start3A_306 : memref<1000000x128xf32, #tpu.memory_space<hbm>>) target(%arg9 : memref<128x128xf32, #tpu.memory_space<vmem>>) offsets(%arg7 : memref<128xi32, #tpu.memory_space<vmem>>) semaphore(%dma_start3A_308 : memref<!tpu.dma_semaphore, #tpu.memory_space<semaphore_mem>>)
      %scan3A_309 = arith.constant 0 : i32
      %scan3A_310 = arith.constant 0 : i32
      %scan3A_311 = arith.constant 25 : i32
      %scan3A_312 = arith.addi %scan3A_310, %scan3A_311 : i32
      %scan3A_313 = arith.constant 1 : i32
      scf.for %scan3A_338 = %scan3A_310 to %scan3A_312 step %scan3A_313  : i32 {
        %mul3A_339 = arith.constant 2 : i32
        %mul3A_340 = arith.muli %scan3A_338, %mul3A_339 : i32
        %add3A_341 = arith.constant 0 : i32
        %add3A_342 = arith.addi %mul3A_340, %add3A_341 : i32
        %dma_wait3A_343 = arith.constant 0 : i32
        %dma_wait3A_344 = arith.constant 0 : i32
        %dma_wait3A_345 = arith.constant 0 : i32
        %dma_wait3A_346 = tpu.memref_slice %arg3[%dma_wait3A_344, %dma_wait3A_345] : memref<1000000x128xf32, #tpu.memory_space<hbm>> -> memref<1000000x128xf32, #tpu.memory_space<hbm>>
        %dma_wait3A_347 = tpu.memref_slice %arg12[%dma_wait3A_343] : memref<2x!tpu.dma_semaphore, #tpu.memory_space<semaphore_mem>> -> memref<1x!tpu.dma_semaphore, #tpu.memory_space<semaphore_mem>>
        %dma_wait3A_348 = tpu.memref_squeeze %dma_wait3A_347 : memref<1x!tpu.dma_semaphore, #tpu.memory_space<semaphore_mem>> -> memref<!tpu.dma_semaphore, #tpu.memory_space<semaphore_mem>>
        tpu.wait_indirect_dma semaphore(%dma_wait3A_348 : memref<!tpu.dma_semaphore, #tpu.memory_space<semaphore_mem>>) src(%dma_wait3A_346 : memref<1000000x128xf32, #tpu.memory_space<hbm>>) dst(%arg8 : memref<128x128xf32, #tpu.memory_space<vmem>>)
        %ge3A = arith.constant 2 : i32
        %ge3A_349 = arith.cmpi sge, %add3A_342, %ge3A : i32
        %convert_element_type3A = arith.extui %ge3A_349 : i1 to i32
        %cond3A = arith.constant 0 : i32
        %cond3A_350 = arith.cmpi ne, %convert_element_type3A, %cond3A : i32
        scf.if %cond3A_350 {
          %sub3A = arith.constant 2 : i32
          %sub3A_502 = arith.subi %add3A_342, %sub3A : i32
          %mul3A_503 = arith.constant 128 : i32
          %mul3A_504 = arith.muli %add3A_11, %mul3A_503 : i32
          %dma_wait3A_505 = arith.constant 0 : i32
          %dma_wait3A_506 = arith.constant 0 : i32
          %dma_wait3A_507 = tpu.memref_slice %arg4[%sub3A_502, %dma_wait3A_506, %mul3A_504] : memref<50x64x16384xf32, #tpu.memory_space<hbm>> -> memref<1x64x128xf32, #tpu.memory_space<hbm>>
          %dma_wait3A_508 = tpu.memref_squeeze %dma_wait3A_507 : memref<1x64x128xf32, #tpu.memory_space<hbm>> -> memref<64x128xf32, #tpu.memory_space<hbm>>
          %dma_wait3A_509 = tpu.memref_slice %arg13[%dma_wait3A_505] : memref<2x!tpu.dma_semaphore, #tpu.memory_space<semaphore_mem>> -> memref<1x!tpu.dma_semaphore, #tpu.memory_space<semaphore_mem>>
          %dma_wait3A_510 = tpu.memref_squeeze %dma_wait3A_509 : memref<1x!tpu.dma_semaphore, #tpu.memory_space<semaphore_mem>> -> memref<!tpu.dma_semaphore, #tpu.memory_space<semaphore_mem>>
          %dma_wait3A_511 = arith.constant 0 : i32
          %dma_wait3A_512 = tpu.memref_slice %arg4[%sub3A_502, %dma_wait3A_511, %mul3A_504] : memref<50x64x16384xf32, #tpu.memory_space<hbm>> -> memref<1x64x128xf32, #tpu.memory_space<hbm>>
          %dma_wait3A_513 = tpu.memref_squeeze %dma_wait3A_512 : memref<1x64x128xf32, #tpu.memory_space<hbm>> -> memref<64x128xf32, #tpu.memory_space<hbm>>
          tpu.wait_dma2 semaphore(%dma_wait3A_510 : memref<!tpu.dma_semaphore, #tpu.memory_space<semaphore_mem>>) src(%arg10 : memref<64x128xf32, #tpu.memory_space<vmem>>) dst(%dma_wait3A_513 : memref<64x128xf32, #tpu.memory_space<hbm>>)
        } else {
        }
        %mul3A_351 = arith.constant 0 : i32
        %mul3A_352 = vector.broadcast %mul3A_351 : i32 to vector<16xi32>
        %mul3A_353 = arith.muli %iota3A, %mul3A_352 : vector<16xi32>
        %add3A_354 = arith.constant 0 : i32
        %add3A_355 = vector.broadcast %add3A_354 : i32 to vector<16xi32>
        %add3A_356 = arith.addi %iota3A, %add3A_355 : vector<16xi32>
        %parallel_loop3A = arith.constant 0 : i32
        %parallel_loop3A_357 = arith.constant 64 : i32
        %parallel_loop3A_358 = arith.constant 1 : i32
        scf.for %parallel_loop3A_502 = %parallel_loop3A to %parallel_loop3A_357 step %parallel_loop3A_358  : i32 {
          %parallel_loop3A_503 = vector.broadcast %parallel_loop3A_502 : i32 to vector<16xi32>
          %parallel_loop3A_504 = arith.addi %mul3A_353, %parallel_loop3A_503 : vector<16xi32>
          %parallel_loop3A_505 = tpu.vector_load_idx %arg8[%add3A_356, %parallel_loop3A_504] : memref<128x128xf32, #tpu.memory_space<vmem>>[vector<16xi32>, vector<16xi32>], vector<16xf32>,
          %parallel_loop3A_506 = arith.index_cast %parallel_loop3A_502 : i32 to index
          %parallel_loop3A_507 = arith.constant 0 : index
          %parallel_loop3A_508 = tpu.vector_load %arg10[%parallel_loop3A_506, %parallel_loop3A_507] {strides = array<i32>} : memref<64x128xf32, #tpu.memory_space<vmem>>, vector<16xf32>,
          tpu.vector_store %arg10[%parallel_loop3A_506, %parallel_loop3A_507], %parallel_loop3A_505 {strides = array<i32>} : memref<64x128xf32, #tpu.memory_space<vmem>>, vector<16xf32>,
        } {sc.loop_unroll_factor = 16 : i64, sc.parallel_access}
        %add3A_359 = arith.constant 16 : i32
        %add3A_360 = vector.broadcast %add3A_359 : i32 to vector<16xi32>
        %add3A_361 = arith.addi %iota3A, %add3A_360 : vector<16xi32>
        %parallel_loop3A_362 = arith.constant 0 : i32
        %parallel_loop3A_363 = arith.constant 64 : i32
        %parallel_loop3A_364 = arith.constant 1 : i32
        scf.for %parallel_loop3A_502 = %parallel_loop3A_362 to %parallel_loop3A_363 step %parallel_loop3A_364  : i32 {
          %parallel_loop3A_503 = vector.broadcast %parallel_loop3A_502 : i32 to vector<16xi32>
          %parallel_loop3A_504 = arith.addi %mul3A_353, %parallel_loop3A_503 : vector<16xi32>
          %parallel_loop3A_505 = tpu.vector_load_idx %arg8[%add3A_361, %parallel_loop3A_504] : memref<128x128xf32, #tpu.memory_space<vmem>>[vector<16xi32>, vector<16xi32>], vector<16xf32>,
          %parallel_loop3A_506 = arith.index_cast %parallel_loop3A_502 : i32 to index
          %parallel_loop3A_507 = arith.constant 16 : index
          %parallel_loop3A_508 = tpu.vector_load %arg10[%parallel_loop3A_506, %parallel_loop3A_507] {strides = array<i32>} : memref<64x128xf32, #tpu.memory_space<vmem>>, vector<16xf32>,
          tpu.vector_store %arg10[%parallel_loop3A_506, %parallel_loop3A_507], %parallel_loop3A_505 {strides = array<i32>} : memref<64x128xf32, #tpu.memory_space<vmem>>, vector<16xf32>,
        } {sc.loop_unroll_factor = 16 : i64, sc.parallel_access}
        %add3A_365 = arith.constant 32 : i32
        %add3A_366 = vector.broadcast %add3A_365 : i32 to vector<16xi32>
        %add3A_367 = arith.addi %iota3A, %add3A_366 : vector<16xi32>
        %parallel_loop3A_368 = arith.constant 0 : i32
        %parallel_loop3A_369 = arith.constant 64 : i32
        %parallel_loop3A_370 = arith.constant 1 : i32
        scf.for %parallel_loop3A_502 = %parallel_loop3A_368 to %parallel_loop3A_369 step %parallel_loop3A_370  : i32 {
          %parallel_loop3A_503 = vector.broadcast %parallel_loop3A_502 : i32 to vector<16xi32>
          %parallel_loop3A_504 = arith.addi %mul3A_353, %parallel_loop3A_503 : vector<16xi32>
          %parallel_loop3A_505 = tpu.vector_load_idx %arg8[%add3A_367, %parallel_loop3A_504] : memref<128x128xf32, #tpu.memory_space<vmem>>[vector<16xi32>, vector<16xi32>], vector<16xf32>,
          %parallel_loop3A_506 = arith.index_cast %parallel_loop3A_502 : i32 to index
          %parallel_loop3A_507 = arith.constant 32 : index
          %parallel_loop3A_508 = tpu.vector_load %arg10[%parallel_loop3A_506, %parallel_loop3A_507] {strides = array<i32>} : memref<64x128xf32, #tpu.memory_space<vmem>>, vector<16xf32>,
          tpu.vector_store %arg10[%parallel_loop3A_506, %parallel_loop3A_507], %parallel_loop3A_505 {strides = array<i32>} : memref<64x128xf32, #tpu.memory_space<vmem>>, vector<16xf32>,
        } {sc.loop_unroll_factor = 16 : i64, sc.parallel_access}
        %add3A_371 = arith.constant 48 : i32
        %add3A_372 = vector.broadcast %add3A_371 : i32 to vector<16xi32>
        %add3A_373 = arith.addi %iota3A, %add3A_372 : vector<16xi32>
        %parallel_loop3A_374 = arith.constant 0 : i32
        %parallel_loop3A_375 = arith.constant 64 : i32
        %parallel_loop3A_376 = arith.constant 1 : i32
        scf.for %parallel_loop3A_502 = %parallel_loop3A_374 to %parallel_loop3A_375 step %parallel_loop3A_376  : i32 {
          %parallel_loop3A_503 = vector.broadcast %parallel_loop3A_502 : i32 to vector<16xi32>
          %parallel_loop3A_504 = arith.addi %mul3A_353, %parallel_loop3A_503 : vector<16xi32>
          %parallel_loop3A_505 = tpu.vector_load_idx %arg8[%add3A_373, %parallel_loop3A_504] : memref<128x128xf32, #tpu.memory_space<vmem>>[vector<16xi32>, vector<16xi32>], vector<16xf32>,
          %parallel_loop3A_506 = arith.index_cast %parallel_loop3A_502 : i32 to index
          %parallel_loop3A_507 = arith.constant 48 : index
          %parallel_loop3A_508 = tpu.vector_load %arg10[%parallel_loop3A_506, %parallel_loop3A_507] {strides = array<i32>} : memref<64x128xf32, #tpu.memory_space<vmem>>, vector<16xf32>,
          tpu.vector_store %arg10[%parallel_loop3A_506, %parallel_loop3A_507], %parallel_loop3A_505 {strides = array<i32>} : memref<64x128xf32, #tpu.memory_space<vmem>>, vector<16xf32>,
        } {sc.loop_unroll_factor = 16 : i64, sc.parallel_access}
        %add3A_377 = arith.constant 64 : i32
        %add3A_378 = vector.broadcast %add3A_377 : i32 to vector<16xi32>
        %add3A_379 = arith.addi %iota3A, %add3A_378 : vector<16xi32>
        %parallel_loop3A_380 = arith.constant 0 : i32
        %parallel_loop3A_381 = arith.constant 64 : i32
        %parallel_loop3A_382 = arith.constant 1 : i32
        scf.for %parallel_loop3A_502 = %parallel_loop3A_380 to %parallel_loop3A_381 step %parallel_loop3A_382  : i32 {
          %parallel_loop3A_503 = vector.broadcast %parallel_loop3A_502 : i32 to vector<16xi32>
          %parallel_loop3A_504 = arith.addi %mul3A_353, %parallel_loop3A_503 : vector<16xi32>
          %parallel_loop3A_505 = tpu.vector_load_idx %arg8[%add3A_379, %parallel_loop3A_504] : memref<128x128xf32, #tpu.memory_space<vmem>>[vector<16xi32>, vector<16xi32>], vector<16xf32>,
          %parallel_loop3A_506 = arith.index_cast %parallel_loop3A_502 : i32 to index
          %parallel_loop3A_507 = arith.constant 64 : index
          %parallel_loop3A_508 = tpu.vector_load %arg10[%parallel_loop3A_506, %parallel_loop3A_507] {strides = array<i32>} : memref<64x128xf32, #tpu.memory_space<vmem>>, vector<16xf32>,
          tpu.vector_store %arg10[%parallel_loop3A_506, %parallel_loop3A_507], %parallel_loop3A_505 {strides = array<i32>} : memref<64x128xf32, #tpu.memory_space<vmem>>, vector<16xf32>,
        } {sc.loop_unroll_factor = 16 : i64, sc.parallel_access}
        %add3A_383 = arith.constant 80 : i32
        %add3A_384 = vector.broadcast %add3A_383 : i32 to vector<16xi32>
        %add3A_385 = arith.addi %iota3A, %add3A_384 : vector<16xi32>
        %parallel_loop3A_386 = arith.constant 0 : i32
        %parallel_loop3A_387 = arith.constant 64 : i32
        %parallel_loop3A_388 = arith.constant 1 : i32
        scf.for %parallel_loop3A_502 = %parallel_loop3A_386 to %parallel_loop3A_387 step %parallel_loop3A_388  : i32 {
          %parallel_loop3A_503 = vector.broadcast %parallel_loop3A_502 : i32 to vector<16xi32>
          %parallel_loop3A_504 = arith.addi %mul3A_353, %parallel_loop3A_503 : vector<16xi32>
          %parallel_loop3A_505 = tpu.vector_load_idx %arg8[%add3A_385, %parallel_loop3A_504] : memref<128x128xf32, #tpu.memory_space<vmem>>[vector<16xi32>, vector<16xi32>], vector<16xf32>,
          %parallel_loop3A_506 = arith.index_cast %parallel_loop3A_502 : i32 to index
          %parallel_loop3A_507 = arith.constant 80 : index
          %parallel_loop3A_508 = tpu.vector_load %arg10[%parallel_loop3A_506, %parallel_loop3A_507] {strides = array<i32>} : memref<64x128xf32, #tpu.memory_space<vmem>>, vector<16xf32>,
          tpu.vector_store %arg10[%parallel_loop3A_506, %parallel_loop3A_507], %parallel_loop3A_505 {strides = array<i32>} : memref<64x128xf32, #tpu.memory_space<vmem>>, vector<16xf32>,
        } {sc.loop_unroll_factor = 16 : i64, sc.parallel_access}
        %add3A_389 = arith.constant 96 : i32
        %add3A_390 = vector.broadcast %add3A_389 : i32 to vector<16xi32>
        %add3A_391 = arith.addi %iota3A, %add3A_390 : vector<16xi32>
        %parallel_loop3A_392 = arith.constant 0 : i32
        %parallel_loop3A_393 = arith.constant 64 : i32
        %parallel_loop3A_394 = arith.constant 1 : i32
        scf.for %parallel_loop3A_502 = %parallel_loop3A_392 to %parallel_loop3A_393 step %parallel_loop3A_394  : i32 {
          %parallel_loop3A_503 = vector.broadcast %parallel_loop3A_502 : i32 to vector<16xi32>
          %parallel_loop3A_504 = arith.addi %mul3A_353, %parallel_loop3A_503 : vector<16xi32>
          %parallel_loop3A_505 = tpu.vector_load_idx %arg8[%add3A_391, %parallel_loop3A_504] : memref<128x128xf32, #tpu.memory_space<vmem>>[vector<16xi32>, vector<16xi32>], vector<16xf32>,
          %parallel_loop3A_506 = arith.index_cast %parallel_loop3A_502 : i32 to index
          %parallel_loop3A_507 = arith.constant 96 : index
          %parallel_loop3A_508 = tpu.vector_load %arg10[%parallel_loop3A_506, %parallel_loop3A_507] {strides = array<i32>} : memref<64x128xf32, #tpu.memory_space<vmem>>, vector<16xf32>,
          tpu.vector_store %arg10[%parallel_loop3A_506, %parallel_loop3A_507], %parallel_loop3A_505 {strides = array<i32>} : memref<64x128xf32, #tpu.memory_space<vmem>>, vector<16xf32>,
        } {sc.loop_unroll_factor = 16 : i64, sc.parallel_access}
        %add3A_395 = arith.constant 112 : i32
        %add3A_396 = vector.broadcast %add3A_395 : i32 to vector<16xi32>
        %add3A_397 = arith.addi %iota3A, %add3A_396 : vector<16xi32>
        %parallel_loop3A_398 = arith.constant 0 : i32
        %parallel_loop3A_399 = arith.constant 64 : i32
        %parallel_loop3A_400 = arith.constant 1 : i32
        scf.for %parallel_loop3A_502 = %parallel_loop3A_398 to %parallel_loop3A_399 step %parallel_loop3A_400  : i32 {
          %parallel_loop3A_503 = vector.broadcast %parallel_loop3A_502 : i32 to vector<16xi32>
          %parallel_loop3A_504 = arith.addi %mul3A_353, %parallel_loop3A_503 : vector<16xi32>
          %parallel_loop3A_505 = tpu.vector_load_idx %arg8[%add3A_397, %parallel_loop3A_504] : memref<128x128xf32, #tpu.memory_space<vmem>>[vector<16xi32>, vector<16xi32>], vector<16xf32>,
          %parallel_loop3A_506 = arith.index_cast %parallel_loop3A_502 : i32 to index
          %parallel_loop3A_507 = arith.constant 112 : index
          %parallel_loop3A_508 = tpu.vector_load %arg10[%parallel_loop3A_506, %parallel_loop3A_507] {strides = array<i32>} : memref<64x128xf32, #tpu.memory_space<vmem>>, vector<16xf32>,
          tpu.vector_store %arg10[%parallel_loop3A_506, %parallel_loop3A_507], %parallel_loop3A_505 {strides = array<i32>} : memref<64x128xf32, #tpu.memory_space<vmem>>, vector<16xf32>,
        } {sc.loop_unroll_factor = 16 : i64, sc.parallel_access}
        %mul3A_401 = arith.constant 128 : i32
        %mul3A_402 = arith.muli %add3A_11, %mul3A_401 : i32
        %dma_start3A_403 = arith.constant 0 : i32
        %dma_start3A_404 = arith.constant 0 : i32
        %dma_start3A_405 = tpu.memref_slice %arg4[%add3A_342, %dma_start3A_404, %mul3A_402] : memref<50x64x16384xf32, #tpu.memory_space<hbm>> -> memref<1x64x128xf32, #tpu.memory_space<hbm>>
        %dma_start3A_406 = tpu.memref_squeeze %dma_start3A_405 : memref<1x64x128xf32, #tpu.memory_space<hbm>> -> memref<64x128xf32, #tpu.memory_space<hbm>>
        %dma_start3A_407 = tpu.memref_slice %arg13[%dma_start3A_403] : memref<2x!tpu.dma_semaphore, #tpu.memory_space<semaphore_mem>> -> memref<1x!tpu.dma_semaphore, #tpu.memory_space<semaphore_mem>>
        %dma_start3A_408 = tpu.memref_squeeze %dma_start3A_407 : memref<1x!tpu.dma_semaphore, #tpu.memory_space<semaphore_mem>> -> memref<!tpu.dma_semaphore, #tpu.memory_space<semaphore_mem>>
        %dma_start3A_409 = arith.constant 0 : i32
        %dma_start3A_410 = tpu.memref_slice %arg4[%add3A_342, %dma_start3A_409, %mul3A_402] : memref<50x64x16384xf32, #tpu.memory_space<hbm>> -> memref<1x64x128xf32, #tpu.memory_space<hbm>>
        %dma_start3A_411 = tpu.memref_squeeze %dma_start3A_410 : memref<1x64x128xf32, #tpu.memory_space<hbm>> -> memref<64x128xf32, #tpu.memory_space<hbm>>
        tpu.enqueue_dma source(%arg10 : memref<64x128xf32, #tpu.memory_space<vmem>>) target(%dma_start3A_411 : memref<64x128xf32, #tpu.memory_space<hbm>>) target_semaphore(%dma_start3A_408 : memref<!tpu.dma_semaphore, #tpu.memory_space<semaphore_mem>>)
        %add3A_412 = arith.constant 2 : i32
        %add3A_413 = arith.addi %add3A_342, %add3A_412 : i32
        %lt3A = arith.constant 50 : i32
        %lt3A_414 = arith.cmpi slt, %add3A_413, %lt3A : i32
        %convert_element_type3A_415 = arith.extui %lt3A_414 : i1 to i32
        %cond3A_416 = arith.constant 0 : i32
        %cond3A_417 = arith.cmpi ne, %convert_element_type3A_415, %cond3A_416 : i32
        scf.if %cond3A_417 {
          %add3A_502 = arith.constant 2 : i32
          %add3A_503 = arith.addi %add3A_342, %add3A_502 : i32
          %mul3A_504 = arith.constant 50 : i32
          %mul3A_505 = vector.broadcast %mul3A_504 : i32 to vector<16xi32>
          %mul3A_506 = arith.muli %iota3A, %mul3A_505 : vector<16xi32>
          %add3A_507 = arith.constant 0 : i32
          %add3A_508 = arith.addi %mul3A_13, %add3A_507 : i32
          %add3A_509 = arith.addi %add3A_508, %add3A_503 : i32
          %add3A_510 = vector.broadcast %add3A_509 : i32 to vector<16xi32>
          %add3A_511 = arith.addi %mul3A_506, %add3A_510 : vector<16xi32>
          %shift_right_arithmetic3A_512 = arith.constant 7 : i32
          %shift_right_arithmetic3A_513 = vector.broadcast %shift_right_arithmetic3A_512 : i32 to vector<16xi32>
          %shift_right_arithmetic3A_514 = arith.shrsi %add3A_511, %shift_right_arithmetic3A_513 : vector<16xi32>
          %and3A_515 = arith.constant 127 : i32
          %and3A_516 = vector.broadcast %and3A_515 : i32 to vector<16xi32>
          %and3A_517 = arith.andi %add3A_511, %and3A_516 : vector<16xi32>
          %gather3A_518 = tpu.vector_load_idx %arg5[%shift_right_arithmetic3A_514, %and3A_517] : memref<200x128xi32, #tpu.memory_space<vmem>>[vector<16xi32>, vector<16xi32>], vector<16xi32>,
          %swap3A_519 = arith.constant 0 : index
          %swap3A_520 = tpu.vector_load %arg6[%swap3A_519] {strides = array<i32>} : memref<128xi32, #tpu.memory_space<vmem>>, vector<16xi32>,
          tpu.vector_store %arg6[%swap3A_519], %gather3A_518 {strides = array<i32>} : memref<128xi32, #tpu.memory_space<vmem>>, vector<16xi32>,
          %mul3A_521 = arith.constant 50 : i32
          %mul3A_522 = vector.broadcast %mul3A_521 : i32 to vector<16xi32>
          %mul3A_523 = arith.muli %iota3A, %mul3A_522 : vector<16xi32>
          %add3A_524 = arith.constant 800 : i32
          %add3A_525 = arith.addi %mul3A_13, %add3A_524 : i32
          %add3A_526 = arith.addi %add3A_525, %add3A_503 : i32
          %add3A_527 = vector.broadcast %add3A_526 : i32 to vector<16xi32>
          %add3A_528 = arith.addi %mul3A_523, %add3A_527 : vector<16xi32>
          %shift_right_arithmetic3A_529 = arith.constant 7 : i32
          %shift_right_arithmetic3A_530 = vector.broadcast %shift_right_arithmetic3A_529 : i32 to vector<16xi32>
          %shift_right_arithmetic3A_531 = arith.shrsi %add3A_528, %shift_right_arithmetic3A_530 : vector<16xi32>
          %and3A_532 = arith.constant 127 : i32
          %and3A_533 = vector.broadcast %and3A_532 : i32 to vector<16xi32>
          %and3A_534 = arith.andi %add3A_528, %and3A_533 : vector<16xi32>
          %gather3A_535 = tpu.vector_load_idx %arg5[%shift_right_arithmetic3A_531, %and3A_534] : memref<200x128xi32, #tpu.memory_space<vmem>>[vector<16xi32>, vector<16xi32>], vector<16xi32>,
          %swap3A_536 = arith.constant 16 : index
          %swap3A_537 = tpu.vector_load %arg6[%swap3A_536] {strides = array<i32>} : memref<128xi32, #tpu.memory_space<vmem>>, vector<16xi32>,
          tpu.vector_store %arg6[%swap3A_536], %gather3A_535 {strides = array<i32>} : memref<128xi32, #tpu.memory_space<vmem>>, vector<16xi32>,
          %mul3A_538 = arith.constant 50 : i32
          %mul3A_539 = vector.broadcast %mul3A_538 : i32 to vector<16xi32>
          %mul3A_540 = arith.muli %iota3A, %mul3A_539 : vector<16xi32>
          %add3A_541 = arith.constant 1600 : i32
          %add3A_542 = arith.addi %mul3A_13, %add3A_541 : i32
          %add3A_543 = arith.addi %add3A_542, %add3A_503 : i32
          %add3A_544 = vector.broadcast %add3A_543 : i32 to vector<16xi32>
          %add3A_545 = arith.addi %mul3A_540, %add3A_544 : vector<16xi32>
          %shift_right_arithmetic3A_546 = arith.constant 7 : i32
          %shift_right_arithmetic3A_547 = vector.broadcast %shift_right_arithmetic3A_546 : i32 to vector<16xi32>
          %shift_right_arithmetic3A_548 = arith.shrsi %add3A_545, %shift_right_arithmetic3A_547 : vector<16xi32>
          %and3A_549 = arith.constant 127 : i32
          %and3A_550 = vector.broadcast %and3A_549 : i32 to vector<16xi32>
          %and3A_551 = arith.andi %add3A_545, %and3A_550 : vector<16xi32>
          %gather3A_552 = tpu.vector_load_idx %arg5[%shift_right_arithmetic3A_548, %and3A_551] : memref<200x128xi32, #tpu.memory_space<vmem>>[vector<16xi32>, vector<16xi32>], vector<16xi32>,
          %swap3A_553 = arith.constant 32 : index
          %swap3A_554 = tpu.vector_load %arg6[%swap3A_553] {strides = array<i32>} : memref<128xi32, #tpu.memory_space<vmem>>, vector<16xi32>,
          tpu.vector_store %arg6[%swap3A_553], %gather3A_552 {strides = array<i32>} : memref<128xi32, #tpu.memory_space<vmem>>, vector<16xi32>,
          %mul3A_555 = arith.constant 50 : i32
          %mul3A_556 = vector.broadcast %mul3A_555 : i32 to vector<16xi32>
          %mul3A_557 = arith.muli %iota3A, %mul3A_556 : vector<16xi32>
          %add3A_558 = arith.constant 2400 : i32
          %add3A_559 = arith.addi %mul3A_13, %add3A_558 : i32
          %add3A_560 = arith.addi %add3A_559, %add3A_503 : i32
          %add3A_561 = vector.broadcast %add3A_560 : i32 to vector<16xi32>
          %add3A_562 = arith.addi %mul3A_557, %add3A_561 : vector<16xi32>
          %shift_right_arithmetic3A_563 = arith.constant 7 : i32
          %shift_right_arithmetic3A_564 = vector.broadcast %shift_right_arithmetic3A_563 : i32 to vector<16xi32>
          %shift_right_arithmetic3A_565 = arith.shrsi %add3A_562, %shift_right_arithmetic3A_564 : vector<16xi32>
          %and3A_566 = arith.constant 127 : i32
          %and3A_567 = vector.broadcast %and3A_566 : i32 to vector<16xi32>
          %and3A_568 = arith.andi %add3A_562, %and3A_567 : vector<16xi32>
          %gather3A_569 = tpu.vector_load_idx %arg5[%shift_right_arithmetic3A_565, %and3A_568] : memref<200x128xi32, #tpu.memory_space<vmem>>[vector<16xi32>, vector<16xi32>], vector<16xi32>,
          %swap3A_570 = arith.constant 48 : index
          %swap3A_571 = tpu.vector_load %arg6[%swap3A_570] {strides = array<i32>} : memref<128xi32, #tpu.memory_space<vmem>>, vector<16xi32>,
          tpu.vector_store %arg6[%swap3A_570], %gather3A_569 {strides = array<i32>} : memref<128xi32, #tpu.memory_space<vmem>>, vector<16xi32>,
          %mul3A_572 = arith.constant 50 : i32
          %mul3A_573 = vector.broadcast %mul3A_572 : i32 to vector<16xi32>
          %mul3A_574 = arith.muli %iota3A, %mul3A_573 : vector<16xi32>
          %add3A_575 = arith.constant 3200 : i32
          %add3A_576 = arith.addi %mul3A_13, %add3A_575 : i32
          %add3A_577 = arith.addi %add3A_576, %add3A_503 : i32
          %add3A_578 = vector.broadcast %add3A_577 : i32 to vector<16xi32>
          %add3A_579 = arith.addi %mul3A_574, %add3A_578 : vector<16xi32>
          %shift_right_arithmetic3A_580 = arith.constant 7 : i32
          %shift_right_arithmetic3A_581 = vector.broadcast %shift_right_arithmetic3A_580 : i32 to vector<16xi32>
          %shift_right_arithmetic3A_582 = arith.shrsi %add3A_579, %shift_right_arithmetic3A_581 : vector<16xi32>
          %and3A_583 = arith.constant 127 : i32
          %and3A_584 = vector.broadcast %and3A_583 : i32 to vector<16xi32>
          %and3A_585 = arith.andi %add3A_579, %and3A_584 : vector<16xi32>
          %gather3A_586 = tpu.vector_load_idx %arg5[%shift_right_arithmetic3A_582, %and3A_585] : memref<200x128xi32, #tpu.memory_space<vmem>>[vector<16xi32>, vector<16xi32>], vector<16xi32>,
          %swap3A_587 = arith.constant 64 : index
          %swap3A_588 = tpu.vector_load %arg6[%swap3A_587] {strides = array<i32>} : memref<128xi32, #tpu.memory_space<vmem>>, vector<16xi32>,
          tpu.vector_store %arg6[%swap3A_587], %gather3A_586 {strides = array<i32>} : memref<128xi32, #tpu.memory_space<vmem>>, vector<16xi32>,
          %mul3A_589 = arith.constant 50 : i32
          %mul3A_590 = vector.broadcast %mul3A_589 : i32 to vector<16xi32>
          %mul3A_591 = arith.muli %iota3A, %mul3A_590 : vector<16xi32>
          %add3A_592 = arith.constant 4000 : i32
          %add3A_593 = arith.addi %mul3A_13, %add3A_592 : i32
          %add3A_594 = arith.addi %add3A_593, %add3A_503 : i32
          %add3A_595 = vector.broadcast %add3A_594 : i32 to vector<16xi32>
          %add3A_596 = arith.addi %mul3A_591, %add3A_595 : vector<16xi32>
          %shift_right_arithmetic3A_597 = arith.constant 7 : i32
          %shift_right_arithmetic3A_598 = vector.broadcast %shift_right_arithmetic3A_597 : i32 to vector<16xi32>
          %shift_right_arithmetic3A_599 = arith.shrsi %add3A_596, %shift_right_arithmetic3A_598 : vector<16xi32>
          %and3A_600 = arith.constant 127 : i32
          %and3A_601 = vector.broadcast %and3A_600 : i32 to vector<16xi32>
          %and3A_602 = arith.andi %add3A_596, %and3A_601 : vector<16xi32>
          %gather3A_603 = tpu.vector_load_idx %arg5[%shift_right_arithmetic3A_599, %and3A_602] : memref<200x128xi32, #tpu.memory_space<vmem>>[vector<16xi32>, vector<16xi32>], vector<16xi32>,
          %swap3A_604 = arith.constant 80 : index
          %swap3A_605 = tpu.vector_load %arg6[%swap3A_604] {strides = array<i32>} : memref<128xi32, #tpu.memory_space<vmem>>, vector<16xi32>,
          tpu.vector_store %arg6[%swap3A_604], %gather3A_603 {strides = array<i32>} : memref<128xi32, #tpu.memory_space<vmem>>, vector<16xi32>,
          %mul3A_606 = arith.constant 50 : i32
          %mul3A_607 = vector.broadcast %mul3A_606 : i32 to vector<16xi32>
          %mul3A_608 = arith.muli %iota3A, %mul3A_607 : vector<16xi32>
          %add3A_609 = arith.constant 4800 : i32
          %add3A_610 = arith.addi %mul3A_13, %add3A_609 : i32
          %add3A_611 = arith.addi %add3A_610, %add3A_503 : i32
          %add3A_612 = vector.broadcast %add3A_611 : i32 to vector<16xi32>
          %add3A_613 = arith.addi %mul3A_608, %add3A_612 : vector<16xi32>
          %shift_right_arithmetic3A_614 = arith.constant 7 : i32
          %shift_right_arithmetic3A_615 = vector.broadcast %shift_right_arithmetic3A_614 : i32 to vector<16xi32>
          %shift_right_arithmetic3A_616 = arith.shrsi %add3A_613, %shift_right_arithmetic3A_615 : vector<16xi32>
          %and3A_617 = arith.constant 127 : i32
          %and3A_618 = vector.broadcast %and3A_617 : i32 to vector<16xi32>
          %and3A_619 = arith.andi %add3A_613, %and3A_618 : vector<16xi32>
          %gather3A_620 = tpu.vector_load_idx %arg5[%shift_right_arithmetic3A_616, %and3A_619] : memref<200x128xi32, #tpu.memory_space<vmem>>[vector<16xi32>, vector<16xi32>], vector<16xi32>,
          %swap3A_621 = arith.constant 96 : index
          %swap3A_622 = tpu.vector_load %arg6[%swap3A_621] {strides = array<i32>} : memref<128xi32, #tpu.memory_space<vmem>>, vector<16xi32>,
          tpu.vector_store %arg6[%swap3A_621], %gather3A_620 {strides = array<i32>} : memref<128xi32, #tpu.memory_space<vmem>>, vector<16xi32>,
          %mul3A_623 = arith.constant 50 : i32
          %mul3A_624 = vector.broadcast %mul3A_623 : i32 to vector<16xi32>
          %mul3A_625 = arith.muli %iota3A, %mul3A_624 : vector<16xi32>
          %add3A_626 = arith.constant 5600 : i32
          %add3A_627 = arith.addi %mul3A_13, %add3A_626 : i32
          %add3A_628 = arith.addi %add3A_627, %add3A_503 : i32
          %add3A_629 = vector.broadcast %add3A_628 : i32 to vector<16xi32>
          %add3A_630 = arith.addi %mul3A_625, %add3A_629 : vector<16xi32>
          %shift_right_arithmetic3A_631 = arith.constant 7 : i32
          %shift_right_arithmetic3A_632 = vector.broadcast %shift_right_arithmetic3A_631 : i32 to vector<16xi32>
          %shift_right_arithmetic3A_633 = arith.shrsi %add3A_630, %shift_right_arithmetic3A_632 : vector<16xi32>
          %and3A_634 = arith.constant 127 : i32
          %and3A_635 = vector.broadcast %and3A_634 : i32 to vector<16xi32>
          %and3A_636 = arith.andi %add3A_630, %and3A_635 : vector<16xi32>
          %gather3A_637 = tpu.vector_load_idx %arg5[%shift_right_arithmetic3A_633, %and3A_636] : memref<200x128xi32, #tpu.memory_space<vmem>>[vector<16xi32>, vector<16xi32>], vector<16xi32>,
          %swap3A_638 = arith.constant 112 : index
          %swap3A_639 = tpu.vector_load %arg6[%swap3A_638] {strides = array<i32>} : memref<128xi32, #tpu.memory_space<vmem>>, vector<16xi32>,
          tpu.vector_store %arg6[%swap3A_638], %gather3A_637 {strides = array<i32>} : memref<128xi32, #tpu.memory_space<vmem>>, vector<16xi32>,
          %dma_start3A_640 = arith.constant 0 : i32
          %dma_start3A_641 = arith.constant 0 : i32
          %dma_start3A_642 = arith.constant 0 : i32
          %dma_start3A_643 = tpu.memref_slice %arg3[%dma_start3A_641, %dma_start3A_642] : memref<1000000x128xf32, #tpu.memory_space<hbm>> -> memref<1000000x128xf32, #tpu.memory_space<hbm>>
          %dma_start3A_644 = tpu.memref_slice %arg12[%dma_start3A_640] : memref<2x!tpu.dma_semaphore, #tpu.memory_space<semaphore_mem>> -> memref<1x!tpu.dma_semaphore, #tpu.memory_space<semaphore_mem>>
          %dma_start3A_645 = tpu.memref_squeeze %dma_start3A_644 : memref<1x!tpu.dma_semaphore, #tpu.memory_space<semaphore_mem>> -> memref<!tpu.dma_semaphore, #tpu.memory_space<semaphore_mem>>
          tpu.enqueue_indirect_dma source(%dma_start3A_643 : memref<1000000x128xf32, #tpu.memory_space<hbm>>) target(%arg8 : memref<128x128xf32, #tpu.memory_space<vmem>>) offsets(%arg6 : memref<128xi32, #tpu.memory_space<vmem>>) semaphore(%dma_start3A_645 : memref<!tpu.dma_semaphore, #tpu.memory_space<semaphore_mem>>)
        } else {
        }
        %mul3A_418 = arith.constant 2 : i32
        %mul3A_419 = arith.muli %scan3A_338, %mul3A_418 : i32
        %add3A_420 = arith.constant 1 : i32
        %add3A_421 = arith.addi %mul3A_419, %add3A_420 : i32
        %dma_wait3A_422 = arith.constant 1 : i32
        %dma_wait3A_423 = arith.constant 0 : i32
        %dma_wait3A_424 = arith.constant 0 : i32
        %dma_wait3A_425 = tpu.memref_slice %arg3[%dma_wait3A_423, %dma_wait3A_424] : memref<1000000x128xf32, #tpu.memory_space<hbm>> -> memref<1000000x128xf32, #tpu.memory_space<hbm>>
        %dma_wait3A_426 = tpu.memref_slice %arg12[%dma_wait3A_422] : memref<2x!tpu.dma_semaphore, #tpu.memory_space<semaphore_mem>> -> memref<1x!tpu.dma_semaphore, #tpu.memory_space<semaphore_mem>>
        %dma_wait3A_427 = tpu.memref_squeeze %dma_wait3A_426 : memref<1x!tpu.dma_semaphore, #tpu.memory_space<semaphore_mem>> -> memref<!tpu.dma_semaphore, #tpu.memory_space<semaphore_mem>>
        tpu.wait_indirect_dma semaphore(%dma_wait3A_427 : memref<!tpu.dma_semaphore, #tpu.memory_space<semaphore_mem>>) src(%dma_wait3A_425 : memref<1000000x128xf32, #tpu.memory_space<hbm>>) dst(%arg9 : memref<128x128xf32, #tpu.memory_space<vmem>>)
        %ge3A_428 = arith.constant 2 : i32
        %ge3A_429 = arith.cmpi sge, %add3A_421, %ge3A_428 : i32
        %convert_element_type3A_430 = arith.extui %ge3A_429 : i1 to i32
        %cond3A_431 = arith.constant 0 : i32
        %cond3A_432 = arith.cmpi ne, %convert_element_type3A_430, %cond3A_431 : i32
        scf.if %cond3A_432 {
          %sub3A = arith.constant 2 : i32
          %sub3A_502 = arith.subi %add3A_421, %sub3A : i32
          %mul3A_503 = arith.constant 128 : i32
          %mul3A_504 = arith.muli %add3A_11, %mul3A_503 : i32
          %dma_wait3A_505 = arith.constant 1 : i32
          %dma_wait3A_506 = arith.constant 0 : i32
          %dma_wait3A_507 = tpu.memref_slice %arg4[%sub3A_502, %dma_wait3A_506, %mul3A_504] : memref<50x64x16384xf32, #tpu.memory_space<hbm>> -> memref<1x64x128xf32, #tpu.memory_space<hbm>>
          %dma_wait3A_508 = tpu.memref_squeeze %dma_wait3A_507 : memref<1x64x128xf32, #tpu.memory_space<hbm>> -> memref<64x128xf32, #tpu.memory_space<hbm>>
          %dma_wait3A_509 = tpu.memref_slice %arg13[%dma_wait3A_505] : memref<2x!tpu.dma_semaphore, #tpu.memory_space<semaphore_mem>> -> memref<1x!tpu.dma_semaphore, #tpu.memory_space<semaphore_mem>>
          %dma_wait3A_510 = tpu.memref_squeeze %dma_wait3A_509 : memref<1x!tpu.dma_semaphore, #tpu.memory_space<semaphore_mem>> -> memref<!tpu.dma_semaphore, #tpu.memory_space<semaphore_mem>>
          %dma_wait3A_511 = arith.constant 0 : i32
          %dma_wait3A_512 = tpu.memref_slice %arg4[%sub3A_502, %dma_wait3A_511, %mul3A_504] : memref<50x64x16384xf32, #tpu.memory_space<hbm>> -> memref<1x64x128xf32, #tpu.memory_space<hbm>>
          %dma_wait3A_513 = tpu.memref_squeeze %dma_wait3A_512 : memref<1x64x128xf32, #tpu.memory_space<hbm>> -> memref<64x128xf32, #tpu.memory_space<hbm>>
          tpu.wait_dma2 semaphore(%dma_wait3A_510 : memref<!tpu.dma_semaphore, #tpu.memory_space<semaphore_mem>>) src(%arg11 : memref<64x128xf32, #tpu.memory_space<vmem>>) dst(%dma_wait3A_513 : memref<64x128xf32, #tpu.memory_space<hbm>>)
        } else {
        }
        %mul3A_433 = arith.constant 0 : i32
        %mul3A_434 = vector.broadcast %mul3A_433 : i32 to vector<16xi32>
        %mul3A_435 = arith.muli %iota3A, %mul3A_434 : vector<16xi32>
        %add3A_436 = arith.constant 0 : i32
        %add3A_437 = vector.broadcast %add3A_436 : i32 to vector<16xi32>
        %add3A_438 = arith.addi %iota3A, %add3A_437 : vector<16xi32>
        %parallel_loop3A_439 = arith.constant 0 : i32
        %parallel_loop3A_440 = arith.constant 64 : i32
        %parallel_loop3A_441 = arith.constant 1 : i32
        scf.for %parallel_loop3A_502 = %parallel_loop3A_439 to %parallel_loop3A_440 step %parallel_loop3A_441  : i32 {
          %parallel_loop3A_503 = vector.broadcast %parallel_loop3A_502 : i32 to vector<16xi32>
          %parallel_loop3A_504 = arith.addi %mul3A_435, %parallel_loop3A_503 : vector<16xi32>
          %parallel_loop3A_505 = tpu.vector_load_idx %arg9[%add3A_438, %parallel_loop3A_504] : memref<128x128xf32, #tpu.memory_space<vmem>>[vector<16xi32>, vector<16xi32>], vector<16xf32>,
          %parallel_loop3A_506 = arith.index_cast %parallel_loop3A_502 : i32 to index
          %parallel_loop3A_507 = arith.constant 0 : index
          %parallel_loop3A_508 = tpu.vector_load %arg11[%parallel_loop3A_506, %parallel_loop3A_507] {strides = array<i32>} : memref<64x128xf32, #tpu.memory_space<vmem>>, vector<16xf32>,
          tpu.vector_store %arg11[%parallel_loop3A_506, %parallel_loop3A_507], %parallel_loop3A_505 {strides = array<i32>} : memref<64x128xf32, #tpu.memory_space<vmem>>, vector<16xf32>,
        } {sc.loop_unroll_factor = 16 : i64, sc.parallel_access}
        %add3A_442 = arith.constant 16 : i32
        %add3A_443 = vector.broadcast %add3A_442 : i32 to vector<16xi32>
        %add3A_444 = arith.addi %iota3A, %add3A_443 : vector<16xi32>
        %parallel_loop3A_445 = arith.constant 0 : i32
        %parallel_loop3A_446 = arith.constant 64 : i32
        %parallel_loop3A_447 = arith.constant 1 : i32
        scf.for %parallel_loop3A_502 = %parallel_loop3A_445 to %parallel_loop3A_446 step %parallel_loop3A_447  : i32 {
          %parallel_loop3A_503 = vector.broadcast %parallel_loop3A_502 : i32 to vector<16xi32>
          %parallel_loop3A_504 = arith.addi %mul3A_435, %parallel_loop3A_503 : vector<16xi32>
          %parallel_loop3A_505 = tpu.vector_load_idx %arg9[%add3A_444, %parallel_loop3A_504] : memref<128x128xf32, #tpu.memory_space<vmem>>[vector<16xi32>, vector<16xi32>], vector<16xf32>,
          %parallel_loop3A_506 = arith.index_cast %parallel_loop3A_502 : i32 to index
          %parallel_loop3A_507 = arith.constant 16 : index
          %parallel_loop3A_508 = tpu.vector_load %arg11[%parallel_loop3A_506, %parallel_loop3A_507] {strides = array<i32>} : memref<64x128xf32, #tpu.memory_space<vmem>>, vector<16xf32>,
          tpu.vector_store %arg11[%parallel_loop3A_506, %parallel_loop3A_507], %parallel_loop3A_505 {strides = array<i32>} : memref<64x128xf32, #tpu.memory_space<vmem>>, vector<16xf32>,
        } {sc.loop_unroll_factor = 16 : i64, sc.parallel_access}
        %add3A_448 = arith.constant 32 : i32
        %add3A_449 = vector.broadcast %add3A_448 : i32 to vector<16xi32>
        %add3A_450 = arith.addi %iota3A, %add3A_449 : vector<16xi32>
        %parallel_loop3A_451 = arith.constant 0 : i32
        %parallel_loop3A_452 = arith.constant 64 : i32
        %parallel_loop3A_453 = arith.constant 1 : i32
        scf.for %parallel_loop3A_502 = %parallel_loop3A_451 to %parallel_loop3A_452 step %parallel_loop3A_453  : i32 {
          %parallel_loop3A_503 = vector.broadcast %parallel_loop3A_502 : i32 to vector<16xi32>
          %parallel_loop3A_504 = arith.addi %mul3A_435, %parallel_loop3A_503 : vector<16xi32>
          %parallel_loop3A_505 = tpu.vector_load_idx %arg9[%add3A_450, %parallel_loop3A_504] : memref<128x128xf32, #tpu.memory_space<vmem>>[vector<16xi32>, vector<16xi32>], vector<16xf32>,
          %parallel_loop3A_506 = arith.index_cast %parallel_loop3A_502 : i32 to index
          %parallel_loop3A_507 = arith.constant 32 : index
          %parallel_loop3A_508 = tpu.vector_load %arg11[%parallel_loop3A_506, %parallel_loop3A_507] {strides = array<i32>} : memref<64x128xf32, #tpu.memory_space<vmem>>, vector<16xf32>,
          tpu.vector_store %arg11[%parallel_loop3A_506, %parallel_loop3A_507], %parallel_loop3A_505 {strides = array<i32>} : memref<64x128xf32, #tpu.memory_space<vmem>>, vector<16xf32>,
        } {sc.loop_unroll_factor = 16 : i64, sc.parallel_access}
        %add3A_454 = arith.constant 48 : i32
        %add3A_455 = vector.broadcast %add3A_454 : i32 to vector<16xi32>
        %add3A_456 = arith.addi %iota3A, %add3A_455 : vector<16xi32>
        %parallel_loop3A_457 = arith.constant 0 : i32
        %parallel_loop3A_458 = arith.constant 64 : i32
        %parallel_loop3A_459 = arith.constant 1 : i32
        scf.for %parallel_loop3A_502 = %parallel_loop3A_457 to %parallel_loop3A_458 step %parallel_loop3A_459  : i32 {
          %parallel_loop3A_503 = vector.broadcast %parallel_loop3A_502 : i32 to vector<16xi32>
          %parallel_loop3A_504 = arith.addi %mul3A_435, %parallel_loop3A_503 : vector<16xi32>
          %parallel_loop3A_505 = tpu.vector_load_idx %arg9[%add3A_456, %parallel_loop3A_504] : memref<128x128xf32, #tpu.memory_space<vmem>>[vector<16xi32>, vector<16xi32>], vector<16xf32>,
          %parallel_loop3A_506 = arith.index_cast %parallel_loop3A_502 : i32 to index
          %parallel_loop3A_507 = arith.constant 48 : index
          %parallel_loop3A_508 = tpu.vector_load %arg11[%parallel_loop3A_506, %parallel_loop3A_507] {strides = array<i32>} : memref<64x128xf32, #tpu.memory_space<vmem>>, vector<16xf32>,
          tpu.vector_store %arg11[%parallel_loop3A_506, %parallel_loop3A_507], %parallel_loop3A_505 {strides = array<i32>} : memref<64x128xf32, #tpu.memory_space<vmem>>, vector<16xf32>,
        } {sc.loop_unroll_factor = 16 : i64, sc.parallel_access}
        %add3A_460 = arith.constant 64 : i32
        %add3A_461 = vector.broadcast %add3A_460 : i32 to vector<16xi32>
        %add3A_462 = arith.addi %iota3A, %add3A_461 : vector<16xi32>
        %parallel_loop3A_463 = arith.constant 0 : i32
        %parallel_loop3A_464 = arith.constant 64 : i32
        %parallel_loop3A_465 = arith.constant 1 : i32
        scf.for %parallel_loop3A_502 = %parallel_loop3A_463 to %parallel_loop3A_464 step %parallel_loop3A_465  : i32 {
          %parallel_loop3A_503 = vector.broadcast %parallel_loop3A_502 : i32 to vector<16xi32>
          %parallel_loop3A_504 = arith.addi %mul3A_435, %parallel_loop3A_503 : vector<16xi32>
          %parallel_loop3A_505 = tpu.vector_load_idx %arg9[%add3A_462, %parallel_loop3A_504] : memref<128x128xf32, #tpu.memory_space<vmem>>[vector<16xi32>, vector<16xi32>], vector<16xf32>,
          %parallel_loop3A_506 = arith.index_cast %parallel_loop3A_502 : i32 to index
          %parallel_loop3A_507 = arith.constant 64 : index
          %parallel_loop3A_508 = tpu.vector_load %arg11[%parallel_loop3A_506, %parallel_loop3A_507] {strides = array<i32>} : memref<64x128xf32, #tpu.memory_space<vmem>>, vector<16xf32>,
          tpu.vector_store %arg11[%parallel_loop3A_506, %parallel_loop3A_507], %parallel_loop3A_505 {strides = array<i32>} : memref<64x128xf32, #tpu.memory_space<vmem>>, vector<16xf32>,
        } {sc.loop_unroll_factor = 16 : i64, sc.parallel_access}
        %add3A_466 = arith.constant 80 : i32
        %add3A_467 = vector.broadcast %add3A_466 : i32 to vector<16xi32>
        %add3A_468 = arith.addi %iota3A, %add3A_467 : vector<16xi32>
        %parallel_loop3A_469 = arith.constant 0 : i32
        %parallel_loop3A_470 = arith.constant 64 : i32
        %parallel_loop3A_471 = arith.constant 1 : i32
        scf.for %parallel_loop3A_502 = %parallel_loop3A_469 to %parallel_loop3A_470 step %parallel_loop3A_471  : i32 {
          %parallel_loop3A_503 = vector.broadcast %parallel_loop3A_502 : i32 to vector<16xi32>
          %parallel_loop3A_504 = arith.addi %mul3A_435, %parallel_loop3A_503 : vector<16xi32>
          %parallel_loop3A_505 = tpu.vector_load_idx %arg9[%add3A_468, %parallel_loop3A_504] : memref<128x128xf32, #tpu.memory_space<vmem>>[vector<16xi32>, vector<16xi32>], vector<16xf32>,
          %parallel_loop3A_506 = arith.index_cast %parallel_loop3A_502 : i32 to index
          %parallel_loop3A_507 = arith.constant 80 : index
          %parallel_loop3A_508 = tpu.vector_load %arg11[%parallel_loop3A_506, %parallel_loop3A_507] {strides = array<i32>} : memref<64x128xf32, #tpu.memory_space<vmem>>, vector<16xf32>,
          tpu.vector_store %arg11[%parallel_loop3A_506, %parallel_loop3A_507], %parallel_loop3A_505 {strides = array<i32>} : memref<64x128xf32, #tpu.memory_space<vmem>>, vector<16xf32>,
        } {sc.loop_unroll_factor = 16 : i64, sc.parallel_access}
        %add3A_472 = arith.constant 96 : i32
        %add3A_473 = vector.broadcast %add3A_472 : i32 to vector<16xi32>
        %add3A_474 = arith.addi %iota3A, %add3A_473 : vector<16xi32>
        %parallel_loop3A_475 = arith.constant 0 : i32
        %parallel_loop3A_476 = arith.constant 64 : i32
        %parallel_loop3A_477 = arith.constant 1 : i32
        scf.for %parallel_loop3A_502 = %parallel_loop3A_475 to %parallel_loop3A_476 step %parallel_loop3A_477  : i32 {
          %parallel_loop3A_503 = vector.broadcast %parallel_loop3A_502 : i32 to vector<16xi32>
          %parallel_loop3A_504 = arith.addi %mul3A_435, %parallel_loop3A_503 : vector<16xi32>
          %parallel_loop3A_505 = tpu.vector_load_idx %arg9[%add3A_474, %parallel_loop3A_504] : memref<128x128xf32, #tpu.memory_space<vmem>>[vector<16xi32>, vector<16xi32>], vector<16xf32>,
          %parallel_loop3A_506 = arith.index_cast %parallel_loop3A_502 : i32 to index
          %parallel_loop3A_507 = arith.constant 96 : index
          %parallel_loop3A_508 = tpu.vector_load %arg11[%parallel_loop3A_506, %parallel_loop3A_507] {strides = array<i32>} : memref<64x128xf32, #tpu.memory_space<vmem>>, vector<16xf32>,
          tpu.vector_store %arg11[%parallel_loop3A_506, %parallel_loop3A_507], %parallel_loop3A_505 {strides = array<i32>} : memref<64x128xf32, #tpu.memory_space<vmem>>, vector<16xf32>,
        } {sc.loop_unroll_factor = 16 : i64, sc.parallel_access}
        %add3A_478 = arith.constant 112 : i32
        %add3A_479 = vector.broadcast %add3A_478 : i32 to vector<16xi32>
        %add3A_480 = arith.addi %iota3A, %add3A_479 : vector<16xi32>
        %parallel_loop3A_481 = arith.constant 0 : i32
        %parallel_loop3A_482 = arith.constant 64 : i32
        %parallel_loop3A_483 = arith.constant 1 : i32
        scf.for %parallel_loop3A_502 = %parallel_loop3A_481 to %parallel_loop3A_482 step %parallel_loop3A_483  : i32 {
          %parallel_loop3A_503 = vector.broadcast %parallel_loop3A_502 : i32 to vector<16xi32>
          %parallel_loop3A_504 = arith.addi %mul3A_435, %parallel_loop3A_503 : vector<16xi32>
          %parallel_loop3A_505 = tpu.vector_load_idx %arg9[%add3A_480, %parallel_loop3A_504] : memref<128x128xf32, #tpu.memory_space<vmem>>[vector<16xi32>, vector<16xi32>], vector<16xf32>,
          %parallel_loop3A_506 = arith.index_cast %parallel_loop3A_502 : i32 to index
          %parallel_loop3A_507 = arith.constant 112 : index
          %parallel_loop3A_508 = tpu.vector_load %arg11[%parallel_loop3A_506, %parallel_loop3A_507] {strides = array<i32>} : memref<64x128xf32, #tpu.memory_space<vmem>>, vector<16xf32>,
          tpu.vector_store %arg11[%parallel_loop3A_506, %parallel_loop3A_507], %parallel_loop3A_505 {strides = array<i32>} : memref<64x128xf32, #tpu.memory_space<vmem>>, vector<16xf32>,
        } {sc.loop_unroll_factor = 16 : i64, sc.parallel_access}
        %mul3A_484 = arith.constant 128 : i32
        %mul3A_485 = arith.muli %add3A_11, %mul3A_484 : i32
        %dma_start3A_486 = arith.constant 1 : i32
        %dma_start3A_487 = arith.constant 0 : i32
        %dma_start3A_488 = tpu.memref_slice %arg4[%add3A_421, %dma_start3A_487, %mul3A_485] : memref<50x64x16384xf32, #tpu.memory_space<hbm>> -> memref<1x64x128xf32, #tpu.memory_space<hbm>>
        %dma_start3A_489 = tpu.memref_squeeze %dma_start3A_488 : memref<1x64x128xf32, #tpu.memory_space<hbm>> -> memref<64x128xf32, #tpu.memory_space<hbm>>
        %dma_start3A_490 = tpu.memref_slice %arg13[%dma_start3A_486] : memref<2x!tpu.dma_semaphore, #tpu.memory_space<semaphore_mem>> -> memref<1x!tpu.dma_semaphore, #tpu.memory_space<semaphore_mem>>
        %dma_start3A_491 = tpu.memref_squeeze %dma_start3A_490 : memref<1x!tpu.dma_semaphore, #tpu.memory_space<semaphore_mem>> -> memref<!tpu.dma_semaphore, #tpu.memory_space<semaphore_mem>>
        %dma_start3A_492 = arith.constant 0 : i32
        %dma_start3A_493 = tpu.memref_slice %arg4[%add3A_421, %dma_start3A_492, %mul3A_485] : memref<50x64x16384xf32, #tpu.memory_space<hbm>> -> memref<1x64x128xf32, #tpu.memory_space<hbm>>
        %dma_start3A_494 = tpu.memref_squeeze %dma_start3A_493 : memref<1x64x128xf32, #tpu.memory_space<hbm>> -> memref<64x128xf32, #tpu.memory_space<hbm>>
        tpu.enqueue_dma source(%arg11 : memref<64x128xf32, #tpu.memory_space<vmem>>) target(%dma_start3A_494 : memref<64x128xf32, #tpu.memory_space<hbm>>) target_semaphore(%dma_start3A_491 : memref<!tpu.dma_semaphore, #tpu.memory_space<semaphore_mem>>)
        %add3A_495 = arith.constant 2 : i32
        %add3A_496 = arith.addi %add3A_421, %add3A_495 : i32
        %lt3A_497 = arith.constant 50 : i32
        %lt3A_498 = arith.cmpi slt, %add3A_496, %lt3A_497 : i32
        %convert_element_type3A_499 = arith.extui %lt3A_498 : i1 to i32
        %cond3A_500 = arith.constant 0 : i32
        %cond3A_501 = arith.cmpi ne, %convert_element_type3A_499, %cond3A_500 : i32
        scf.if %cond3A_501 {
          %add3A_502 = arith.constant 2 : i32
          %add3A_503 = arith.addi %add3A_421, %add3A_502 : i32
          %mul3A_504 = arith.constant 50 : i32
          %mul3A_505 = vector.broadcast %mul3A_504 : i32 to vector<16xi32>
          %mul3A_506 = arith.muli %iota3A, %mul3A_505 : vector<16xi32>
          %add3A_507 = arith.constant 0 : i32
          %add3A_508 = arith.addi %mul3A_13, %add3A_507 : i32
          %add3A_509 = arith.addi %add3A_508, %add3A_503 : i32
          %add3A_510 = vector.broadcast %add3A_509 : i32 to vector<16xi32>
          %add3A_511 = arith.addi %mul3A_506, %add3A_510 : vector<16xi32>
          %shift_right_arithmetic3A_512 = arith.constant 7 : i32
          %shift_right_arithmetic3A_513 = vector.broadcast %shift_right_arithmetic3A_512 : i32 to vector<16xi32>
          %shift_right_arithmetic3A_514 = arith.shrsi %add3A_511, %shift_right_arithmetic3A_513 : vector<16xi32>
          %and3A_515 = arith.constant 127 : i32
          %and3A_516 = vector.broadcast %and3A_515 : i32 to vector<16xi32>
          %and3A_517 = arith.andi %add3A_511, %and3A_516 : vector<16xi32>
          %gather3A_518 = tpu.vector_load_idx %arg5[%shift_right_arithmetic3A_514, %and3A_517] : memref<200x128xi32, #tpu.memory_space<vmem>>[vector<16xi32>, vector<16xi32>], vector<16xi32>,
          %swap3A_519 = arith.constant 0 : index
          %swap3A_520 = tpu.vector_load %arg7[%swap3A_519] {strides = array<i32>} : memref<128xi32, #tpu.memory_space<vmem>>, vector<16xi32>,
          tpu.vector_store %arg7[%swap3A_519], %gather3A_518 {strides = array<i32>} : memref<128xi32, #tpu.memory_space<vmem>>, vector<16xi32>,
          %mul3A_521 = arith.constant 50 : i32
          %mul3A_522 = vector.broadcast %mul3A_521 : i32 to vector<16xi32>
          %mul3A_523 = arith.muli %iota3A, %mul3A_522 : vector<16xi32>
          %add3A_524 = arith.constant 800 : i32
          %add3A_525 = arith.addi %mul3A_13, %add3A_524 : i32
          %add3A_526 = arith.addi %add3A_525, %add3A_503 : i32
          %add3A_527 = vector.broadcast %add3A_526 : i32 to vector<16xi32>
          %add3A_528 = arith.addi %mul3A_523, %add3A_527 : vector<16xi32>
          %shift_right_arithmetic3A_529 = arith.constant 7 : i32
          %shift_right_arithmetic3A_530 = vector.broadcast %shift_right_arithmetic3A_529 : i32 to vector<16xi32>
          %shift_right_arithmetic3A_531 = arith.shrsi %add3A_528, %shift_right_arithmetic3A_530 : vector<16xi32>
          %and3A_532 = arith.constant 127 : i32
          %and3A_533 = vector.broadcast %and3A_532 : i32 to vector<16xi32>
          %and3A_534 = arith.andi %add3A_528, %and3A_533 : vector<16xi32>
          %gather3A_535 = tpu.vector_load_idx %arg5[%shift_right_arithmetic3A_531, %and3A_534] : memref<200x128xi32, #tpu.memory_space<vmem>>[vector<16xi32>, vector<16xi32>], vector<16xi32>,
          %swap3A_536 = arith.constant 16 : index
          %swap3A_537 = tpu.vector_load %arg7[%swap3A_536] {strides = array<i32>} : memref<128xi32, #tpu.memory_space<vmem>>, vector<16xi32>,
          tpu.vector_store %arg7[%swap3A_536], %gather3A_535 {strides = array<i32>} : memref<128xi32, #tpu.memory_space<vmem>>, vector<16xi32>,
          %mul3A_538 = arith.constant 50 : i32
          %mul3A_539 = vector.broadcast %mul3A_538 : i32 to vector<16xi32>
          %mul3A_540 = arith.muli %iota3A, %mul3A_539 : vector<16xi32>
          %add3A_541 = arith.constant 1600 : i32
          %add3A_542 = arith.addi %mul3A_13, %add3A_541 : i32
          %add3A_543 = arith.addi %add3A_542, %add3A_503 : i32
          %add3A_544 = vector.broadcast %add3A_543 : i32 to vector<16xi32>
          %add3A_545 = arith.addi %mul3A_540, %add3A_544 : vector<16xi32>
          %shift_right_arithmetic3A_546 = arith.constant 7 : i32
          %shift_right_arithmetic3A_547 = vector.broadcast %shift_right_arithmetic3A_546 : i32 to vector<16xi32>
          %shift_right_arithmetic3A_548 = arith.shrsi %add3A_545, %shift_right_arithmetic3A_547 : vector<16xi32>
          %and3A_549 = arith.constant 127 : i32
          %and3A_550 = vector.broadcast %and3A_549 : i32 to vector<16xi32>
          %and3A_551 = arith.andi %add3A_545, %and3A_550 : vector<16xi32>
          %gather3A_552 = tpu.vector_load_idx %arg5[%shift_right_arithmetic3A_548, %and3A_551] : memref<200x128xi32, #tpu.memory_space<vmem>>[vector<16xi32>, vector<16xi32>], vector<16xi32>,
          %swap3A_553 = arith.constant 32 : index
          %swap3A_554 = tpu.vector_load %arg7[%swap3A_553] {strides = array<i32>} : memref<128xi32, #tpu.memory_space<vmem>>, vector<16xi32>,
          tpu.vector_store %arg7[%swap3A_553], %gather3A_552 {strides = array<i32>} : memref<128xi32, #tpu.memory_space<vmem>>, vector<16xi32>,
          %mul3A_555 = arith.constant 50 : i32
          %mul3A_556 = vector.broadcast %mul3A_555 : i32 to vector<16xi32>
          %mul3A_557 = arith.muli %iota3A, %mul3A_556 : vector<16xi32>
          %add3A_558 = arith.constant 2400 : i32
          %add3A_559 = arith.addi %mul3A_13, %add3A_558 : i32
          %add3A_560 = arith.addi %add3A_559, %add3A_503 : i32
          %add3A_561 = vector.broadcast %add3A_560 : i32 to vector<16xi32>
          %add3A_562 = arith.addi %mul3A_557, %add3A_561 : vector<16xi32>
          %shift_right_arithmetic3A_563 = arith.constant 7 : i32
          %shift_right_arithmetic3A_564 = vector.broadcast %shift_right_arithmetic3A_563 : i32 to vector<16xi32>
          %shift_right_arithmetic3A_565 = arith.shrsi %add3A_562, %shift_right_arithmetic3A_564 : vector<16xi32>
          %and3A_566 = arith.constant 127 : i32
          %and3A_567 = vector.broadcast %and3A_566 : i32 to vector<16xi32>
          %and3A_568 = arith.andi %add3A_562, %and3A_567 : vector<16xi32>
          %gather3A_569 = tpu.vector_load_idx %arg5[%shift_right_arithmetic3A_565, %and3A_568] : memref<200x128xi32, #tpu.memory_space<vmem>>[vector<16xi32>, vector<16xi32>], vector<16xi32>,
          %swap3A_570 = arith.constant 48 : index
          %swap3A_571 = tpu.vector_load %arg7[%swap3A_570] {strides = array<i32>} : memref<128xi32, #tpu.memory_space<vmem>>, vector<16xi32>,
          tpu.vector_store %arg7[%swap3A_570], %gather3A_569 {strides = array<i32>} : memref<128xi32, #tpu.memory_space<vmem>>, vector<16xi32>,
          %mul3A_572 = arith.constant 50 : i32
          %mul3A_573 = vector.broadcast %mul3A_572 : i32 to vector<16xi32>
          %mul3A_574 = arith.muli %iota3A, %mul3A_573 : vector<16xi32>
          %add3A_575 = arith.constant 3200 : i32
          %add3A_576 = arith.addi %mul3A_13, %add3A_575 : i32
          %add3A_577 = arith.addi %add3A_576, %add3A_503 : i32
          %add3A_578 = vector.broadcast %add3A_577 : i32 to vector<16xi32>
          %add3A_579 = arith.addi %mul3A_574, %add3A_578 : vector<16xi32>
          %shift_right_arithmetic3A_580 = arith.constant 7 : i32
          %shift_right_arithmetic3A_581 = vector.broadcast %shift_right_arithmetic3A_580 : i32 to vector<16xi32>
          %shift_right_arithmetic3A_582 = arith.shrsi %add3A_579, %shift_right_arithmetic3A_581 : vector<16xi32>
          %and3A_583 = arith.constant 127 : i32
          %and3A_584 = vector.broadcast %and3A_583 : i32 to vector<16xi32>
          %and3A_585 = arith.andi %add3A_579, %and3A_584 : vector<16xi32>
          %gather3A_586 = tpu.vector_load_idx %arg5[%shift_right_arithmetic3A_582, %and3A_585] : memref<200x128xi32, #tpu.memory_space<vmem>>[vector<16xi32>, vector<16xi32>], vector<16xi32>,
          %swap3A_587 = arith.constant 64 : index
          %swap3A_588 = tpu.vector_load %arg7[%swap3A_587] {strides = array<i32>} : memref<128xi32, #tpu.memory_space<vmem>>, vector<16xi32>,
          tpu.vector_store %arg7[%swap3A_587], %gather3A_586 {strides = array<i32>} : memref<128xi32, #tpu.memory_space<vmem>>, vector<16xi32>,
          %mul3A_589 = arith.constant 50 : i32
          %mul3A_590 = vector.broadcast %mul3A_589 : i32 to vector<16xi32>
          %mul3A_591 = arith.muli %iota3A, %mul3A_590 : vector<16xi32>
          %add3A_592 = arith.constant 4000 : i32
          %add3A_593 = arith.addi %mul3A_13, %add3A_592 : i32
          %add3A_594 = arith.addi %add3A_593, %add3A_503 : i32
          %add3A_595 = vector.broadcast %add3A_594 : i32 to vector<16xi32>
          %add3A_596 = arith.addi %mul3A_591, %add3A_595 : vector<16xi32>
          %shift_right_arithmetic3A_597 = arith.constant 7 : i32
          %shift_right_arithmetic3A_598 = vector.broadcast %shift_right_arithmetic3A_597 : i32 to vector<16xi32>
          %shift_right_arithmetic3A_599 = arith.shrsi %add3A_596, %shift_right_arithmetic3A_598 : vector<16xi32>
          %and3A_600 = arith.constant 127 : i32
          %and3A_601 = vector.broadcast %and3A_600 : i32 to vector<16xi32>
          %and3A_602 = arith.andi %add3A_596, %and3A_601 : vector<16xi32>
          %gather3A_603 = tpu.vector_load_idx %arg5[%shift_right_arithmetic3A_599, %and3A_602] : memref<200x128xi32, #tpu.memory_space<vmem>>[vector<16xi32>, vector<16xi32>], vector<16xi32>,
          %swap3A_604 = arith.constant 80 : index
          %swap3A_605 = tpu.vector_load %arg7[%swap3A_604] {strides = array<i32>} : memref<128xi32, #tpu.memory_space<vmem>>, vector<16xi32>,
          tpu.vector_store %arg7[%swap3A_604], %gather3A_603 {strides = array<i32>} : memref<128xi32, #tpu.memory_space<vmem>>, vector<16xi32>,
          %mul3A_606 = arith.constant 50 : i32
          %mul3A_607 = vector.broadcast %mul3A_606 : i32 to vector<16xi32>
          %mul3A_608 = arith.muli %iota3A, %mul3A_607 : vector<16xi32>
          %add3A_609 = arith.constant 4800 : i32
          %add3A_610 = arith.addi %mul3A_13, %add3A_609 : i32
          %add3A_611 = arith.addi %add3A_610, %add3A_503 : i32
          %add3A_612 = vector.broadcast %add3A_611 : i32 to vector<16xi32>
          %add3A_613 = arith.addi %mul3A_608, %add3A_612 : vector<16xi32>
          %shift_right_arithmetic3A_614 = arith.constant 7 : i32
          %shift_right_arithmetic3A_615 = vector.broadcast %shift_right_arithmetic3A_614 : i32 to vector<16xi32>
          %shift_right_arithmetic3A_616 = arith.shrsi %add3A_613, %shift_right_arithmetic3A_615 : vector<16xi32>
          %and3A_617 = arith.constant 127 : i32
          %and3A_618 = vector.broadcast %and3A_617 : i32 to vector<16xi32>
          %and3A_619 = arith.andi %add3A_613, %and3A_618 : vector<16xi32>
          %gather3A_620 = tpu.vector_load_idx %arg5[%shift_right_arithmetic3A_616, %and3A_619] : memref<200x128xi32, #tpu.memory_space<vmem>>[vector<16xi32>, vector<16xi32>], vector<16xi32>,
          %swap3A_621 = arith.constant 96 : index
          %swap3A_622 = tpu.vector_load %arg7[%swap3A_621] {strides = array<i32>} : memref<128xi32, #tpu.memory_space<vmem>>, vector<16xi32>,
          tpu.vector_store %arg7[%swap3A_621], %gather3A_620 {strides = array<i32>} : memref<128xi32, #tpu.memory_space<vmem>>, vector<16xi32>,
          %mul3A_623 = arith.constant 50 : i32
          %mul3A_624 = vector.broadcast %mul3A_623 : i32 to vector<16xi32>
          %mul3A_625 = arith.muli %iota3A, %mul3A_624 : vector<16xi32>
          %add3A_626 = arith.constant 5600 : i32
          %add3A_627 = arith.addi %mul3A_13, %add3A_626 : i32
          %add3A_628 = arith.addi %add3A_627, %add3A_503 : i32
          %add3A_629 = vector.broadcast %add3A_628 : i32 to vector<16xi32>
          %add3A_630 = arith.addi %mul3A_625, %add3A_629 : vector<16xi32>
          %shift_right_arithmetic3A_631 = arith.constant 7 : i32
          %shift_right_arithmetic3A_632 = vector.broadcast %shift_right_arithmetic3A_631 : i32 to vector<16xi32>
          %shift_right_arithmetic3A_633 = arith.shrsi %add3A_630, %shift_right_arithmetic3A_632 : vector<16xi32>
          %and3A_634 = arith.constant 127 : i32
          %and3A_635 = vector.broadcast %and3A_634 : i32 to vector<16xi32>
          %and3A_636 = arith.andi %add3A_630, %and3A_635 : vector<16xi32>
          %gather3A_637 = tpu.vector_load_idx %arg5[%shift_right_arithmetic3A_633, %and3A_636] : memref<200x128xi32, #tpu.memory_space<vmem>>[vector<16xi32>, vector<16xi32>], vector<16xi32>,
          %swap3A_638 = arith.constant 112 : index
          %swap3A_639 = tpu.vector_load %arg7[%swap3A_638] {strides = array<i32>} : memref<128xi32, #tpu.memory_space<vmem>>, vector<16xi32>,
          tpu.vector_store %arg7[%swap3A_638], %gather3A_637 {strides = array<i32>} : memref<128xi32, #tpu.memory_space<vmem>>, vector<16xi32>,
          %dma_start3A_640 = arith.constant 1 : i32
          %dma_start3A_641 = arith.constant 0 : i32
          %dma_start3A_642 = arith.constant 0 : i32
          %dma_start3A_643 = tpu.memref_slice %arg3[%dma_start3A_641, %dma_start3A_642] : memref<1000000x128xf32, #tpu.memory_space<hbm>> -> memref<1000000x128xf32, #tpu.memory_space<hbm>>
          %dma_start3A_644 = tpu.memref_slice %arg12[%dma_start3A_640] : memref<2x!tpu.dma_semaphore, #tpu.memory_space<semaphore_mem>> -> memref<1x!tpu.dma_semaphore, #tpu.memory_space<semaphore_mem>>
          %dma_start3A_645 = tpu.memref_squeeze %dma_start3A_644 : memref<1x!tpu.dma_semaphore, #tpu.memory_space<semaphore_mem>> -> memref<!tpu.dma_semaphore, #tpu.memory_space<semaphore_mem>>
          tpu.enqueue_indirect_dma source(%dma_start3A_643 : memref<1000000x128xf32, #tpu.memory_space<hbm>>) target(%arg9 : memref<128x128xf32, #tpu.memory_space<vmem>>) offsets(%arg7 : memref<128xi32, #tpu.memory_space<vmem>>) semaphore(%dma_start3A_645 : memref<!tpu.dma_semaphore, #tpu.memory_space<semaphore_mem>>)
        } else {
        }
      }
      %scan3A_314 = arith.constant 25 : i32
      %mul3A_315 = arith.constant 128 : i32
      %mul3A_316 = arith.muli %add3A_11, %mul3A_315 : i32
      %dma_wait3A = arith.constant 48 : i32
      %dma_wait3A_317 = arith.constant 0 : i32
      %dma_wait3A_318 = arith.constant 0 : i32
      %dma_wait3A_319 = tpu.memref_slice %arg4[%dma_wait3A, %dma_wait3A_318, %mul3A_316] : memref<50x64x16384xf32, #tpu.memory_space<hbm>> -> memref<1x64x128xf32, #tpu.memory_space<hbm>>
      %dma_wait3A_320 = tpu.memref_squeeze %dma_wait3A_319 : memref<1x64x128xf32, #tpu.memory_space<hbm>> -> memref<64x128xf32, #tpu.memory_space<hbm>>
      %dma_wait3A_321 = tpu.memref_slice %arg13[%dma_wait3A_317] : memref<2x!tpu.dma_semaphore, #tpu.memory_space<semaphore_mem>> -> memref<1x!tpu.dma_semaphore, #tpu.memory_space<semaphore_mem>>
      %dma_wait3A_322 = tpu.memref_squeeze %dma_wait3A_321 : memref<1x!tpu.dma_semaphore, #tpu.memory_space<semaphore_mem>> -> memref<!tpu.dma_semaphore, #tpu.memory_space<semaphore_mem>>
      %dma_wait3A_323 = arith.constant 0 : i32
      %dma_wait3A_324 = tpu.memref_slice %arg4[%dma_wait3A, %dma_wait3A_323, %mul3A_316] : memref<50x64x16384xf32, #tpu.memory_space<hbm>> -> memref<1x64x128xf32, #tpu.memory_space<hbm>>
      %dma_wait3A_325 = tpu.memref_squeeze %dma_wait3A_324 : memref<1x64x128xf32, #tpu.memory_space<hbm>> -> memref<64x128xf32, #tpu.memory_space<hbm>>
      tpu.wait_dma2 semaphore(%dma_wait3A_322 : memref<!tpu.dma_semaphore, #tpu.memory_space<semaphore_mem>>) src(%arg10 : memref<64x128xf32, #tpu.memory_space<vmem>>) dst(%dma_wait3A_325 : memref<64x128xf32, #tpu.memory_space<hbm>>)
      %mul3A_326 = arith.constant 128 : i32
      %mul3A_327 = arith.muli %add3A_11, %mul3A_326 : i32
      %dma_wait3A_328 = arith.constant 49 : i32
      %dma_wait3A_329 = arith.constant 1 : i32
      %dma_wait3A_330 = arith.constant 0 : i32
      %dma_wait3A_331 = tpu.memref_slice %arg4[%dma_wait3A_328, %dma_wait3A_330, %mul3A_327] : memref<50x64x16384xf32, #tpu.memory_space<hbm>> -> memref<1x64x128xf32, #tpu.memory_space<hbm>>
      %dma_wait3A_332 = tpu.memref_squeeze %dma_wait3A_331 : memref<1x64x128xf32, #tpu.memory_space<hbm>> -> memref<64x128xf32, #tpu.memory_space<hbm>>
      %dma_wait3A_333 = tpu.memref_slice %arg13[%dma_wait3A_329] : memref<2x!tpu.dma_semaphore, #tpu.memory_space<semaphore_mem>> -> memref<1x!tpu.dma_semaphore, #tpu.memory_space<semaphore_mem>>
      %dma_wait3A_334 = tpu.memref_squeeze %dma_wait3A_333 : memref<1x!tpu.dma_semaphore, #tpu.memory_space<semaphore_mem>> -> memref<!tpu.dma_semaphore, #tpu.memory_space<semaphore_mem>>
      %dma_wait3A_335 = arith.constant 0 : i32
      %dma_wait3A_336 = tpu.memref_slice %arg4[%dma_wait3A_328, %dma_wait3A_335, %mul3A_327] : memref<50x64x16384xf32, #tpu.memory_space<hbm>> -> memref<1x64x128xf32, #tpu.memory_space<hbm>>
      %dma_wait3A_337 = tpu.memref_squeeze %dma_wait3A_336 : memref<1x64x128xf32, #tpu.memory_space<hbm>> -> memref<64x128xf32, #tpu.memory_space<hbm>>
      tpu.wait_dma2 semaphore(%dma_wait3A_334 : memref<!tpu.dma_semaphore, #tpu.memory_space<semaphore_mem>>) src(%arg11 : memref<64x128xf32, #tpu.memory_space<vmem>>) dst(%dma_wait3A_337 : memref<64x128xf32, #tpu.memory_space<hbm>>)
    }
    %scan3A_7 = arith.constant 4 : i32
    return
  }
}

</mosaic_0001>

<sc_bundles>
// kernel: kernel.3.cloned.1.call-start
scs
__scs_entry_jumppad:
0x0: {  	(pc) =	sbr.rel $0x88, $3  }
0x1: {  	(tag) =	ssettag $0x0;
	lr =	simm.s32 $0x1  }
0x2: {  	[smem:$0x3F9F] =	sst lr;
	_ =	strace $0xD0000000  }
0x3: {  	_ = 	snop  }
0x4: {  	_ = 	snop  }
0x5: {  	_ = 	snop  }
0x6: {  	_ = 	snop  }
0x7: {  	_ = 	snop  }
__scs_overlays_trampoline_lowered:
0x8: {  	[smem:$0x3FAE] =	sst s0  }
0x9: {  	[smem:$0x3FAF] =	sst s1  }
0xa: {  	[smem:$0x3FB0] =	sst s2  }
0xb: {  	[smem:$0x3FB1] =	sst s3  }
0xc: {  	[smem:$0x3FB2] =	sst s4  }
0xd: {  	[smem:$0x3FB3] =	sst s5  }
0xe: {  	[smem:$0x3FB4] =	sst s6  }
0xf: {  	[smem:$0x3FB5] =	sst s7  }
0x10: {  	[smem:$0x3FB6] =	sst s8  }
0x11: {  	[smem:$0x3FB7] =	sst s9;
	s0 =	simm.s32 @!p0 $0x0  }
0x12: {  	s1 =	sld [smem:$0x3F9D];
	s0 =	simm.s32 @p0 $0x1  }
0x13: {  	[smem:$0x3FB8] =	sst s0;
	s0 =	simm.s32 @!p1 $0x0  }
0x14: {  	s2 =	sld [smem:$0x3F9C];
	s0 =	simm.s32 @p1 $0x1  }
0x15: {  	[smem:$0x3FB9] =	sst s0;
	s0 =	simm.s32 @!p2 $0x0  }
0x16: {  	s3 =	sld [smem:$0x3FDB];
	s0 =	simm.s32 @p2 $0x1  }
0x17: {  	s4 =	simm.s32 $0x1BF5;
	[smem:$0x3FBB] =	sst s0  }
0x18: {  	s0 =	sld [smem:$0x3F9E];
	_ =	swait.ge [sflag:s4], $0x0  }
0x19: {  	s7 =	sld [smem:$0x3F9F]  }
0x1a: {  	s8 =	sadd.s32 $0xFFFFE003, lr  }
0x1b: {  	s9 =	sadd.s32 $0xFFFFFEF7, lr;
	s5 =	simm.s32 $0xFFFFFFFF;
	p2 =	slt.u32 s8, $0xFFFFF086  }
0x1c: {  	p1 =	slt.u32 s9, $0xF7A;
	s5 =	simm.s32 @!p2 $0x0  }
0x1d: {  	s5 =	simm.s32 @p1 $0x1;
	p0 =	seq.s32 s7, s2  }
0x1e: {  	s7 =	smul.u32 @!p0 $0xF7A, s2;
	p2 =	seq.s32 @!p0 s5, $0x0  }
0x1f: {  	s9 =	smul.u32 $0xF7A, s1;
	s8 =	simm.s32 @!p0 $0x1BF5;
	p2 =	por !p2, p0  }
0x20: {  	[sflag:s8] =	ssyncset.s32 @!p0 $0xFFFFF086;
	s6 =	sadd.s32 @!p0 s3, s7;
	s7 =	simm.s32 @!p0 $0x108  }
0x21: {  	s3 =	sadd.s32 s3, s9;
	s6 =	sadd.s32 @!p0 $0x88, s6;
	s7 =	simm.s32 @p2 $0x1082  }
0x22: {  	[simem:s7], [sflag:s8] =	dma.local @!p0 [hbm:s6], $0xF7A  }
0x23: {  	s9 =	sor.u32 $0xD0000000, s2;
	s6 =	simm.s32 $0x108;
	_ =	swait.ge @!p0 [sflag:s8], $0x0  }
0x24: {  	s3 =	sadd.s32 $0x88, s3;
	s6 =	simm.s32 @!p1 $0x1082;
	[sflag:s4] =	ssyncset.s32 $0xFFFFF086  }
0x25: {  	[simem:s6], [sflag:s4] =	dma.local [hbm:s3], $0xF7A  }
0x26: {  	[smem:$0x3F9F] =	sst s1;
	(tag) =	ssettag s2;
	_ =	strace s9  }
0x27: {  	s1 =	sld [smem:$0x3FAF]  }
0x28: {  	s2 =	sld [smem:$0x3FB0]  }
0x29: {  	s4 =	sld [smem:$0x3FB2]  }
0x2a: {  	p0 =	seq.s32 s5, $0x0;
	s5 =	sld [smem:$0x3FB3]  }
0x2b: {  	s6 =	sld [smem:$0x3FB4]  }
0x2c: {  	s7 =	sld [smem:$0x3FB5]  }
0x2d: {  	s3 =	simm.s32 $0x108;
	s8 =	sld [smem:$0x3FB6]  }
0x2e: {  	s3 =	simm.s32 @!p0 $0x1082;
	s9 =	sld [smem:$0x3FB7]  }
0x2f: {  	lr =	sadd.s32 s0, s3;
	s0 =	sld [smem:$0x3FAE]  }
0x30: {  	s3 =	sld [smem:$0x3FB1]  }
0x31: {  	[smem:$0x3FBA] =	sst s10  }
0x32: {  	s10 =	sld [smem:$0x3FB8];
	_ =	sdelay $0x3  }
0x33: {  	p0 =	seq.s32 s10, $0x1;
	s10 =	sld [smem:$0x3FBA];
	_ =	sdelay $0x3  }
0x34: {  	[smem:$0x3FBA] =	sst s10  }
0x35: {  	s10 =	sld [smem:$0x3FB9];
	_ =	sdelay $0x3  }
0x36: {  	p1 =	seq.s32 s10, $0x1;
	s10 =	sld [smem:$0x3FBA];
	_ =	sdelay $0x3  }
0x37: {  	[smem:$0x3FBA] =	sst s10  }
0x38: {  	s10 =	sld [smem:$0x3FBB]  }
0x39: {  	_ = 	snop;
	(pc) =	sbr.ind lr, $3  }
0x3a: {  	_ = 	snop  }
0x3b: {  	_ = 	snop  }
0x3c: {  	p2 =	seq.s32 s10, $0x1;
	s10 =	sld [smem:$0x3FBA]  }
0x3d: {  	_ =	shalt  }
0x3e: {  	_ =	shalt  }
0x3f: {  	_ =	shalt  }
0x40: {  	_ =	shalt  }
0x41: {  	_ =	shalt  }
0x42: {  	_ =	shalt  }
0x43: {  	_ =	shalt  }
0x44: {  	_ =	shalt  }
0x45: {  	_ =	shalt  }
0x46: {  	_ =	shalt  }
0x47: {  	_ =	shalt  }
0x48: {  	_ =	shalt  }
0x49: {  	_ =	shalt  }
0x4a: {  	_ =	shalt  }
0x4b: {  	_ =	shalt  }
0x4c: {  	_ =	shalt  }
0x4d: {  	_ =	shalt  }
0x4e: {  	_ =	shalt  }
0x4f: {  	_ =	shalt  }
0x50: {  	_ =	shalt  }
0x51: {  	_ =	shalt  }
0x52: {  	_ =	shalt  }
0x53: {  	_ =	shalt  }
0x54: {  	_ =	shalt  }
0x55: {  	_ =	shalt  }
0x56: {  	_ =	shalt  }
0x57: {  	_ =	shalt  }
0x58: {  	_ =	shalt  }
0x59: {  	_ =	shalt  }
0x5a: {  	_ =	shalt  }
0x5b: {  	_ =	shalt  }
0x5c: {  	_ =	shalt  }
0x5d: {  	_ =	shalt  }
0x5e: {  	_ =	shalt  }
0x5f: {  	_ =	shalt  }
0x60: {  	_ =	shalt  }
0x61: {  	_ =	shalt  }
0x62: {  	_ =	shalt  }
0x63: {  	_ =	shalt  }
0x64: {  	_ =	shalt  }
0x65: {  	_ =	shalt  }
0x66: {  	_ =	shalt  }
0x67: {  	_ =	shalt  }
0x68: {  	_ =	shalt  }
0x69: {  	_ =	shalt  }
0x6a: {  	_ =	shalt  }
0x6b: {  	_ =	shalt  }
0x6c: {  	_ =	shalt  }
0x6d: {  	_ =	shalt  }
0x6e: {  	_ =	shalt  }
0x6f: {  	_ =	shalt  }
0x70: {  	_ =	shalt  }
0x71: {  	_ =	shalt  }
0x72: {  	_ =	shalt  }
0x73: {  	_ =	shalt  }
0x74: {  	_ =	shalt  }
0x75: {  	_ =	shalt  }
0x76: {  	_ =	shalt  }
0x77: {  	_ =	shalt  }
0x78: {  	_ =	shalt  }
0x79: {  	_ =	shalt  }
0x7a: {  	_ =	shalt  }
0x7b: {  	_ =	shalt  }
0x7c: {  	_ =	shalt  }
0x7d: {  	_ =	shalt  }
0x7e: {  	_ =	shalt  }
0x7f: {  	_ =	shalt  }
0x80: {  	_ =	shalt  }
0x81: {  	_ =	shalt  }
0x82: {  	_ =	shalt  }
0x83: {  	_ =	shalt  }
0x84: {  	_ =	shalt  }
0x85: {  	_ =	shalt  }
0x86: {  	_ =	shalt  }
0x87: {  	_ =	shalt  }
.Lfunc_end0:
.L_simem_size_0:
called_computation_lowered:
.L_overlay_start_0:
0x88: {  	s2 =	sld [smem:$0x3FD9]  }
0x89: {  	s3 =	sld [smem:$0x3FFE];
	_ =	sdelay $0x1  }
0x8a: {  	s1 =	srdreg.scid  }
0x8b: {  	s0 =	sand.u32 $0x1, s1  }
0x8c: {  	s17 =	sshll.u32 s0, $0xA;
	s2 =	sadd.s32 s3, s2  }
0x8d: {  	s2 =	sadd.s32 s2, s17  }
0x8e: {  	[smem:$0x3FC6] =	sst s2  }
0x8f: {  	_ = 	snop  }
0x90: {  	s2 =	sld [smem:$0x3FD0];
	(tm) =	ssettm $0x1  }
0x91: {  	s18 =	sld [smem:$0x3FFB];
	_ =	sdelay $0x3  }
0x92: {  	_ =	strace s18  }
0x93: {  	s3 =	sld [smem:$0x3FFC];
	_ =	sdelay $0x3  }
0x94: {  	_ =	strace s3  }
0x95: {  	s3 =	sld [smem:$0x3FFD];
	_ =	sdelay $0x3  }
0x96: {  	_ =	strace s3  }
0x97: {  	_ =	strace $0x8FFFFFFF  }
0x98: {  	s19 =	sld [smem:$0x3FDB];
	_ =	sdelay $0x1  }
0x99: {  	s4 =	simm.s32 $_scs_section_size  }
0x9a: {  	s5 =	simm.s32 $_size__tile_overlayer_lowered;
	s6 =	simm.s32 $_tile_overlayer_lowered  }
0x9b: {  	s22 =	simm.s32 $0x1BFF;
	s21 =	sshll.u32 s6, $0x1;
	s3 =	sadd.s32 s4, s19  }
0x9c: {  	s7 =	simm.s32 $0x0;
	s20 =	sshll.u32 s5, $0x1;
	s5 =	sadd.s32 s21, s3  }
0x9d: {  	[timem:s7], [sflag:s22] =	dma.local [hbm:s5], s20  }
0x9e: {  	_ =	swait.ge [sflag:s22], s20  }
0x9f: {  	s4 =	ssub.s32 $0x0, s20;
	[sflag:s22] =	ssyncset.done $0x0  }
0xa0: {  	[sflag:s22] =	ssyncadd.s32 s4;
	_ =	sdelay $0x1  }
0xa1: {  	s23 =	simm.s32 $0x1B8B  }
0xa2: {  	_ =	swait.ge [sflag:s23], $0x1  }
0xa3: {  	[sflag:s23] =	ssyncset.done $0x0  }
0xa4: {  	s25 =	simm.s32 $0x1B8E;
	s24 =	sld [smem:$0x3FFE];
	[sflag:s23] =	ssyncadd.s32 $0xFFFFFFFF  }
0xa5: {  	s26 =	simm.s32 $execute0_lowered;
	[smem:$0x3FD2] =	sst s25  }
0xa6: {  	s5 =	sshll.u32 s26, $0x1;
	_ =	strace $0x80000046;
	[dreg:$0x1] =	wrdreg $0xFFFFFFFF  }
0xa7: {  	s28 =	simm.s32 $_size_execute0_lowered;
	s3 =	sadd.s32 s3, s5;
	[dreg:$0x0] =	wrdreg $0x0  }
0xa8: {  	s5 =	sshll.u32 s28, $0x1;
	[dreg:$0x2] =	wrdreg s3  }
0xa9: {  	[dreg:$0x3] =	wrdreg s5  }
0xaa: {  	[dreg:$0x4] =	wrdreg $0xC0  }
0xab: {  	_ =	task [dreg:s7], $0x5FFFF  }
0xac: {  	[dreg:$0x1] =	wrdreg $0xFFFFFFFF  }
0xad: {  	[dreg:$0x0] =	wrdreg $0x60  }
0xae: {  	[dreg:$0x2] =	wrdreg s24  }
0xaf: {  	[dreg:$0x3] =	wrdreg s2  }
0xb0: {  	[dreg:$0x4] =	wrdreg $0x9  }
0xb1: {  	_ =	task.clear_ibuf [dreg:s7], $0x5FFFF;
	_ =	strace $0x90000046  }
0xb2: {  	s29 =	simm.s32 $0x9;
	_ =	strace $0x80000048  }
0xb3: {  	_ =	swait.ge [sflag:s29], $0x1  }
0xb4: {  	[sflag:s29] =	ssyncadd.s32 $0xFFFFFFFF  }
0xb5: {  	_ =	strace $0x90000048  }
0xb6: {  	_ =	sfence  }
0xb7: {  	s30 =	sld [smem:$0x0];
	_ =	sdelay $0x2  }
0xb8: {  	s31 =	sshll.u32 s1, $0xD;
	s1 =	sshrl.u32 s1, $0x2  }
0xb9: {  	s3 =	sand.u32 $0x4000, s31;
	s1 =	sadd.s32 s1, s30  }
0xba: {  	s0 =	sor.u32 s3, s0;
	s1 =	sshll.u32 s1, $0x11  }
0xbb: {  	s0 =	sor.u32 s1, s0  }
0xbc: {  	s0 =	sadd.s32 $0x8F2B, s0  }
0xbd: {  	[sflag:s0] =	ssyncadd.remote.s32 $0x1  }
0xbe: {  	_ =	sfence.sel $0xFFFF  }
0xbf: {  	[dreg:$0x0] =	wrdreg $0xFFFFFFFF;
	(pc) =	sbr.abs _section_cstart, $3  }
0xc0: {  	[dreg:$0x1] =	wrdreg $0xFFFFFFFF  }
0xc1: {  	_ =	task.clear_ibuf [dreg:s7], $0x2FFFF;
	_ =	strace $0x9FFFFFFF  }
0xc2: {  	(tm) =	ssettm $0x7FFFFFFF  }
0xc3: {  	_ =	shalt  }
tec
execute0_lowered:
.L_overlay_start_1:
0x0: {  	(tag) =	ssettag $0x1  }
0x1: {  	s0 =	rddreg [dreg:$0x0];
	s1 =	srdreg.scid  }
0x2: {  	s2 =	stileid.u32;
	s16 =	rddreg [dreg:$0x1];
	s3 =	simm.s32 $0x0  }
0x3: {  	v0 =	vimm.s32 $0x26744210;
	v1 =	vlaneseq.u32;
	s11 =	simm.s32 $0x6500;
	s1 =	sand.u32 $0x1, s1;
	s4 =	sshll.u32 s2, $0x1  }
0x4: {  	v3 =	vimm.s32 $0x16643200;
	v4 =	vimm.s32 $0x5E2C7A48;
	s13 =	simm.s32 $0xA500;
	s14 =	simm.s32 $0x1;
	v2 =	vunpack.c.0.s8.s32 v0;
	s5 =	sor.u32 s1, s4  }
0x5: {  	[smem:$0x7FF] =	sst s3;
	v0 =	vimm.s32 $0x6E3C0A58;
	v3 =	vunpack.c.0.s8.s32 v3;
	v4 =	vunpack.c.0.s8.s32 v4;
	s1 =	ssub.s32 $0x2, s1;
	s6 =	smul.u32 $0xC80, s5  }
.Ltmp0:
0x6: {  	vm0 =	vcmask $0x1F10;
	_ =	strace $0x80000047;
	v5 =	vunpack.c.0.s8.s32 v0;
	v0 =	vmul.u32 $0x80, v1;
	s7 =	sshrl.u32 s1, $0x1;
	(pc) =	sbr.rel .LBB2_1-.Ltmp0, $4  }
0x7: {  	s4 =	sadd.s32 $0xF5BA00, s0;
	v1 =	vmul.u32 $0x32, v1;
	s30 =	sshll.u32 s5, $0x9;
	v3 =	vsel vm0, v4, v3;
	s1 =	ssub.s32 s1, s7  }
0x8: {  	[dreg:$0x4] =	wrdreg s30;
	v2 =	vsel vm0, v5, v2;
	v4 =	vor.u32 $0x1000, v0;
	v5 =	vor.u32 $0x1800, v0;
	s0 =	sadd.s32 s6, s0;
	s31 =	smax.u32 s1, $0x1  }
0x9: {  	s18 =	simm.s32 $0x2;
	v6 =	vor.u32 $0x2000, v0;
	v7 =	vor.u32 $0x2800, v0;
	v8 =	vor.u32 $0x3000, v0;
	s0 =	sadd.s32 $0xF42A00, s0;
	[dreg:$0x5] =	wrdreg s31  }
0xa: {  	s19 =	simm.s32 $0x4;
	v9 =	vor.u32 $0x3800, v0;
	v2 =	vcombine.low v3, v2;
	v3 =	vor.u32 $0x800, v0;
	s1 =	simm.s32 $0x0;
	[dreg:$0x3] =	wrdreg s0  }
.LBB2_42:
0xb: {  	s1 =	rddreg [dreg:$0x6]  }
0xc: {  	s0 =	rddreg [dreg:$0x5];
	s1 =	sadd.s32 $0x1, s1  }
0xd: {  	p0 =	sne.s32 s1, s0  }
.Ltmp1:
0xe: {  	_ = 	snop;
	(pc) =	sbr.rel @!p0 .LBB2_43-.Ltmp1, $1  }
0xf: {  	_ =	sdelay $0x3  }
.LBB2_1:
0x10: {  	[dreg:$0x6] =	wrdreg s1  }
.Ltmp2:
0x11: {  	s0 =	rddreg [dreg:$0x3];
	s31 =	simm.s32 $0x5;
	(pc) =	sbr.rel .LBB2_2-.Ltmp2, $4  }
0x12: {  	[tilespmem:s3], [sflag:$0x5] =	stream.linear.gather [hbm4b:s0+s3], $0x6400, $0x38;
	[tilespmem:$0x12500] =	vst v63  }
0x13: {  	_ =	swait.ge [sflag:s31], $0x6400  }
0x14: {  	[sflag:s31] =	ssyncset.done $0x0  }
0x15: {  	s6 =	simm.s32 $0x0;
	[sflag:s31] =	ssyncadd.s32 $0xFFFF9C00  }
.LBB2_41:
0x16: {  	s0 =	simm.s32 $0x3  }
0x17: {  	_ =	swait.ge [sflag:s0], $0x2000  }
0x18: {  	[sflag:s0] =	ssyncset.done $0x0  }
0x19: {  	[sflag:s0] =	ssyncadd.s32 $0xFFFFE000  }
0x1a: {  	_ =	swait.ge [sflag:s19], $0x2000  }
0x1b: {  	s6 =	rddreg [dreg:$0x7]  }
0x1c: {  	s6 =	sadd.s32 $0x1, s6  }
0x1d: {  	p0 =	sne.s32 s6, $0x4  }
.Ltmp3:
0x1e: {  	_ = 	snop;
	(pc) =	sbr.rel @!p0 .LBB2_42-.Ltmp3, $3  }
0x1f: {  	_ =	sdelay $0x1  }
0x20: {  	[sflag:s19] =	ssyncset.done $0x0  }
0x21: {  	[sflag:s19] =	ssyncadd.s32 $0xFFFFE000  }
.LBB2_2:
0x22: {  	s24 =	smul.u32 $0x1900, s6;
	_ =	sdelay $0x1  }
0x23: {  	v10 =	vadd.s32 s24, v1  }
0x24: {  	v10 =	vand.u32 $0xFF80, v10  }
0x25: {  	v10 =	vor.u32 v2, v10;
	_ =	sdelay $0x3  }
0x26: {  	s7 =	simm.s32 $0x0  }
0x27: {  	s26 =	sadd.s32 $0x320, s24;
	v10 =	vld.idx.msk [tilespmem:v10+s7+$0x0], $0xffff  }
0x28: {  	v11 =	vadd.s32 s26, v1;
	_ =	sdelay $0x3  }
0x29: {  	[tilespmem:$0x6400] =	vst v10  }
0x2a: {  	s28 =	sadd.s32 $0x640, s24;
	v10 =	vld.idx.msk [tilespmem:v11+s7+$0x0], $0xffff  }
0x2b: {  	v11 =	vadd.s32 s28, v1;
	_ =	sdelay $0x3  }
0x2c: {  	[tilespmem:$0x6410] =	vst v10  }
0x2d: {  	s29 =	sadd.s32 $0x960, s24;
	v10 =	vld.idx.msk [tilespmem:v11+s7+$0x0], $0xffff  }
0x2e: {  	v11 =	vadd.s32 s29, v1;
	_ =	sdelay $0x2  }
0x2f: {  	s30 =	sadd.s32 $0xC80, s24  }
0x30: {  	[tilespmem:$0x6420] =	vst v10;
	v10 =	vadd.s32 s30, v1  }
0x31: {  	v11 =	vld.idx.msk [tilespmem:v11+s7+$0x0], $0xffff;
	v10 =	vand.u32 $0x1FF80, v10  }
0x32: {  	v10 =	vor.u32 v2, v10;
	_ =	sdelay $0x3  }
0x33: {  	[tilespmem:$0x6430] =	vst v11  }
0x34: {  	s31 =	sadd.s32 $0xFA0, s24;
	v10 =	vld.idx.msk [tilespmem:v10+s7+$0x0], $0xffff  }
0x35: {  	v11 =	vadd.s32 s31, v1;
	_ =	sdelay $0x3  }
0x36: {  	[tilespmem:$0x6440] =	vst v10  }
0x37: {  	s1 =	sadd.s32 $0x12C0, s24;
	v10 =	vld.idx.msk [tilespmem:v11+s7+$0x0], $0xffff  }
0x38: {  	v11 =	vadd.s32 s1, v1;
	_ =	sdelay $0x3  }
0x39: {  	[tilespmem:$0x6450] =	vst v10  }
0x3a: {  	s0 =	sadd.s32 $0x15E0, s24;
	v10 =	vld.idx.msk [tilespmem:v11+s7+$0x0], $0xffff  }
0x3b: {  	v11 =	vadd.s32 s0, v1;
	_ =	sdelay $0x3  }
0x3c: {  	[tilespmem:$0x6460] =	vst v10  }
0x3d: {  	v10 =	vld.idx.msk [tilespmem:v11+s7+$0x0], $0xffff  }
0x3e: {  	s5 =	sor.u32 $0x1, s24  }
0x3f: {  	v11 =	vadd.s32 s5, v1;
	_ =	sdelay $0x2  }
0x40: {  	s2 =	simm.s32 $0x80;
	s8 =	simm.s32 $0x6400;
	[tilespmem:$0x6470] =	vst v10  }
0x41: {  	[tilespmem:s11], [sflag:$0x1] =	stream.indirect.gather [hbm4b:s4+s2], $0x80, s8, s2, $0xb8;
	[tilespmem:$0x12500] =	vst v63  }
0x42: {  	s9 =	sadd.s32 $0x321, s24;
	v10 =	vld.idx.msk [tilespmem:v11+s7+$0x0], $0xffff  }
0x43: {  	v11 =	vadd.s32 s9, v1;
	_ =	sdelay $0x3  }
0x44: {  	[tilespmem:$0x6480] =	vst v10  }
0x45: {  	s10 =	sadd.s32 $0x641, s24;
	v10 =	vld.idx.msk [tilespmem:v11+s7+$0x0], $0xffff  }
0x46: {  	v11 =	vadd.s32 s10, v1;
	_ =	sdelay $0x3  }
0x47: {  	[tilespmem:$0x6490] =	vst v10  }
0x48: {  	s12 =	sadd.s32 $0x961, s24;
	v10 =	vld.idx.msk [tilespmem:v11+s7+$0x0], $0xffff  }
0x49: {  	v11 =	vadd.s32 s12, v1;
	_ =	sdelay $0x3  }
0x4a: {  	[tilespmem:$0x64A0] =	vst v10  }
0x4b: {  	s15 =	sadd.s32 $0xC81, s24;
	v10 =	vld.idx.msk [tilespmem:v11+s7+$0x0], $0xffff  }
0x4c: {  	v11 =	vadd.s32 s15, v1;
	_ =	sdelay $0x3  }
0x4d: {  	[tilespmem:$0x64B0] =	vst v10  }
0x4e: {  	s17 =	sadd.s32 $0xFA1, s24;
	v10 =	vld.idx.msk [tilespmem:v11+s7+$0x0], $0xffff  }
0x4f: {  	v11 =	vadd.s32 s17, v1;
	_ =	sdelay $0x3  }
0x50: {  	[tilespmem:$0x64C0] =	vst v10  }
0x51: {  	s20 =	sadd.s32 $0x12C1, s24;
	v10 =	vld.idx.msk [tilespmem:v11+s7+$0x0], $0xffff  }
0x52: {  	v11 =	vadd.s32 s20, v1;
	_ =	sdelay $0x3  }
0x53: {  	[tilespmem:$0x64D0] =	vst v10  }
0x54: {  	s21 =	sadd.s32 $0x15E1, s24;
	v10 =	vld.idx.msk [tilespmem:v11+s7+$0x0], $0xffff  }
0x55: {  	v11 =	vadd.s32 s21, v1;
	_ =	sdelay $0x3  }
0x56: {  	[tilespmem:$0x64E0] =	vst v10  }
0x57: {  	v10 =	vld.idx.msk [tilespmem:v11+s7+$0x0], $0xffff;
	_ =	sdelay $0x4  }
0x58: {  	s22 =	simm.s32 $0x6480;
	s23 =	sshll.u32 s6, $0x7;
	s25 =	rddreg [dreg:$0x4];
	[tilespmem:$0x64F0] =	vst v10  }
0x59: {  	[tilespmem:s13], [sflag:$0x2] =	stream.indirect.gather [hbm4b:s4+s2], $0x80, s22, s2, $0xb8;
	[tilespmem:$0x12500] =	vst v63  }
0x5a: {  	[dreg:$0x7] =	wrdreg s6;
	s2 =	sadd.s32 s25, s23  }
0x5b: {  	s7 =	simm.s32 $0x0;
	[dreg:$0x8] =	wrdreg s2  }
.LBB2_3:
0x5c: {  	s6 =	simm.s32 $0x1;
	s2 =	simm.s32 $0x0  }
0x5d: {  	s8 =	simm.s32 $0x2;
	s5 =	simm.s32 $0x4;
	s10 =	simm.s32 $0x5;
	v10 =	vmov s2;
	v11 =	vmov s6  }
0x5e: {  	s9 =	simm.s32 $0x8;
	s12 =	simm.s32 $0xA;
	s15 =	simm.s32 $0xC;
	v12 =	vmov s8;
	v13 =	vmov s5;
	v14 =	vmov s10  }
0x5f: {  	s17 =	simm.s32 $0xD;
	s20 =	simm.s32 $0xE;
	s21 =	simm.s32 $0x6;
	v16 =	vmov s9;
	v17 =	vmov s12;
	v19 =	vmov s15  }
0x60: {  	s22 =	simm.s32 $0xB;
	s23 =	simm.s32 $0x9;
	s25 =	simm.s32 $0x3;
	v20 =	vmov s17;
	v23 =	vmov s20;
	v21 =	vmov s21  }
0x61: {  	s8 =	simm.s32 $0x7;
	v22 =	vmov s22;
	v24 =	vmov s23;
	v26 =	vmov s25  }
0x62: {  	s10 =	simm.s32 $0xF;
	v11 =	vand.u32 $0x71, v11;
	v15 =	vmov s8;
	v12 =	vand.u32 $0x72, v12  }
0x63: {  	v13 =	vand.u32 $0x74, v13;
	v16 =	vand.u32 $0x78, v16;
	v18 =	vmov s10  }
0x64: {  	v10 =	vand.u32 $0x70, v10;
	v14 =	vand.u32 $0x75, v14;
	v17 =	vand.u32 $0x7A, v17  }
0x65: {  	v19 =	vand.u32 $0x7C, v19;
	v20 =	vand.u32 $0x7D, v20;
	v16 =	vbroadcast v16, $0x0  }
0x66: {  	_ =	swait.ge [sflag:s14], $0x4000;
	v22 =	vand.u32 $0x7B, v22;
	v15 =	vand.u32 $0x77, v15;
	v19 =	vbroadcast v19, $0x0  }
0x67: {  	p0 =	seq.s32 s7, $0x0;
	[sflag:s14] =	ssyncset.done $0x0;
	v25 =	vand.u32 $0x76, v21;
	v15 =	vbroadcast v15, $0x0;
	v16 =	vor.u32 v0, v16  }
0x68: {  	[sflag:s14] =	ssyncadd.s32 $0xFFFFC000;
	s8 =	simm.s32 @!p0 $0x3;
	v18 =	vand.u32 $0x7F, v18;
	v20 =	vbroadcast v20, $0x0;
	v19 =	vor.u32 v0, v19  }
0x69: {  	v12 =	vbroadcast v12, $0x0;
	_ =	swait.ge @!p0 [sflag:s8], $0x2000;
	v21 =	vbroadcast v22, $0x0;
	v15 =	vor.u32 v0, v15  }
0x6a: {  	v11 =	vbroadcast v11, $0x0;
	v10 =	vbroadcast v10, $0x0;
	[sflag:s8] =	ssyncset.done @!p0 $0x0;
	v22 =	vor.u32 v0, v20  }
0x6b: {  	v30 =	vbroadcast v18, $0x0;
	v20 =	vand.u32 $0x79, v24;
	[sflag:s8] =	ssyncadd.s32 @!p0 $0xFFFFE000;
	v27 =	vor.u32 v0, v21  }
0x6c: {  	v29 =	vor.u32 v0, v11;
	v11 =	vbroadcast v13, $0x0;
	v13 =	vbroadcast v17, $0x0;
	v28 =	vld.idx.msk [tilespmem:v16+s11+$0x0], $0xffff  }
0x6d: {  	v24 =	vbroadcast v14, $0x0;
	v21 =	vor.u32 v0, v12;
	v14 =	vbroadcast v20, $0x0;
	v18 =	vld.idx.msk [tilespmem:v19+s11+$0x0], $0xffff  }
0x6e: {  	v12 =	vor.u32 v0, v10;
	v13 =	vor.u32 v0, v13;
	v11 =	vor.u32 v0, v11;
	v20 =	vld.idx.msk [tilespmem:v15+s11+$0x0], $0xffff  }
0x6f: {  	v14 =	vor.u32 v0, v14;
	v16 =	vld.idx.msk [tilespmem:v22+s11+$0x0], $0xffff;
	v19 =	vand.u32 $0x73, v26;
	v15 =	vbroadcast v25, $0x0  }
0x70: {  	s21 =	simm.s32 $0xE900;
	s22 =	simm.s32 $0x10;
	v22 =	vor.u32 v0, v24;
	v17 =	vld.idx.msk [tilespmem:v27+s11+$0x0], $0xffff;
	v24 =	vand.u32 $0x7E, v23;
	v23 =	vbroadcast v19, $0x0  }
0x71: {  	s6 =	simm.s32 $0xE910;
	s10 =	simm.s32 $0xF100;
	s8 =	sshll.u32 s7, $0x1;
	v24 =	vbroadcast v24, $0x0;
	v19 =	vor.u32 v0, v30;
	v10 =	vor.u32 v0, v15;
	v15 =	vld.idx.msk [tilespmem:v29+s11+$0x0], $0xffff;
	[tilespmem:s21+$0x0] =	vst v28  }
.LBB2_4:
0x72: {  	s12 =	sadd.s32 $0x1, s22  }
0x73: {  	v25 =	vmov s22;
	s17 =	sadd.s32 $0x2, s22;
	s23 =	sadd.s32 $0xF, s22;
	[tilespmem:s21+$0xFFFFFF80] =	vst v20;
	s20 =	smov.u32 s22  }
0x74: {  	s9 =	sadd.s32 $0xB, s22;
	v20 =	vmov s12;
	v26 =	vmov s17;
	s12 =	sadd.s32 $0x4, s22;
	s17 =	sadd.s32 $0x5, s22;
	v21 =	vld.idx.msk [tilespmem:v21+s11+$0x0], $0xffff;
	v24 =	vor.u32 v0, v24  }
0x75: {  	s25 =	sadd.s32 $0xE, s22;
	v23 =	vor.u32 v0, v23;
	v27 =	vmov s12;
	v28 =	vmov s17;
	s12 =	sadd.s32 $0x7, s22;
	s17 =	sadd.s32 $0x8, s22;
	v22 =	vld.idx.msk [tilespmem:v22+s11+$0x0], $0xffff;
	[tilespmem:s21+$0x200] =	vst v18  }
0x76: {  	p1 =	slt.u32 s22, $0x30;
	s2 =	sadd.s32 $0x6, s20;
	v18 =	vand.u32 $0x71, v20;
	s22 =	sadd.s32 $0x10, s22;
	v20 =	vmov s12;
	v29 =	vmov s17;
	v14 =	vld.idx.msk [tilespmem:v14+s11+$0x0], $0xffff;
	[tilespmem:s21+$0x280] =	vst v16  }
0x77: {  	v16 =	vand.u32 $0x72, v26;
	s12 =	sadd.s32 $0x3, s20;
	v26 =	vand.u32 $0x74, v27;
	s17 =	sadd.s32 $0xA, s20;
	v27 =	vand.u32 $0x78, v29;
	[tilespmem:s21+$0x180] =	vst v17;
	v17 =	vld.idx.msk [tilespmem:v19+s11+$0x0], $0xffff  }
0x78: {  	s15 =	sadd.s32 $0xD, s20;
	v29 =	vmov s23;
	v19 =	vbroadcast v27, $0x0;
	v27 =	vmov s17;
	s17 =	sadd.s32 $0xC, s20;
	v12 =	vld.idx.msk [tilespmem:v12+s11+$0x0], $0xffff;
	[tilespmem:s21+$0xFFFFFC80] =	vst v15  }
0x79: {  	v30 =	vmov s15;
	v15 =	vand.u32 $0x70, v25;
	s20 =	sadd.s32 $0x9, s20;
	v25 =	vmov s17;
	v11 =	vld.idx.msk [tilespmem:v11+s11+$0x0], $0xffff  }
0x7a: {  	v31 =	vmov s25;
	v28 =	vand.u32 $0x75, v28;
	v19 =	vor.u32 v0, v19;
	[tilespmem:s21+$0xFFFFFD00] =	vst v21;
	v21 =	vld.idx.msk [tilespmem:v24+s11+$0x0], $0xffff  }
0x7b: {  	v20 =	vand.u32 $0x77, v20;
	v27 =	vand.u32 $0x7A, v27;
	v24 =	vmov s2;
	[tilespmem:s21+$0xFFFFFE80] =	vst v22;
	v13 =	vld.idx.msk [tilespmem:v13+s11+$0x0], $0xffff  }
0x7c: {  	v20 =	vbroadcast v20, $0x0;
	v22 =	vand.u32 $0x7C, v25;
	v25 =	vand.u32 $0x7F, v29;
	v23 =	vld.idx.msk [tilespmem:v23+s11+$0x0], $0xffff;
	[tilespmem:s21+$0x80] =	vst v14  }
0x7d: {  	v29 =	vand.u32 $0x7D, v30;
	v14 =	vmov s9;
	v22 =	vbroadcast v22, $0x0;
	v10 =	vld.idx.msk [tilespmem:v10+s11+$0x0], $0xffff;
	[tilespmem:s21+$0x380] =	vst v17  }
0x7e: {  	v16 =	vbroadcast v16, $0x0;
	v17 =	vor.u32 v0, v20;
	v20 =	vbroadcast v29, $0x0;
	[tilespmem:s21+$0xFFFFFC00] =	vst v12  }
0x7f: {  	v14 =	vand.u32 $0x7B, v14;
	v22 =	vor.u32 v0, v22;
	v12 =	vld.idx.msk [tilespmem:v19+s11+$0x0], $0xffff;
	v19 =	vmov s20;
	[tilespmem:s21+$0xFFFFFE00] =	vst v11  }
0x80: {  	v14 =	vbroadcast v14, $0x0;
	v11 =	vand.u32 $0x76, v24;
	v24 =	vor.u32 v0, v20;
	[tilespmem:s21+$0x300] =	vst v21  }
0x81: {  	v18 =	vbroadcast v18, $0x0;
	v29 =	vmov s12;
	v19 =	vand.u32 $0x79, v19;
	[tilespmem:s21+$0x100] =	vst v13  }
0x82: {  	v28 =	vbroadcast v28, $0x0;
	v13 =	vbroadcast v19, $0x0;
	v19 =	vor.u32 v0, v14;
	[tilespmem:s21+$0xFFFFFD80] =	vst v23  }
0x83: {  	v26 =	vbroadcast v26, $0x0;
	v23 =	vor.u32 v0, v18;
	v20 =	vld.idx.msk [tilespmem:v17+s11+$0x0], $0xffff;
	v17 =	vbroadcast v27, $0x0;
	[tilespmem:s21+$0xFFFFFF00] =	vst v10;
	s21 =	smov.u32 s10  }
.Ltmp4:
0x84: {  	v25 =	vbroadcast v25, $0x0;
	v10 =	vbroadcast v15, $0x0;
	v14 =	vor.u32 v0, v13;
	v18 =	vld.idx.msk [tilespmem:v22+s11+$0x0], $0xffff;
	(pc) =	sbr.rel @p1 .LBB2_4-.Ltmp4, $4  }
0x85: {  	v21 =	vor.u32 v0, v16;
	v15 =	vbroadcast v11, $0x0;
	[tilespmem:s10+$0x0] =	vst v12;
	v13 =	vor.u32 v0, v17;
	v16 =	vld.idx.msk [tilespmem:v24+s11+$0x0], $0xffff  }
0x86: {  	v11 =	vor.u32 v0, v26;
	v22 =	vor.u32 v0, v28;
	v24 =	vand.u32 $0x73, v29  }
0x87: {  	v12 =	vor.u32 v0, v10;
	v10 =	vor.u32 v0, v15;
	v17 =	vld.idx.msk [tilespmem:v19+s11+$0x0], $0xffff;
	v19 =	vand.u32 $0x7E, v31  }
0x88: {  	s12 =	simm.s32 $0x0;
	s10 =	sadd.s32 $0x800, s10;
	v15 =	vld.idx.msk [tilespmem:v23+s11+$0x0], $0xffff;
	v23 =	vbroadcast v24, $0x0;
	v24 =	vbroadcast v19, $0x0;
	v19 =	vor.u32 v0, v25  }
0x89: {  	_ =	sdelay $0x3  }
0x8a: {  	[tilespmem:s21+$0xFFFFFF80] =	vst v20;
	v20 =	vld.idx.msk [tilespmem:v21+s11+$0x0], $0xffff  }
0x8b: {  	s2 =	simm.s32 $0x1;
	s9 =	simm.s32 $0x2;
	v22 =	vld.idx.msk [tilespmem:v22+s11+$0x0], $0xffff;
	v21 =	vor.u32 v0, v24;
	v23 =	vor.u32 v0, v23  }
0x8c: {  	s22 =	simm.s32 $0x5;
	v14 =	vld.idx.msk [tilespmem:v14+s11+$0x0], $0xffff;
	s23 =	simm.s32 $0x7;
	s25 =	simm.s32 $0x8;
	v24 =	vmov s12;
	v25 =	vmov s2;
	v26 =	vmov s9  }
0x8d: {  	s20 =	simm.s32 $0x4;
	s10 =	simm.s32 $0x9;
	v27 =	vmov s22;
	[tilespmem:s21+$0x280] =	vst v16;
	v28 =	vmov s23;
	v16 =	vmov s25  }
0x8e: {  	[tilespmem:s21+$0x200] =	vst v18;
	v30 =	vld.idx.msk [tilespmem:v12+s11+$0x0], $0xffff;
	v29 =	vmov s10;
	s22 =	simm.s32 $0xB;
	v18 =	vand.u32 $0x72, v26;
	v26 =	vmov s20  }
0x8f: {  	s5 =	simm.s32 $0xE;
	v31 =	vld.idx.msk [tilespmem:v11+s11+$0x0], $0xffff;
	v16 =	vand.u32 $0x78, v16;
	v11 =	vand.u32 $0x71, v25;
	v32 =	vmov s22;
	[tilespmem:s21+$0x180] =	vst v17  }
0x90: {  	s10 =	simm.s32 $0xF;
	s20 =	simm.s32 $0xD;
	v28 =	vand.u32 $0x77, v28;
	v17 =	vld.idx.msk [tilespmem:v19+s11+$0x0], $0xffff;
	v19 =	vand.u32 $0x74, v26;
	v26 =	vmov s5;
	[tilespmem:s21+$0xFFFFFC80] =	vst v15  }
0x91: {  	s15 =	simm.s32 $0xA;
	s17 =	simm.s32 $0xC;
	v12 =	vbroadcast v16, $0x0;
	v16 =	vmov s10;
	v25 =	vmov s20;
	[tilespmem:s21+$0xFFFFFD00] =	vst v20  }
0x92: {  	v34 =	vld.idx.msk [tilespmem:v13+s11+$0x0], $0xffff;
	v15 =	vmov s15;
	v33 =	vand.u32 $0x7F, v16;
	v20 =	vmov s17;
	[tilespmem:s21+$0xFFFFFE80] =	vst v22  }
0x93: {  	s25 =	simm.s32 $0x3;
	v22 =	vor.u32 v3, v12;
	v36 =	vbroadcast v33, $0x0;
	[tilespmem:s21+$0xFFFFFC00] =	vst v30;
	v30 =	vand.u32 $0x7A, v15;
	v21 =	vld.idx.msk [tilespmem:v21+s11+$0x0], $0xffff  }
0x94: {  	[tilespmem:s21+$0x80] =	vst v14;
	v15 =	vmov s25;
	v14 =	vand.u32 $0x70, v24;
	v13 =	vand.u32 $0x7C, v20;
	v23 =	vld.idx.msk [tilespmem:v23+s11+$0x0], $0xffff  }
0x95: {  	v20 =	vand.u32 $0x7D, v25;
	v25 =	vand.u32 $0x7E, v26;
	v14 =	vbroadcast v14, $0x0;
	[tilespmem:s21+$0x380] =	vst v17;
	v17 =	vld.idx.msk [tilespmem:v10+s11+$0x0], $0xffff  }
0x96: {  	[tilespmem:s21+$0xFFFFFE00] =	vst v31;
	v26 =	vand.u32 $0x7B, v32;
	v16 =	vbroadcast v13, $0x0;
	v13 =	vbroadcast v18, $0x0  }
0x97: {  	[tilespmem:s21+$0x100] =	vst v34;
	v18 =	vand.u32 $0x75, v27;
	v27 =	vand.u32 $0x79, v29;
	v20 =	vbroadcast v20, $0x0  }
0x98: {  	s23 =	simm.s32 $0x6;
	v39 =	vbroadcast v26, $0x0;
	v34 =	vor.u32 v3, v36;
	v31 =	vor.u32 v3, v16;
	[tilespmem:s21+$0x300] =	vst v21  }
0x99: {  	v10 =	vmov s23;
	v18 =	vbroadcast v18, $0x0;
	[tilespmem:s21+$0xFFFFFD80] =	vst v23;
	v21 =	vbroadcast v28, $0x0  }
0x9a: {  	v24 =	vand.u32 $0x76, v10;
	v10 =	vbroadcast v25, $0x0;
	v25 =	vor.u32 v3, v13;
	[tilespmem:s21+$0xFFFFFF00] =	vst v17  }
0x9b: {  	v26 =	vor.u32 v3, v14;
	v35 =	vor.u32 v3, v20;
	v38 =	vor.u32 v3, v21;
	v37 =	vld.idx.msk [tilespmem:v22+s11+$0x0], $0xffff  }
0x9c: {  	v23 =	vand.u32 $0x73, v15;
	v15 =	vbroadcast v24, $0x0;
	v17 =	vbroadcast v19, $0x0  }
0x9d: {  	v24 =	vor.u32 v3, v18;
	v19 =	vbroadcast v30, $0x0;
	v22 =	vbroadcast v23, $0x0;
	v33 =	vld.idx.msk [tilespmem:v31+s11+$0x0], $0xffff  }
0x9e: {  	v28 =	vor.u32 v3, v10;
	v31 =	vbroadcast v27, $0x0;
	v32 =	vor.u32 v3, v17  }
0x9f: {  	v29 =	vor.u32 v3, v15;
	v27 =	vld.idx.msk [tilespmem:v25+s11+$0x0], $0xffff;
	v23 =	vor.u32 v3, v19;
	v22 =	vor.u32 v3, v22  }
0xa0: {  	s12 =	simm.s32 $0x10;
	s22 =	simm.s32 $0xE920;
	s10 =	simm.s32 $0xF110;
	v36 =	vbroadcast v11, $0x0;
	v25 =	vor.u32 v3, v31;
	v31 =	vor.u32 v3, v39;
	v30 =	vld.idx.msk [tilespmem:v38+s11+$0x0], $0xffff;
	[tilespmem:s6+$0x0] =	vst v37  }
.LBB2_6:
0xa1: {  	s2 =	sadd.s32 $0x1, s12  }
0xa2: {  	v37 =	vmov s12;
	s9 =	sadd.s32 $0x2, s12;
	s15 =	sadd.s32 $0xE, s12;
	[tilespmem:s6+$0x200] =	vst v33;
	v33 =	vld.idx.msk [tilespmem:v35+s11+$0x0], $0xffff;
	s17 =	smov.u32 s12  }
0xa3: {  	s20 =	sadd.s32 $0x9, s12;
	v35 =	vmov s2;
	v38 =	vmov s9;
	s2 =	sadd.s32 $0x4, s12;
	s9 =	sadd.s32 $0x5, s12;
	v36 =	vor.u32 v3, v36;
	v32 =	vld.idx.msk [tilespmem:v32+s11+$0x0], $0xffff  }
0xa4: {  	s23 =	sadd.s32 $0x3, s12;
	v38 =	vand.u32 $0x72, v38;
	v39 =	vmov s2;
	v40 =	vmov s9;
	s2 =	sadd.s32 $0x7, s12;
	s9 =	sadd.s32 $0x8, s12;
	v29 =	vld.idx.msk [tilespmem:v29+s11+$0x0], $0xffff  }
0xa5: {  	s21 =	sadd.s32 $0x10, s12;
	s25 =	sadd.s32 $0x6, s17;
	v43 =	vmov s20;
	v41 =	vmov s2;
	v42 =	vmov s9;
	s2 =	sadd.s32 $0xF, s17;
	v34 =	vld.idx.msk [tilespmem:v34+s11+$0x0], $0xffff  }
0xa6: {  	p1 =	slt.u32 s12, $0x30;
	v44 =	vmov s15;
	v39 =	vand.u32 $0x74, v39;
	s9 =	sadd.s32 $0xA, s17;
	v42 =	vand.u32 $0x78, v42;
	[tilespmem:s6+$0xFFFFFD00] =	vst v27;
	v27 =	vld.idx.msk [tilespmem:v28+s11+$0x0], $0xffff  }
0xa7: {  	s12 =	sadd.s32 $0xD, s17;
	v45 =	vmov s2;
	v28 =	vbroadcast v42, $0x0;
	v42 =	vmov s9;
	s9 =	sadd.s32 $0xC, s17;
	[tilespmem:s6+$0xFFFFFF80] =	vst v30;
	v30 =	vld.idx.msk [tilespmem:v31+s11+$0x0], $0xffff  }
0xa8: {  	v46 =	vmov s12;
	s2 =	sadd.s32 $0xB, s17;
	v31 =	vand.u32 $0x71, v35;
	v35 =	vmov s9;
	v36 =	vld.idx.msk [tilespmem:v36+s11+$0x0], $0xffff;
	[tilespmem:s6+$0x280] =	vst v33  }
0xa9: {  	v45 =	vand.u32 $0x7F, v45;
	v33 =	vmov s2;
	v28 =	vor.u32 v3, v28;
	v26 =	vld.idx.msk [tilespmem:v26+s11+$0x0], $0xffff;
	[tilespmem:s6+$0xFFFFFE00] =	vst v32  }
0xaa: {  	v44 =	vand.u32 $0x7E, v44;
	v32 =	vand.u32 $0x7C, v35;
	v35 =	vand.u32 $0x7D, v46;
	v24 =	vld.idx.msk [tilespmem:v24+s11+$0x0], $0xffff;
	[tilespmem:s6+$0xFFFFFF00] =	vst v29  }
0xab: {  	v45 =	vbroadcast v45, $0x0;
	v29 =	vand.u32 $0x7B, v33;
	v32 =	vbroadcast v32, $0x0;
	v23 =	vld.idx.msk [tilespmem:v23+s11+$0x0], $0xffff;
	[tilespmem:s6+$0x380] =	vst v34  }
0xac: {  	v33 =	vmov s25;
	v34 =	vand.u32 $0x77, v41;
	v41 =	vand.u32 $0x7A, v42;
	v25 =	vld.idx.msk [tilespmem:v25+s11+$0x0], $0xffff;
	[tilespmem:s6+$0x300] =	vst v27  }
0xad: {  	v27 =	vbroadcast v38, $0x0;
	v38 =	vmov s23;
	v32 =	vor.u32 v3, v32;
	v22 =	vld.idx.msk [tilespmem:v22+s11+$0x0], $0xffff;
	[tilespmem:s6+$0x180] =	vst v30  }
0xae: {  	v30 =	vand.u32 $0x70, v37;
	v37 =	vand.u32 $0x75, v40;
	v40 =	vand.u32 $0x79, v43;
	v28 =	vld.idx.msk [tilespmem:v28+s11+$0x0], $0xffff;
	[tilespmem:s6+$0xFFFFFC80] =	vst v36  }
0xaf: {  	v35 =	vbroadcast v35, $0x0;
	v33 =	vand.u32 $0x76, v33;
	v30 =	vbroadcast v30, $0x0;
	[tilespmem:s6+$0xFFFFFC00] =	vst v26  }
0xb0: {  	v34 =	vbroadcast v34, $0x0;
	v36 =	vbroadcast v44, $0x0;
	v26 =	vand.u32 $0x73, v38;
	[tilespmem:s6+$0xFFFFFE80] =	vst v24  }
0xb1: {  	v27 =	vor.u32 v3, v27;
	v38 =	vbroadcast v33, $0x0;
	v24 =	vbroadcast v39, $0x0;
	[tilespmem:s6+$0x100] =	vst v23  }
0xb2: {  	v39 =	vor.u32 v3, v34;
	v23 =	vbroadcast v41, $0x0;
	v41 =	vbroadcast v29, $0x0;
	v33 =	vld.idx.msk [tilespmem:v32+s11+$0x0], $0xffff;
	[tilespmem:s6+$0x80] =	vst v25  }
.Ltmp5:
0xb3: {  	v35 =	vor.u32 v3, v35;
	v25 =	vbroadcast v26, $0x0;
	v26 =	vbroadcast v37, $0x0;
	[tilespmem:s6+$0xFFFFFD80] =	vst v22;
	s6 =	smov.u32 s10;
	(pc) =	sbr.rel @p1 .LBB2_6-.Ltmp5, $4  }
0xb4: {  	v29 =	vor.u32 v3, v38;
	v32 =	vor.u32 v3, v24;
	v23 =	vor.u32 v3, v23;
	[tilespmem:s10+$0x0] =	vst v28  }
0xb5: {  	v22 =	vor.u32 v3, v25;
	v24 =	vor.u32 v3, v26;
	v25 =	vbroadcast v40, $0x0  }
0xb6: {  	v34 =	vor.u32 v3, v45;
	v26 =	vor.u32 v3, v30;
	v28 =	vor.u32 v3, v36;
	v27 =	vld.idx.msk [tilespmem:v27+s11+$0x0], $0xffff  }
0xb7: {  	s12 =	smov.u32 s21;
	v36 =	vbroadcast v31, $0x0;
	v31 =	vor.u32 v3, v41;
	s10 =	sadd.s32 $0x800, s10;
	v25 =	vor.u32 v3, v25;
	v30 =	vld.idx.msk [tilespmem:v39+s11+$0x0], $0xffff  }
0xb8: {  	_ =	sdelay $0x3  }
0xb9: {  	v35 =	vld.idx.msk [tilespmem:v35+s11+$0x0], $0xffff  }
0xba: {  	v32 =	vld.idx.msk [tilespmem:v32+s11+$0x0], $0xffff  }
0xbb: {  	[tilespmem:s6+$0x200] =	vst v33;
	v29 =	vld.idx.msk [tilespmem:v29+s11+$0x0], $0xffff  }
0xbc: {  	v59 =	vld.idx.msk [tilespmem:v34+s11+$0x0], $0xffff;
	[tilespmem:s6+$0xFFFFFD00] =	vst v27  }
0xbd: {  	v60 =	vld.idx.msk [tilespmem:v31+s11+$0x0], $0xffff;
	[tilespmem:s6+$0xFFFFFF80] =	vst v30  }
0xbe: {  	v26 =	vld.idx.msk [tilespmem:v26+s11+$0x0], $0xffff;
	[tilespmem:s6+$0x280] =	vst v35  }
0xbf: {  	v24 =	vld.idx.msk [tilespmem:v24+s11+$0x0], $0xffff;
	v36 =	vor.u32 v3, v36;
	[tilespmem:s6+$0xFFFFFE00] =	vst v32  }
0xc0: {  	v23 =	vld.idx.msk [tilespmem:v23+s11+$0x0], $0xffff;
	[tilespmem:s6+$0xFFFFFF00] =	vst v29  }
0xc1: {  	v25 =	vld.idx.msk [tilespmem:v25+s11+$0x0], $0xffff;
	[tilespmem:s6+$0x380] =	vst v59  }
0xc2: {  	v22 =	vld.idx.msk [tilespmem:v22+s11+$0x0], $0xffff;
	[tilespmem:s6+$0x180] =	vst v60  }
0xc3: {  	v27 =	vld.idx.msk [tilespmem:v28+s11+$0x0], $0xffff;
	[tilespmem:s6+$0xFFFFFC00] =	vst v26  }
0xc4: {  	s2 =	simm.s32 $0xB;
	[tilespmem:s6+$0xFFFFFE80] =	vst v24;
	v61 =	vld.idx.msk [tilespmem:v36+s11+$0x0], $0xffff  }
0xc5: {  	v12 =	vor.u32 v4, v12;
	v26 =	vmov s2;
	[tilespmem:s6+$0x100] =	vst v23  }
0xc6: {  	v21 =	vor.u32 v4, v21;
	[tilespmem:s6+$0x80] =	vst v25;
	v24 =	vand.u32 $0x7B, v26  }
0xc7: {  	s21 =	simm.s32 $0x9;
	v16 =	vor.u32 v4, v16;
	[tilespmem:s6+$0xFFFFFD80] =	vst v22;
	v23 =	vbroadcast v24, $0x0  }
0xc8: {  	v11 =	vbroadcast v11, $0x0;
	v25 =	vor.u32 v4, v20;
	v24 =	vmov s21;
	[tilespmem:s6+$0x300] =	vst v27  }
0xc9: {  	s23 =	simm.s32 $0xF;
	v20 =	vand.u32 $0x79, v24;
	v24 =	vor.u32 v4, v23;
	[tilespmem:s6+$0xFFFFFC80] =	vst v61  }
0xca: {  	v22 =	vmov s23;
	v27 =	vor.u32 v4, v11;
	v26 =	vld.idx.msk [tilespmem:v12+s11+$0x0], $0xffff  }
0xcb: {  	s25 =	simm.s32 $0x3;
	v18 =	vor.u32 v4, v18;
	v11 =	vand.u32 $0x7F, v22;
	v22 =	vld.idx.msk [tilespmem:v21+s11+$0x0], $0xffff  }
0xcc: {  	v62 =	vmov s25;
	v63 =	vbroadcast v11, $0x0;
	v23 =	vor.u32 v4, v13;
	v21 =	vld.idx.msk [tilespmem:v16+s11+$0x0], $0xffff  }
0xcd: {  	v11 =	vor.u32 v4, v17;
	v12 =	vbroadcast v20, $0x0;
	v16 =	vor.u32 v4, v19;
	v19 =	vld.idx.msk [tilespmem:v25+s11+$0x0], $0xffff  }
0xce: {  	v13 =	vor.u32 v4, v15;
	v15 =	vor.u32 v4, v63;
	v25 =	vand.u32 $0x73, v62;
	v17 =	vld.idx.msk [tilespmem:v24+s11+$0x0], $0xffff  }
0xcf: {  	s10 =	simm.s32 $0xF120;
	s21 =	simm.s32 $0x10;
	s6 =	simm.s32 $0xE930;
	v20 =	vor.u32 v4, v12;
	v12 =	vor.u32 v4, v14;
	v14 =	vld.idx.msk [tilespmem:v27+s11+$0x0], $0xffff;
	v24 =	vbroadcast v25, $0x0;
	[tilespmem:s22+$0x0] =	vst v26  }
.LBB2_8:
0xd0: {  	s2 =	sadd.s32 $0x1, s21  }
0xd1: {  	v25 =	vmov s21;
	s9 =	sadd.s32 $0x2, s21;
	s12 =	sadd.s32 $0xF, s21;
	[tilespmem:s22+$0xFFFFFF80] =	vst v22;
	s15 =	smov.u32 s21  }
0xd2: {  	s17 =	sadd.s32 $0xB, s21;
	v22 =	vmov s2;
	v26 =	vmov s9;
	s2 =	sadd.s32 $0x4, s21;
	s9 =	sadd.s32 $0x5, s21;
	v23 =	vld.idx.msk [tilespmem:v23+s11+$0x0], $0xffff;
	v10 =	vor.u32 v4, v10  }
0xd3: {  	s20 =	sadd.s32 $0xE, s21;
	v24 =	vor.u32 v4, v24;
	v27 =	vmov s2;
	v28 =	vmov s9;
	s2 =	sadd.s32 $0x7, s21;
	s9 =	sadd.s32 $0x8, s21;
	v18 =	vld.idx.msk [tilespmem:v18+s11+$0x0], $0xffff;
	[tilespmem:s22+$0x200] =	vst v21  }
0xd4: {  	p1 =	slt.u32 s21, $0x30;
	s23 =	sadd.s32 $0x6, s15;
	v21 =	vand.u32 $0x71, v22;
	s21 =	sadd.s32 $0x10, s21;
	v22 =	vmov s2;
	v29 =	vmov s9;
	v20 =	vld.idx.msk [tilespmem:v20+s11+$0x0], $0xffff;
	[tilespmem:s22+$0x280] =	vst v19  }
0xd5: {  	v19 =	vand.u32 $0x72, v26;
	s2 =	sadd.s32 $0x3, s15;
	v26 =	vand.u32 $0x74, v27;
	s9 =	sadd.s32 $0xA, s15;
	v27 =	vand.u32 $0x78, v29;
	[tilespmem:s22+$0x180] =	vst v17;
	v15 =	vld.idx.msk [tilespmem:v15+s11+$0x0], $0xffff  }
0xd6: {  	s25 =	sadd.s32 $0xD, s15;
	v29 =	vmov s12;
	v17 =	vbroadcast v27, $0x0;
	v27 =	vmov s9;
	s9 =	sadd.s32 $0xC, s15;
	v12 =	vld.idx.msk [tilespmem:v12+s11+$0x0], $0xffff;
	[tilespmem:s22+$0xFFFFFC80] =	vst v14  }
0xd7: {  	v30 =	vmov s25;
	s12 =	sadd.s32 $0x9, s15;
	v14 =	vand.u32 $0x70, v25;
	v25 =	vmov s9;
	v11 =	vld.idx.msk [tilespmem:v11+s11+$0x0], $0xffff  }
0xd8: {  	v31 =	vmov s20;
	v28 =	vand.u32 $0x75, v28;
	v17 =	vor.u32 v4, v17;
	[tilespmem:s22+$0xFFFFFD00] =	vst v23;
	v10 =	vld.idx.msk [tilespmem:v10+s11+$0x0], $0xffff  }
0xd9: {  	v22 =	vand.u32 $0x77, v22;
	v27 =	vand.u32 $0x7A, v27;
	v23 =	vmov s23;
	[tilespmem:s22+$0xFFFFFE80] =	vst v18;
	v16 =	vld.idx.msk [tilespmem:v16+s11+$0x0], $0xffff  }
0xda: {  	v18 =	vbroadcast v22, $0x0;
	v22 =	vand.u32 $0x7C, v25;
	v25 =	vand.u32 $0x7F, v29;
	v24 =	vld.idx.msk [tilespmem:v24+s11+$0x0], $0xffff;
	[tilespmem:s22+$0x80] =	vst v20  }
0xdb: {  	v29 =	vand.u32 $0x7D, v30;
	v20 =	vmov s17;
	v22 =	vbroadcast v22, $0x0;
	v13 =	vld.idx.msk [tilespmem:v13+s11+$0x0], $0xffff;
	[tilespmem:s22+$0x380] =	vst v15  }
0xdc: {  	v15 =	vbroadcast v19, $0x0;
	v18 =	vor.u32 v4, v18;
	v19 =	vbroadcast v29, $0x0;
	[tilespmem:s22+$0xFFFFFC00] =	vst v12  }
0xdd: {  	v20 =	vand.u32 $0x7B, v20;
	v29 =	vor.u32 v4, v22;
	v12 =	vld.idx.msk [tilespmem:v17+s11+$0x0], $0xffff;
	v17 =	vmov s12;
	[tilespmem:s22+$0xFFFFFE00] =	vst v11  }
0xde: {  	v20 =	vbroadcast v20, $0x0;
	v11 =	vand.u32 $0x76, v23;
	v19 =	vor.u32 v4, v19;
	[tilespmem:s22+$0x300] =	vst v10  }
0xdf: {  	v30 =	vmov s2;
	v10 =	vbroadcast v21, $0x0;
	v17 =	vand.u32 $0x79, v17;
	[tilespmem:s22+$0x100] =	vst v16  }
0xe0: {  	v28 =	vbroadcast v28, $0x0;
	v16 =	vbroadcast v17, $0x0;
	v17 =	vor.u32 v4, v20;
	[tilespmem:s22+$0xFFFFFD80] =	vst v24  }
0xe1: {  	v10 =	vor.u32 v4, v10;
	v24 =	vbroadcast v26, $0x0;
	v22 =	vld.idx.msk [tilespmem:v18+s11+$0x0], $0xffff;
	v18 =	vbroadcast v27, $0x0;
	[tilespmem:s22+$0xFFFFFF00] =	vst v13;
	s22 =	smov.u32 s10  }
.Ltmp6:
0xe2: {  	v25 =	vbroadcast v25, $0x0;
	v13 =	vbroadcast v14, $0x0;
	v20 =	vor.u32 v4, v16;
	v21 =	vld.idx.msk [tilespmem:v29+s11+$0x0], $0xffff;
	(pc) =	sbr.rel @p1 .LBB2_8-.Ltmp6, $4  }
0xe3: {  	v23 =	vor.u32 v4, v15;
	v14 =	vbroadcast v11, $0x0;
	[tilespmem:s10+$0x0] =	vst v12;
	v16 =	vor.u32 v4, v18;
	v19 =	vld.idx.msk [tilespmem:v19+s11+$0x0], $0xffff  }
0xe4: {  	v15 =	vand.u32 $0x73, v30;
	v11 =	vor.u32 v4, v24;
	v18 =	vor.u32 v4, v28  }
0xe5: {  	v26 =	vand.u32 $0x7E, v31;
	v12 =	vor.u32 v4, v13;
	v13 =	vor.u32 v4, v14;
	v17 =	vld.idx.msk [tilespmem:v17+s11+$0x0], $0xffff  }
0xe6: {  	s12 =	simm.s32 $0x0;
	v24 =	vbroadcast v15, $0x0;
	v15 =	vor.u32 v4, v25;
	s10 =	sadd.s32 $0x800, s10;
	v14 =	vld.idx.msk [tilespmem:v10+s11+$0x0], $0xffff;
	v10 =	vbroadcast v26, $0x0  }
0xe7: {  	_ =	sdelay $0x3  }
0xe8: {  	[tilespmem:s22+$0xFFFFFF80] =	vst v22;
	v22 =	vld.idx.msk [tilespmem:v23+s11+$0x0], $0xffff  }
0xe9: {  	s2 =	simm.s32 $0x1;
	s9 =	simm.s32 $0x2;
	v18 =	vld.idx.msk [tilespmem:v18+s11+$0x0], $0xffff;
	v10 =	vor.u32 v4, v10;
	v23 =	vor.u32 v4, v24  }
0xea: {  	s21 =	simm.s32 $0x5;
	v20 =	vld.idx.msk [tilespmem:v20+s11+$0x0], $0xffff;
	s23 =	simm.s32 $0x7;
	s25 =	simm.s32 $0x8;
	v24 =	vmov s12;
	v25 =	vmov s2;
	v26 =	vmov s9  }
0xeb: {  	s20 =	simm.s32 $0x4;
	s10 =	simm.s32 $0x9;
	v27 =	vmov s21;
	[tilespmem:s22+$0x280] =	vst v19;
	v19 =	vmov s23;
	v28 =	vmov s25  }
0xec: {  	[tilespmem:s22+$0x200] =	vst v21;
	v15 =	vld.idx.msk [tilespmem:v15+s11+$0x0], $0xffff;
	v29 =	vmov s10;
	s21 =	simm.s32 $0xB;
	v21 =	vand.u32 $0x72, v26;
	v26 =	vmov s20  }
0xed: {  	s5 =	simm.s32 $0xE;
	v31 =	vld.idx.msk [tilespmem:v11+s11+$0x0], $0xffff;
	v11 =	vand.u32 $0x71, v25;
	v32 =	vmov s21;
	v19 =	vand.u32 $0x77, v19;
	[tilespmem:s22+$0x180] =	vst v17  }
0xee: {  	s15 =	simm.s32 $0xA;
	v30 =	vld.idx.msk [tilespmem:v12+s11+$0x0], $0xffff;
	s20 =	simm.s32 $0xD;
	v17 =	vand.u32 $0x74, v26;
	v26 =	vand.u32 $0x78, v28;
	v28 =	vmov s5;
	[tilespmem:s22+$0xFFFFFC80] =	vst v14  }
0xef: {  	s17 =	simm.s32 $0xC;
	s10 =	simm.s32 $0xF;
	v25 =	vmov s20;
	v12 =	vbroadcast v26, $0x0;
	v14 =	vmov s15;
	[tilespmem:s22+$0xFFFFFD00] =	vst v22  }
0xf0: {  	v33 =	vld.idx.msk [tilespmem:v16+s11+$0x0], $0xffff;
	v26 =	vmov s10;
	v17 =	vbroadcast v17, $0x0;
	v22 =	vmov s17;
	[tilespmem:s22+$0x80] =	vst v20  }
0xf1: {  	s25 =	simm.s32 $0x3;
	v26 =	vand.u32 $0x7F, v26;
	v20 =	vand.u32 $0x7D, v25;
	[tilespmem:s22+$0x380] =	vst v15;
	v25 =	vand.u32 $0x7B, v32;
	v15 =	vld.idx.msk [tilespmem:v13+s11+$0x0], $0xffff  }
0xf2: {  	[tilespmem:s22+$0xFFFFFE80] =	vst v18;
	v13 =	vbroadcast v21, $0x0;
	v21 =	vmov s25;
	v18 =	vor.u32 v5, v12;
	v23 =	vld.idx.msk [tilespmem:v23+s11+$0x0], $0xffff  }
0xf3: {  	s23 =	simm.s32 $0x6;
	[tilespmem:s22+$0xFFFFFC00] =	vst v30;
	v10 =	vld.idx.msk [tilespmem:v10+s11+$0x0], $0xffff;
	v16 =	vand.u32 $0x7C, v22;
	v22 =	vand.u32 $0x7E, v28;
	v34 =	vbroadcast v26, $0x0  }
0xf4: {  	[tilespmem:s22+$0xFFFFFE00] =	vst v31;
	v26 =	vmov s23;
	v28 =	vand.u32 $0x7A, v14;
	v16 =	vbroadcast v16, $0x0  }
0xf5: {  	[tilespmem:s22+$0x100] =	vst v33;
	v20 =	vbroadcast v20, $0x0;
	v38 =	vbroadcast v25, $0x0;
	v32 =	vor.u32 v5, v17  }
0xf6: {  	v26 =	vand.u32 $0x76, v26;
	v31 =	vor.u32 v5, v13;
	v30 =	vor.u32 v5, v16;
	[tilespmem:s22+$0xFFFFFF00] =	vst v15  }
0xf7: {  	v35 =	vor.u32 v5, v20;
	[tilespmem:s22+$0xFFFFFD80] =	vst v23;
	v23 =	vand.u32 $0x73, v21;
	v21 =	vbroadcast v19, $0x0  }
0xf8: {  	v34 =	vor.u32 v5, v34;
	v15 =	vbroadcast v26, $0x0;
	[tilespmem:s22+$0x300] =	vst v10;
	v10 =	vand.u32 $0x70, v24  }
0xf9: {  	v24 =	vand.u32 $0x75, v27;
	v19 =	vbroadcast v28, $0x0;
	v36 =	vld.idx.msk [tilespmem:v18+s11+$0x0], $0xffff;
	v37 =	vor.u32 v5, v21  }
0xfa: {  	v27 =	vand.u32 $0x79, v29;
	v14 =	vbroadcast v10, $0x0;
	v10 =	vbroadcast v22, $0x0  }
0xfb: {  	v22 =	vbroadcast v23, $0x0;
	v18 =	vbroadcast v24, $0x0;
	v29 =	vor.u32 v5, v15;
	v33 =	vld.idx.msk [tilespmem:v30+s11+$0x0], $0xffff  }
0xfc: {  	v25 =	vbroadcast v27, $0x0;
	v27 =	vld.idx.msk [tilespmem:v31+s11+$0x0], $0xffff;
	v31 =	vor.u32 v5, v38;
	v23 =	vor.u32 v5, v19  }
0xfd: {  	v22 =	vor.u32 v5, v22;
	v24 =	vor.u32 v5, v18;
	v26 =	vor.u32 v5, v14  }
0xfe: {  	s12 =	simm.s32 $0x10;
	s10 =	simm.s32 $0xF130;
	s22 =	simm.s32 $0xE940;
	v28 =	vor.u32 v5, v10;
	v25 =	vor.u32 v5, v25;
	[tilespmem:s6+$0x0] =	vst v36;
	v36 =	vbroadcast v11, $0x0;
	v30 =	vld.idx.msk [tilespmem:v37+s11+$0x0], $0xffff  }
.LBB2_10:
0xff: {  	s2 =	sadd.s32 $0x1, s12  }
0x100: {  	v37 =	vmov s12;
	s9 =	sadd.s32 $0x2, s12;
	s15 =	sadd.s32 $0xE, s12;
	[tilespmem:s6+$0x200] =	vst v33;
	v33 =	vld.idx.msk [tilespmem:v35+s11+$0x0], $0xffff;
	s17 =	smov.u32 s12  }
0x101: {  	s20 =	sadd.s32 $0x9, s12;
	v35 =	vmov s2;
	v38 =	vmov s9;
	s2 =	sadd.s32 $0x4, s12;
	s9 =	sadd.s32 $0x5, s12;
	v36 =	vor.u32 v5, v36;
	v32 =	vld.idx.msk [tilespmem:v32+s11+$0x0], $0xffff  }
0x102: {  	s23 =	sadd.s32 $0x3, s12;
	v38 =	vand.u32 $0x72, v38;
	v39 =	vmov s2;
	v40 =	vmov s9;
	s2 =	sadd.s32 $0x7, s12;
	s9 =	sadd.s32 $0x8, s12;
	v29 =	vld.idx.msk [tilespmem:v29+s11+$0x0], $0xffff  }
0x103: {  	s21 =	sadd.s32 $0x10, s12;
	s25 =	sadd.s32 $0x6, s17;
	v43 =	vmov s20;
	v41 =	vmov s2;
	v42 =	vmov s9;
	s2 =	sadd.s32 $0xF, s17;
	v34 =	vld.idx.msk [tilespmem:v34+s11+$0x0], $0xffff  }
0x104: {  	p1 =	slt.u32 s12, $0x30;
	v44 =	vmov s15;
	v39 =	vand.u32 $0x74, v39;
	s9 =	sadd.s32 $0xA, s17;
	v42 =	vand.u32 $0x78, v42;
	[tilespmem:s6+$0xFFFFFD00] =	vst v27;
	v27 =	vld.idx.msk [tilespmem:v28+s11+$0x0], $0xffff  }
0x105: {  	s12 =	sadd.s32 $0xD, s17;
	v45 =	vmov s2;
	v28 =	vbroadcast v42, $0x0;
	v42 =	vmov s9;
	s9 =	sadd.s32 $0xC, s17;
	[tilespmem:s6+$0xFFFFFF80] =	vst v30;
	v30 =	vld.idx.msk [tilespmem:v31+s11+$0x0], $0xffff  }
0x106: {  	v46 =	vmov s12;
	s2 =	sadd.s32 $0xB, s17;
	v31 =	vand.u32 $0x71, v35;
	v35 =	vmov s9;
	v36 =	vld.idx.msk [tilespmem:v36+s11+$0x0], $0xffff;
	[tilespmem:s6+$0x280] =	vst v33  }
0x107: {  	v45 =	vand.u32 $0x7F, v45;
	v33 =	vmov s2;
	v28 =	vor.u32 v5, v28;
	v26 =	vld.idx.msk [tilespmem:v26+s11+$0x0], $0xffff;
	[tilespmem:s6+$0xFFFFFE00] =	vst v32  }
0x108: {  	v44 =	vand.u32 $0x7E, v44;
	v32 =	vand.u32 $0x7C, v35;
	v35 =	vand.u32 $0x7D, v46;
	v24 =	vld.idx.msk [tilespmem:v24+s11+$0x0], $0xffff;
	[tilespmem:s6+$0xFFFFFF00] =	vst v29  }
0x109: {  	v45 =	vbroadcast v45, $0x0;
	v29 =	vand.u32 $0x7B, v33;
	v32 =	vbroadcast v32, $0x0;
	v23 =	vld.idx.msk [tilespmem:v23+s11+$0x0], $0xffff;
	[tilespmem:s6+$0x380] =	vst v34  }
0x10a: {  	v33 =	vmov s25;
	v34 =	vand.u32 $0x77, v41;
	v41 =	vand.u32 $0x7A, v42;
	v25 =	vld.idx.msk [tilespmem:v25+s11+$0x0], $0xffff;
	[tilespmem:s6+$0x300] =	vst v27  }
0x10b: {  	v27 =	vbroadcast v38, $0x0;
	v38 =	vmov s23;
	v32 =	vor.u32 v5, v32;
	v22 =	vld.idx.msk [tilespmem:v22+s11+$0x0], $0xffff;
	[tilespmem:s6+$0x180] =	vst v30  }
0x10c: {  	v30 =	vand.u32 $0x70, v37;
	v37 =	vand.u32 $0x75, v40;
	v40 =	vand.u32 $0x79, v43;
	v28 =	vld.idx.msk [tilespmem:v28+s11+$0x0], $0xffff;
	[tilespmem:s6+$0xFFFFFC80] =	vst v36  }
0x10d: {  	v35 =	vbroadcast v35, $0x0;
	v33 =	vand.u32 $0x76, v33;
	v30 =	vbroadcast v30, $0x0;
	[tilespmem:s6+$0xFFFFFC00] =	vst v26  }
0x10e: {  	v34 =	vbroadcast v34, $0x0;
	v36 =	vbroadcast v44, $0x0;
	v26 =	vand.u32 $0x73, v38;
	[tilespmem:s6+$0xFFFFFE80] =	vst v24  }
0x10f: {  	v27 =	vor.u32 v5, v27;
	v38 =	vbroadcast v33, $0x0;
	v24 =	vbroadcast v39, $0x0;
	[tilespmem:s6+$0x100] =	vst v23  }
0x110: {  	v39 =	vor.u32 v5, v34;
	v23 =	vbroadcast v41, $0x0;
	v41 =	vbroadcast v29, $0x0;
	v33 =	vld.idx.msk [tilespmem:v32+s11+$0x0], $0xffff;
	[tilespmem:s6+$0x80] =	vst v25  }
.Ltmp7:
0x111: {  	v35 =	vor.u32 v5, v35;
	v25 =	vbroadcast v26, $0x0;
	v26 =	vbroadcast v37, $0x0;
	[tilespmem:s6+$0xFFFFFD80] =	vst v22;
	s6 =	smov.u32 s10;
	(pc) =	sbr.rel @p1 .LBB2_10-.Ltmp7, $4  }
0x112: {  	v29 =	vor.u32 v5, v38;
	v32 =	vor.u32 v5, v24;
	v23 =	vor.u32 v5, v23;
	[tilespmem:s10+$0x0] =	vst v28  }
0x113: {  	v22 =	vor.u32 v5, v25;
	v24 =	vor.u32 v5, v26;
	v25 =	vbroadcast v40, $0x0  }
0x114: {  	v34 =	vor.u32 v5, v45;
	v26 =	vor.u32 v5, v30;
	v28 =	vor.u32 v5, v36;
	v27 =	vld.idx.msk [tilespmem:v27+s11+$0x0], $0xffff  }
0x115: {  	s12 =	smov.u32 s21;
	v36 =	vbroadcast v31, $0x0;
	v31 =	vor.u32 v5, v41;
	s10 =	sadd.s32 $0x800, s10;
	v25 =	vor.u32 v5, v25;
	v30 =	vld.idx.msk [tilespmem:v39+s11+$0x0], $0xffff  }
0x116: {  	_ =	sdelay $0x3  }
0x117: {  	v35 =	vld.idx.msk [tilespmem:v35+s11+$0x0], $0xffff  }
0x118: {  	v32 =	vld.idx.msk [tilespmem:v32+s11+$0x0], $0xffff  }
0x119: {  	[tilespmem:s6+$0x200] =	vst v33;
	v29 =	vld.idx.msk [tilespmem:v29+s11+$0x0], $0xffff  }
0x11a: {  	v59 =	vld.idx.msk [tilespmem:v34+s11+$0x0], $0xffff;
	[tilespmem:s6+$0xFFFFFD00] =	vst v27  }
0x11b: {  	v60 =	vld.idx.msk [tilespmem:v31+s11+$0x0], $0xffff;
	[tilespmem:s6+$0xFFFFFF80] =	vst v30  }
0x11c: {  	v26 =	vld.idx.msk [tilespmem:v26+s11+$0x0], $0xffff;
	[tilespmem:s6+$0x280] =	vst v35  }
0x11d: {  	v24 =	vld.idx.msk [tilespmem:v24+s11+$0x0], $0xffff;
	v36 =	vor.u32 v5, v36;
	[tilespmem:s6+$0xFFFFFE00] =	vst v32  }
0x11e: {  	v23 =	vld.idx.msk [tilespmem:v23+s11+$0x0], $0xffff;
	[tilespmem:s6+$0xFFFFFF00] =	vst v29  }
0x11f: {  	v25 =	vld.idx.msk [tilespmem:v25+s11+$0x0], $0xffff;
	[tilespmem:s6+$0x380] =	vst v59  }
0x120: {  	v22 =	vld.idx.msk [tilespmem:v22+s11+$0x0], $0xffff;
	[tilespmem:s6+$0x180] =	vst v60  }
0x121: {  	v27 =	vld.idx.msk [tilespmem:v28+s11+$0x0], $0xffff;
	[tilespmem:s6+$0xFFFFFC00] =	vst v26  }
0x122: {  	s2 =	simm.s32 $0xB;
	[tilespmem:s6+$0xFFFFFE80] =	vst v24;
	v61 =	vld.idx.msk [tilespmem:v36+s11+$0x0], $0xffff  }
0x123: {  	v12 =	vor.u32 v6, v12;
	v26 =	vmov s2;
	[tilespmem:s6+$0x100] =	vst v23  }
0x124: {  	v21 =	vor.u32 v6, v21;
	[tilespmem:s6+$0x80] =	vst v25;
	v24 =	vand.u32 $0x7B, v26  }
0x125: {  	s21 =	simm.s32 $0x9;
	v16 =	vor.u32 v6, v16;
	[tilespmem:s6+$0xFFFFFD80] =	vst v22;
	v23 =	vbroadcast v24, $0x0  }
0x126: {  	v11 =	vbroadcast v11, $0x0;
	v25 =	vor.u32 v6, v20;
	v24 =	vmov s21;
	[tilespmem:s6+$0x300] =	vst v27  }
0x127: {  	s23 =	simm.s32 $0xF;
	v20 =	vand.u32 $0x79, v24;
	v24 =	vor.u32 v6, v23;
	[tilespmem:s6+$0xFFFFFC80] =	vst v61  }
0x128: {  	v22 =	vmov s23;
	v27 =	vor.u32 v6, v11;
	v26 =	vld.idx.msk [tilespmem:v12+s11+$0x0], $0xffff  }
0x129: {  	s25 =	simm.s32 $0x3;
	v18 =	vor.u32 v6, v18;
	v11 =	vand.u32 $0x7F, v22;
	v22 =	vld.idx.msk [tilespmem:v21+s11+$0x0], $0xffff  }
0x12a: {  	v62 =	vmov s25;
	v63 =	vbroadcast v11, $0x0;
	v23 =	vor.u32 v6, v13;
	v21 =	vld.idx.msk [tilespmem:v16+s11+$0x0], $0xffff  }
0x12b: {  	v11 =	vor.u32 v6, v17;
	v12 =	vbroadcast v20, $0x0;
	v16 =	vor.u32 v6, v19;
	v19 =	vld.idx.msk [tilespmem:v25+s11+$0x0], $0xffff  }
0x12c: {  	v13 =	vor.u32 v6, v15;
	v15 =	vor.u32 v6, v63;
	v25 =	vand.u32 $0x73, v62;
	v17 =	vld.idx.msk [tilespmem:v24+s11+$0x0], $0xffff  }
0x12d: {  	s10 =	simm.s32 $0xF140;
	s21 =	simm.s32 $0x10;
	s6 =	simm.s32 $0xE950;
	v20 =	vor.u32 v6, v12;
	v12 =	vor.u32 v6, v14;
	v14 =	vld.idx.msk [tilespmem:v27+s11+$0x0], $0xffff;
	v24 =	vbroadcast v25, $0x0;
	[tilespmem:s22+$0x0] =	vst v26  }
.LBB2_12:
0x12e: {  	s2 =	sadd.s32 $0x1, s21  }
0x12f: {  	v25 =	vmov s21;
	s9 =	sadd.s32 $0x2, s21;
	s12 =	sadd.s32 $0xF, s21;
	[tilespmem:s22+$0xFFFFFF80] =	vst v22;
	s15 =	smov.u32 s21  }
0x130: {  	s17 =	sadd.s32 $0xB, s21;
	v22 =	vmov s2;
	v26 =	vmov s9;
	s2 =	sadd.s32 $0x4, s21;
	s9 =	sadd.s32 $0x5, s21;
	v23 =	vld.idx.msk [tilespmem:v23+s11+$0x0], $0xffff;
	v10 =	vor.u32 v6, v10  }
0x131: {  	s20 =	sadd.s32 $0xE, s21;
	v24 =	vor.u32 v6, v24;
	v27 =	vmov s2;
	v28 =	vmov s9;
	s2 =	sadd.s32 $0x7, s21;
	s9 =	sadd.s32 $0x8, s21;
	v18 =	vld.idx.msk [tilespmem:v18+s11+$0x0], $0xffff;
	[tilespmem:s22+$0x200] =	vst v21  }
0x132: {  	p1 =	slt.u32 s21, $0x30;
	s23 =	sadd.s32 $0x6, s15;
	v21 =	vand.u32 $0x71, v22;
	s21 =	sadd.s32 $0x10, s21;
	v22 =	vmov s2;
	v29 =	vmov s9;
	v20 =	vld.idx.msk [tilespmem:v20+s11+$0x0], $0xffff;
	[tilespmem:s22+$0x280] =	vst v19  }
0x133: {  	v19 =	vand.u32 $0x72, v26;
	s2 =	sadd.s32 $0x3, s15;
	v26 =	vand.u32 $0x74, v27;
	s9 =	sadd.s32 $0xA, s15;
	v27 =	vand.u32 $0x78, v29;
	[tilespmem:s22+$0x180] =	vst v17;
	v15 =	vld.idx.msk [tilespmem:v15+s11+$0x0], $0xffff  }
0x134: {  	s25 =	sadd.s32 $0xD, s15;
	v29 =	vmov s12;
	v17 =	vbroadcast v27, $0x0;
	v27 =	vmov s9;
	s9 =	sadd.s32 $0xC, s15;
	v12 =	vld.idx.msk [tilespmem:v12+s11+$0x0], $0xffff;
	[tilespmem:s22+$0xFFFFFC80] =	vst v14  }
0x135: {  	v30 =	vmov s25;
	s12 =	sadd.s32 $0x9, s15;
	v14 =	vand.u32 $0x70, v25;
	v25 =	vmov s9;
	v11 =	vld.idx.msk [tilespmem:v11+s11+$0x0], $0xffff  }
0x136: {  	v31 =	vmov s20;
	v28 =	vand.u32 $0x75, v28;
	v17 =	vor.u32 v6, v17;
	[tilespmem:s22+$0xFFFFFD00] =	vst v23;
	v10 =	vld.idx.msk [tilespmem:v10+s11+$0x0], $0xffff  }
0x137: {  	v22 =	vand.u32 $0x77, v22;
	v27 =	vand.u32 $0x7A, v27;
	v23 =	vmov s23;
	[tilespmem:s22+$0xFFFFFE80] =	vst v18;
	v16 =	vld.idx.msk [tilespmem:v16+s11+$0x0], $0xffff  }
0x138: {  	v18 =	vbroadcast v22, $0x0;
	v22 =	vand.u32 $0x7C, v25;
	v25 =	vand.u32 $0x7F, v29;
	v24 =	vld.idx.msk [tilespmem:v24+s11+$0x0], $0xffff;
	[tilespmem:s22+$0x80] =	vst v20  }
0x139: {  	v29 =	vand.u32 $0x7D, v30;
	v20 =	vmov s17;
	v22 =	vbroadcast v22, $0x0;
	v13 =	vld.idx.msk [tilespmem:v13+s11+$0x0], $0xffff;
	[tilespmem:s22+$0x380] =	vst v15  }
0x13a: {  	v15 =	vbroadcast v19, $0x0;
	v18 =	vor.u32 v6, v18;
	v19 =	vbroadcast v29, $0x0;
	[tilespmem:s22+$0xFFFFFC00] =	vst v12  }
0x13b: {  	v20 =	vand.u32 $0x7B, v20;
	v29 =	vor.u32 v6, v22;
	v12 =	vld.idx.msk [tilespmem:v17+s11+$0x0], $0xffff;
	v17 =	vmov s12;
	[tilespmem:s22+$0xFFFFFE00] =	vst v11  }
0x13c: {  	v20 =	vbroadcast v20, $0x0;
	v11 =	vand.u32 $0x76, v23;
	v19 =	vor.u32 v6, v19;
	[tilespmem:s22+$0x300] =	vst v10  }
0x13d: {  	v30 =	vmov s2;
	v10 =	vbroadcast v21, $0x0;
	v17 =	vand.u32 $0x79, v17;
	[tilespmem:s22+$0x100] =	vst v16  }
0x13e: {  	v28 =	vbroadcast v28, $0x0;
	v16 =	vbroadcast v17, $0x0;
	v17 =	vor.u32 v6, v20;
	[tilespmem:s22+$0xFFFFFD80] =	vst v24  }
0x13f: {  	v10 =	vor.u32 v6, v10;
	v24 =	vbroadcast v26, $0x0;
	v22 =	vld.idx.msk [tilespmem:v18+s11+$0x0], $0xffff;
	v18 =	vbroadcast v27, $0x0;
	[tilespmem:s22+$0xFFFFFF00] =	vst v13;
	s22 =	smov.u32 s10  }
.Ltmp8:
0x140: {  	v25 =	vbroadcast v25, $0x0;
	v13 =	vbroadcast v14, $0x0;
	v20 =	vor.u32 v6, v16;
	v21 =	vld.idx.msk [tilespmem:v29+s11+$0x0], $0xffff;
	(pc) =	sbr.rel @p1 .LBB2_12-.Ltmp8, $4  }
0x141: {  	v23 =	vor.u32 v6, v15;
	v14 =	vbroadcast v11, $0x0;
	[tilespmem:s10+$0x0] =	vst v12;
	v16 =	vor.u32 v6, v18;
	v19 =	vld.idx.msk [tilespmem:v19+s11+$0x0], $0xffff  }
0x142: {  	v15 =	vand.u32 $0x73, v30;
	v11 =	vor.u32 v6, v24;
	v18 =	vor.u32 v6, v28  }
0x143: {  	v26 =	vand.u32 $0x7E, v31;
	v12 =	vor.u32 v6, v13;
	v13 =	vor.u32 v6, v14;
	v17 =	vld.idx.msk [tilespmem:v17+s11+$0x0], $0xffff  }
0x144: {  	s12 =	simm.s32 $0x0;
	v24 =	vbroadcast v15, $0x0;
	v15 =	vor.u32 v6, v25;
	s10 =	sadd.s32 $0x800, s10;
	v14 =	vld.idx.msk [tilespmem:v10+s11+$0x0], $0xffff;
	v10 =	vbroadcast v26, $0x0  }
0x145: {  	_ =	sdelay $0x3  }
0x146: {  	[tilespmem:s22+$0xFFFFFF80] =	vst v22;
	v22 =	vld.idx.msk [tilespmem:v23+s11+$0x0], $0xffff  }
0x147: {  	s2 =	simm.s32 $0x1;
	s9 =	simm.s32 $0x2;
	v18 =	vld.idx.msk [tilespmem:v18+s11+$0x0], $0xffff;
	v10 =	vor.u32 v6, v10;
	v23 =	vor.u32 v6, v24  }
0x148: {  	s21 =	simm.s32 $0x5;
	v20 =	vld.idx.msk [tilespmem:v20+s11+$0x0], $0xffff;
	s23 =	simm.s32 $0x7;
	s25 =	simm.s32 $0x8;
	v24 =	vmov s12;
	v25 =	vmov s2;
	v26 =	vmov s9  }
0x149: {  	s20 =	simm.s32 $0x4;
	s10 =	simm.s32 $0x9;
	v27 =	vmov s21;
	[tilespmem:s22+$0x280] =	vst v19;
	v19 =	vmov s23;
	v28 =	vmov s25  }
0x14a: {  	[tilespmem:s22+$0x200] =	vst v21;
	v15 =	vld.idx.msk [tilespmem:v15+s11+$0x0], $0xffff;
	v29 =	vmov s10;
	s21 =	simm.s32 $0xB;
	v21 =	vand.u32 $0x72, v26;
	v26 =	vmov s20  }
0x14b: {  	s5 =	simm.s32 $0xE;
	v31 =	vld.idx.msk [tilespmem:v11+s11+$0x0], $0xffff;
	v11 =	vand.u32 $0x71, v25;
	v32 =	vmov s21;
	v19 =	vand.u32 $0x77, v19;
	[tilespmem:s22+$0x180] =	vst v17  }
0x14c: {  	s15 =	simm.s32 $0xA;
	v30 =	vld.idx.msk [tilespmem:v12+s11+$0x0], $0xffff;
	s20 =	simm.s32 $0xD;
	v17 =	vand.u32 $0x74, v26;
	v26 =	vand.u32 $0x78, v28;
	v28 =	vmov s5;
	[tilespmem:s22+$0xFFFFFC80] =	vst v14  }
0x14d: {  	s17 =	simm.s32 $0xC;
	s10 =	simm.s32 $0xF;
	v25 =	vmov s20;
	v12 =	vbroadcast v26, $0x0;
	v14 =	vmov s15;
	[tilespmem:s22+$0xFFFFFD00] =	vst v22  }
0x14e: {  	v33 =	vld.idx.msk [tilespmem:v16+s11+$0x0], $0xffff;
	v26 =	vmov s10;
	v17 =	vbroadcast v17, $0x0;
	v22 =	vmov s17;
	[tilespmem:s22+$0x80] =	vst v20  }
0x14f: {  	s25 =	simm.s32 $0x3;
	v26 =	vand.u32 $0x7F, v26;
	v20 =	vand.u32 $0x7D, v25;
	[tilespmem:s22+$0x380] =	vst v15;
	v25 =	vand.u32 $0x7B, v32;
	v15 =	vld.idx.msk [tilespmem:v13+s11+$0x0], $0xffff  }
0x150: {  	[tilespmem:s22+$0xFFFFFE80] =	vst v18;
	v13 =	vbroadcast v21, $0x0;
	v21 =	vmov s25;
	v18 =	vor.u32 v7, v12;
	v23 =	vld.idx.msk [tilespmem:v23+s11+$0x0], $0xffff  }
0x151: {  	s23 =	simm.s32 $0x6;
	[tilespmem:s22+$0xFFFFFC00] =	vst v30;
	v10 =	vld.idx.msk [tilespmem:v10+s11+$0x0], $0xffff;
	v16 =	vand.u32 $0x7C, v22;
	v22 =	vand.u32 $0x7E, v28;
	v34 =	vbroadcast v26, $0x0  }
0x152: {  	[tilespmem:s22+$0xFFFFFE00] =	vst v31;
	v26 =	vmov s23;
	v28 =	vand.u32 $0x7A, v14;
	v16 =	vbroadcast v16, $0x0  }
0x153: {  	[tilespmem:s22+$0x100] =	vst v33;
	v20 =	vbroadcast v20, $0x0;
	v38 =	vbroadcast v25, $0x0;
	v32 =	vor.u32 v7, v17  }
0x154: {  	v26 =	vand.u32 $0x76, v26;
	v31 =	vor.u32 v7, v13;
	v30 =	vor.u32 v7, v16;
	[tilespmem:s22+$0xFFFFFF00] =	vst v15  }
0x155: {  	v35 =	vor.u32 v7, v20;
	[tilespmem:s22+$0xFFFFFD80] =	vst v23;
	v23 =	vand.u32 $0x73, v21;
	v21 =	vbroadcast v19, $0x0  }
0x156: {  	v34 =	vor.u32 v7, v34;
	v15 =	vbroadcast v26, $0x0;
	[tilespmem:s22+$0x300] =	vst v10;
	v10 =	vand.u32 $0x70, v24  }
0x157: {  	v24 =	vand.u32 $0x75, v27;
	v19 =	vbroadcast v28, $0x0;
	v36 =	vld.idx.msk [tilespmem:v18+s11+$0x0], $0xffff;
	v37 =	vor.u32 v7, v21  }
0x158: {  	v27 =	vand.u32 $0x79, v29;
	v14 =	vbroadcast v10, $0x0;
	v10 =	vbroadcast v22, $0x0  }
0x159: {  	v22 =	vbroadcast v23, $0x0;
	v18 =	vbroadcast v24, $0x0;
	v29 =	vor.u32 v7, v15;
	v33 =	vld.idx.msk [tilespmem:v30+s11+$0x0], $0xffff  }
0x15a: {  	v25 =	vbroadcast v27, $0x0;
	v27 =	vld.idx.msk [tilespmem:v31+s11+$0x0], $0xffff;
	v31 =	vor.u32 v7, v38;
	v23 =	vor.u32 v7, v19  }
0x15b: {  	v22 =	vor.u32 v7, v22;
	v24 =	vor.u32 v7, v18;
	v26 =	vor.u32 v7, v14  }
0x15c: {  	s12 =	simm.s32 $0x10;
	s10 =	simm.s32 $0xF150;
	s22 =	simm.s32 $0xE960;
	v28 =	vor.u32 v7, v10;
	v25 =	vor.u32 v7, v25;
	[tilespmem:s6+$0x0] =	vst v36;
	v36 =	vbroadcast v11, $0x0;
	v30 =	vld.idx.msk [tilespmem:v37+s11+$0x0], $0xffff  }
.LBB2_14:
0x15d: {  	s2 =	sadd.s32 $0x1, s12  }
0x15e: {  	v37 =	vmov s12;
	s9 =	sadd.s32 $0x2, s12;
	s15 =	sadd.s32 $0xE, s12;
	[tilespmem:s6+$0x200] =	vst v33;
	v33 =	vld.idx.msk [tilespmem:v35+s11+$0x0], $0xffff;
	s17 =	smov.u32 s12  }
0x15f: {  	s20 =	sadd.s32 $0x9, s12;
	v35 =	vmov s2;
	v38 =	vmov s9;
	s2 =	sadd.s32 $0x4, s12;
	s9 =	sadd.s32 $0x5, s12;
	v36 =	vor.u32 v7, v36;
	v32 =	vld.idx.msk [tilespmem:v32+s11+$0x0], $0xffff  }
0x160: {  	s23 =	sadd.s32 $0x3, s12;
	v38 =	vand.u32 $0x72, v38;
	v39 =	vmov s2;
	v40 =	vmov s9;
	s2 =	sadd.s32 $0x7, s12;
	s9 =	sadd.s32 $0x8, s12;
	v29 =	vld.idx.msk [tilespmem:v29+s11+$0x0], $0xffff  }
0x161: {  	s21 =	sadd.s32 $0x10, s12;
	s25 =	sadd.s32 $0x6, s17;
	v43 =	vmov s20;
	v41 =	vmov s2;
	v42 =	vmov s9;
	s2 =	sadd.s32 $0xF, s17;
	v34 =	vld.idx.msk [tilespmem:v34+s11+$0x0], $0xffff  }
0x162: {  	p1 =	slt.u32 s12, $0x30;
	v44 =	vmov s15;
	v39 =	vand.u32 $0x74, v39;
	s9 =	sadd.s32 $0xA, s17;
	v42 =	vand.u32 $0x78, v42;
	[tilespmem:s6+$0xFFFFFD00] =	vst v27;
	v27 =	vld.idx.msk [tilespmem:v28+s11+$0x0], $0xffff  }
0x163: {  	s12 =	sadd.s32 $0xD, s17;
	v45 =	vmov s2;
	v28 =	vbroadcast v42, $0x0;
	v42 =	vmov s9;
	s9 =	sadd.s32 $0xC, s17;
	[tilespmem:s6+$0xFFFFFF80] =	vst v30;
	v30 =	vld.idx.msk [tilespmem:v31+s11+$0x0], $0xffff  }
0x164: {  	v46 =	vmov s12;
	s2 =	sadd.s32 $0xB, s17;
	v31 =	vand.u32 $0x71, v35;
	v35 =	vmov s9;
	v36 =	vld.idx.msk [tilespmem:v36+s11+$0x0], $0xffff;
	[tilespmem:s6+$0x280] =	vst v33  }
0x165: {  	v45 =	vand.u32 $0x7F, v45;
	v33 =	vmov s2;
	v28 =	vor.u32 v7, v28;
	v26 =	vld.idx.msk [tilespmem:v26+s11+$0x0], $0xffff;
	[tilespmem:s6+$0xFFFFFE00] =	vst v32  }
0x166: {  	v44 =	vand.u32 $0x7E, v44;
	v32 =	vand.u32 $0x7C, v35;
	v35 =	vand.u32 $0x7D, v46;
	v24 =	vld.idx.msk [tilespmem:v24+s11+$0x0], $0xffff;
	[tilespmem:s6+$0xFFFFFF00] =	vst v29  }
0x167: {  	v45 =	vbroadcast v45, $0x0;
	v29 =	vand.u32 $0x7B, v33;
	v32 =	vbroadcast v32, $0x0;
	v23 =	vld.idx.msk [tilespmem:v23+s11+$0x0], $0xffff;
	[tilespmem:s6+$0x380] =	vst v34  }
0x168: {  	v33 =	vmov s25;
	v34 =	vand.u32 $0x77, v41;
	v41 =	vand.u32 $0x7A, v42;
	v25 =	vld.idx.msk [tilespmem:v25+s11+$0x0], $0xffff;
	[tilespmem:s6+$0x300] =	vst v27  }
0x169: {  	v27 =	vbroadcast v38, $0x0;
	v38 =	vmov s23;
	v32 =	vor.u32 v7, v32;
	v22 =	vld.idx.msk [tilespmem:v22+s11+$0x0], $0xffff;
	[tilespmem:s6+$0x180] =	vst v30  }
0x16a: {  	v30 =	vand.u32 $0x70, v37;
	v37 =	vand.u32 $0x75, v40;
	v40 =	vand.u32 $0x79, v43;
	v28 =	vld.idx.msk [tilespmem:v28+s11+$0x0], $0xffff;
	[tilespmem:s6+$0xFFFFFC80] =	vst v36  }
0x16b: {  	v35 =	vbroadcast v35, $0x0;
	v33 =	vand.u32 $0x76, v33;
	v30 =	vbroadcast v30, $0x0;
	[tilespmem:s6+$0xFFFFFC00] =	vst v26  }
0x16c: {  	v34 =	vbroadcast v34, $0x0;
	v36 =	vbroadcast v44, $0x0;
	v26 =	vand.u32 $0x73, v38;
	[tilespmem:s6+$0xFFFFFE80] =	vst v24  }
0x16d: {  	v27 =	vor.u32 v7, v27;
	v38 =	vbroadcast v33, $0x0;
	v24 =	vbroadcast v39, $0x0;
	[tilespmem:s6+$0x100] =	vst v23  }
0x16e: {  	v39 =	vor.u32 v7, v34;
	v23 =	vbroadcast v41, $0x0;
	v41 =	vbroadcast v29, $0x0;
	v33 =	vld.idx.msk [tilespmem:v32+s11+$0x0], $0xffff;
	[tilespmem:s6+$0x80] =	vst v25  }
.Ltmp9:
0x16f: {  	v35 =	vor.u32 v7, v35;
	v25 =	vbroadcast v26, $0x0;
	v26 =	vbroadcast v37, $0x0;
	[tilespmem:s6+$0xFFFFFD80] =	vst v22;
	s6 =	smov.u32 s10;
	(pc) =	sbr.rel @p1 .LBB2_14-.Ltmp9, $4  }
0x170: {  	v29 =	vor.u32 v7, v38;
	v32 =	vor.u32 v7, v24;
	v23 =	vor.u32 v7, v23;
	[tilespmem:s10+$0x0] =	vst v28  }
0x171: {  	v22 =	vor.u32 v7, v25;
	v24 =	vor.u32 v7, v26;
	v25 =	vbroadcast v40, $0x0  }
0x172: {  	v34 =	vor.u32 v7, v45;
	v26 =	vor.u32 v7, v30;
	v28 =	vor.u32 v7, v36;
	v27 =	vld.idx.msk [tilespmem:v27+s11+$0x0], $0xffff  }
0x173: {  	s12 =	smov.u32 s21;
	v36 =	vbroadcast v31, $0x0;
	v31 =	vor.u32 v7, v41;
	s10 =	sadd.s32 $0x800, s10;
	v25 =	vor.u32 v7, v25;
	v30 =	vld.idx.msk [tilespmem:v39+s11+$0x0], $0xffff  }
0x174: {  	_ =	sdelay $0x3  }
0x175: {  	v35 =	vld.idx.msk [tilespmem:v35+s11+$0x0], $0xffff  }
0x176: {  	v32 =	vld.idx.msk [tilespmem:v32+s11+$0x0], $0xffff  }
0x177: {  	[tilespmem:s6+$0x200] =	vst v33;
	v29 =	vld.idx.msk [tilespmem:v29+s11+$0x0], $0xffff  }
0x178: {  	v60 =	vld.idx.msk [tilespmem:v34+s11+$0x0], $0xffff;
	[tilespmem:s6+$0xFFFFFD00] =	vst v27  }
0x179: {  	v61 =	vld.idx.msk [tilespmem:v31+s11+$0x0], $0xffff;
	[tilespmem:s6+$0xFFFFFF80] =	vst v30  }
0x17a: {  	v26 =	vld.idx.msk [tilespmem:v26+s11+$0x0], $0xffff;
	[tilespmem:s6+$0x280] =	vst v35  }
0x17b: {  	v24 =	vld.idx.msk [tilespmem:v24+s11+$0x0], $0xffff;
	v36 =	vor.u32 v7, v36;
	[tilespmem:s6+$0xFFFFFE00] =	vst v32  }
0x17c: {  	v23 =	vld.idx.msk [tilespmem:v23+s11+$0x0], $0xffff;
	[tilespmem:s6+$0xFFFFFF00] =	vst v29  }
0x17d: {  	v25 =	vld.idx.msk [tilespmem:v25+s11+$0x0], $0xffff;
	[tilespmem:s6+$0x380] =	vst v60  }
0x17e: {  	v22 =	vld.idx.msk [tilespmem:v22+s11+$0x0], $0xffff;
	[tilespmem:s6+$0x180] =	vst v61  }
0x17f: {  	v27 =	vld.idx.msk [tilespmem:v28+s11+$0x0], $0xffff;
	[tilespmem:s6+$0xFFFFFC00] =	vst v26  }
0x180: {  	[tilespmem:s6+$0xFFFFFE80] =	vst v24;
	v62 =	vld.idx.msk [tilespmem:v36+s11+$0x0], $0xffff  }
0x181: {  	s2 =	simm.s32 $0xB;
	v12 =	vor.u32 v8, v12;
	[tilespmem:s6+$0x100] =	vst v23  }
0x182: {  	v21 =	vor.u32 v8, v21;
	v11 =	vbroadcast v11, $0x0;
	v26 =	vmov s2;
	[tilespmem:s6+$0x80] =	vst v25  }
0x183: {  	v23 =	vor.u32 v8, v16;
	[tilespmem:s6+$0xFFFFFD80] =	vst v22;
	v24 =	vand.u32 $0x7B, v26  }
0x184: {  	s21 =	simm.s32 $0x9;
	v16 =	vbroadcast v24, $0x0;
	[tilespmem:s6+$0x300] =	vst v27;
	v27 =	vor.u32 v8, v11  }
0x185: {  	s23 =	simm.s32 $0xF;
	v25 =	vor.u32 v8, v20;
	v24 =	vmov s21;
	[tilespmem:s6+$0xFFFFFC80] =	vst v62  }
0x186: {  	v20 =	vand.u32 $0x79, v24;
	v24 =	vor.u32 v8, v16;
	v16 =	vmov s23;
	v26 =	vld.idx.msk [tilespmem:v12+s11+$0x0], $0xffff  }
0x187: {  	s25 =	simm.s32 $0x3;
	v11 =	vand.u32 $0x7F, v16;
	v12 =	vbroadcast v20, $0x0;
	v21 =	vld.idx.msk [tilespmem:v21+s11+$0x0], $0xffff  }
0x188: {  	v14 =	vor.u32 v8, v14;
	v22 =	vmov s25;
	v63 =	vbroadcast v11, $0x0;
	v20 =	vld.idx.msk [tilespmem:v23+s11+$0x0], $0xffff  }
0x189: {  	v11 =	vor.u32 v8, v15;
	v23 =	vor.u32 v8, v13;
	v15 =	vld.idx.msk [tilespmem:v27+s11+$0x0], $0xffff;
	v16 =	vor.u32 v8, v12  }
0x18a: {  	v12 =	vor.u32 v8, v19;
	v19 =	vld.idx.msk [tilespmem:v25+s11+$0x0], $0xffff;
	v25 =	vand.u32 $0x73, v22;
	v22 =	vor.u32 v8, v18  }
0x18b: {  	s10 =	simm.s32 $0xF160;
	s21 =	simm.s32 $0x10;
	s6 =	simm.s32 $0xE970;
	v13 =	vor.u32 v8, v17;
	v17 =	vld.idx.msk [tilespmem:v24+s11+$0x0], $0xffff;
	v18 =	vor.u32 v8, v63;
	v24 =	vbroadcast v25, $0x0;
	[tilespmem:s22+$0x0] =	vst v26  }
.LBB2_16:
0x18c: {  	s2 =	sadd.s32 $0x1, s21  }
0x18d: {  	v25 =	vmov s21;
	s9 =	sadd.s32 $0x2, s21;
	s12 =	sadd.s32 $0xF, s21;
	[tilespmem:s22+$0xFFFFFF80] =	vst v21;
	s15 =	smov.u32 s21  }
0x18e: {  	s17 =	sadd.s32 $0xB, s21;
	v21 =	vmov s2;
	v26 =	vmov s9;
	s2 =	sadd.s32 $0x4, s21;
	s9 =	sadd.s32 $0x5, s21;
	v23 =	vld.idx.msk [tilespmem:v23+s11+$0x0], $0xffff;
	v10 =	vor.u32 v8, v10  }
0x18f: {  	s20 =	sadd.s32 $0xE, s21;
	v24 =	vor.u32 v8, v24;
	v27 =	vmov s2;
	v28 =	vmov s9;
	s2 =	sadd.s32 $0x7, s21;
	s9 =	sadd.s32 $0x8, s21;
	v22 =	vld.idx.msk [tilespmem:v22+s11+$0x0], $0xffff;
	[tilespmem:s22+$0x200] =	vst v20  }
0x190: {  	p1 =	slt.u32 s21, $0x30;
	s23 =	sadd.s32 $0x6, s15;
	v20 =	vand.u32 $0x71, v21;
	s21 =	sadd.s32 $0x10, s21;
	v21 =	vmov s2;
	v29 =	vmov s9;
	v16 =	vld.idx.msk [tilespmem:v16+s11+$0x0], $0xffff;
	[tilespmem:s22+$0x280] =	vst v19  }
0x191: {  	v19 =	vand.u32 $0x72, v26;
	s2 =	sadd.s32 $0x3, s15;
	v26 =	vand.u32 $0x74, v27;
	s9 =	sadd.s32 $0xA, s15;
	v27 =	vand.u32 $0x78, v29;
	[tilespmem:s22+$0x180] =	vst v17;
	v17 =	vld.idx.msk [tilespmem:v18+s11+$0x0], $0xffff  }
0x192: {  	s25 =	sadd.s32 $0xD, s15;
	v29 =	vmov s12;
	v18 =	vbroadcast v27, $0x0;
	v27 =	vmov s9;
	s9 =	sadd.s32 $0xC, s15;
	v14 =	vld.idx.msk [tilespmem:v14+s11+$0x0], $0xffff;
	[tilespmem:s22+$0xFFFFFC80] =	vst v15  }
0x193: {  	v30 =	vmov s25;
	s12 =	sadd.s32 $0x9, s15;
	v15 =	vand.u32 $0x70, v25;
	v25 =	vmov s9;
	v13 =	vld.idx.msk [tilespmem:v13+s11+$0x0], $0xffff  }
0x194: {  	v31 =	vmov s20;
	v28 =	vand.u32 $0x75, v28;
	v18 =	vor.u32 v8, v18;
	[tilespmem:s22+$0xFFFFFD00] =	vst v23;
	v10 =	vld.idx.msk [tilespmem:v10+s11+$0x0], $0xffff  }
0x195: {  	v21 =	vand.u32 $0x77, v21;
	v27 =	vand.u32 $0x7A, v27;
	v23 =	vmov s23;
	[tilespmem:s22+$0xFFFFFE80] =	vst v22;
	v12 =	vld.idx.msk [tilespmem:v12+s11+$0x0], $0xffff  }
0x196: {  	v21 =	vbroadcast v21, $0x0;
	v22 =	vand.u32 $0x7C, v25;
	v25 =	vand.u32 $0x7F, v29;
	v24 =	vld.idx.msk [tilespmem:v24+s11+$0x0], $0xffff;
	[tilespmem:s22+$0x80] =	vst v16  }
0x197: {  	v29 =	vand.u32 $0x7D, v30;
	v16 =	vmov s17;
	v22 =	vbroadcast v22, $0x0;
	v11 =	vld.idx.msk [tilespmem:v11+s11+$0x0], $0xffff;
	[tilespmem:s22+$0x380] =	vst v17  }
0x198: {  	v17 =	vbroadcast v19, $0x0;
	v19 =	vor.u32 v8, v21;
	v21 =	vbroadcast v29, $0x0;
	[tilespmem:s22+$0xFFFFFC00] =	vst v14  }
0x199: {  	v16 =	vand.u32 $0x7B, v16;
	v22 =	vor.u32 v8, v22;
	v14 =	vld.idx.msk [tilespmem:v18+s11+$0x0], $0xffff;
	v18 =	vmov s12;
	[tilespmem:s22+$0xFFFFFE00] =	vst v13  }
0x19a: {  	v16 =	vbroadcast v16, $0x0;
	v13 =	vand.u32 $0x76, v23;
	v29 =	vor.u32 v8, v21;
	[tilespmem:s22+$0x300] =	vst v10  }
0x19b: {  	v30 =	vmov s2;
	v10 =	vbroadcast v20, $0x0;
	v18 =	vand.u32 $0x79, v18;
	[tilespmem:s22+$0x100] =	vst v12  }
0x19c: {  	v28 =	vbroadcast v28, $0x0;
	v12 =	vbroadcast v18, $0x0;
	v18 =	vor.u32 v8, v16;
	[tilespmem:s22+$0xFFFFFD80] =	vst v24  }
0x19d: {  	v10 =	vor.u32 v8, v10;
	v24 =	vbroadcast v26, $0x0;
	v21 =	vld.idx.msk [tilespmem:v19+s11+$0x0], $0xffff;
	v19 =	vbroadcast v27, $0x0;
	[tilespmem:s22+$0xFFFFFF00] =	vst v11;
	s22 =	smov.u32 s10  }
.Ltmp10:
0x19e: {  	v25 =	vbroadcast v25, $0x0;
	v11 =	vbroadcast v15, $0x0;
	v16 =	vor.u32 v8, v12;
	v20 =	vld.idx.msk [tilespmem:v22+s11+$0x0], $0xffff;
	(pc) =	sbr.rel @p1 .LBB2_16-.Ltmp10, $4  }
0x19f: {  	v23 =	vor.u32 v8, v17;
	v15 =	vbroadcast v13, $0x0;
	[tilespmem:s10+$0x0] =	vst v14;
	v12 =	vor.u32 v8, v19;
	v19 =	vld.idx.msk [tilespmem:v29+s11+$0x0], $0xffff  }
0x1a0: {  	v26 =	vand.u32 $0x73, v30;
	v13 =	vor.u32 v8, v24;
	v22 =	vor.u32 v8, v28  }
0x1a1: {  	v14 =	vor.u32 v8, v11;
	v11 =	vor.u32 v8, v15;
	v17 =	vld.idx.msk [tilespmem:v18+s11+$0x0], $0xffff;
	v18 =	vand.u32 $0x7E, v31  }
0x1a2: {  	s12 =	simm.s32 $0x0;
	v24 =	vbroadcast v26, $0x0;
	s10 =	sadd.s32 $0x800, s10;
	v15 =	vld.idx.msk [tilespmem:v10+s11+$0x0], $0xffff;
	v10 =	vbroadcast v18, $0x0;
	v18 =	vor.u32 v8, v25  }
0x1a3: {  	_ =	sdelay $0x3  }
0x1a4: {  	[tilespmem:s22+$0xFFFFFF80] =	vst v21;
	v21 =	vld.idx.msk [tilespmem:v23+s11+$0x0], $0xffff  }
0x1a5: {  	v22 =	vld.idx.msk [tilespmem:v22+s11+$0x0], $0xffff  }
0x1a6: {  	v14 =	vld.idx.msk [tilespmem:v14+s11+$0x0], $0xffff  }
0x1a7: {  	s2 =	simm.s32 $0x1;
	s9 =	simm.s32 $0x2;
	[tilespmem:s22+$0x200] =	vst v20;
	v13 =	vld.idx.msk [tilespmem:v13+s11+$0x0], $0xffff;
	v10 =	vor.u32 v8, v10;
	v23 =	vor.u32 v8, v24  }
0x1a8: {  	s21 =	simm.s32 $0x5;
	s23 =	simm.s32 $0x7;
	s25 =	simm.s32 $0x8;
	v24 =	vmov s12;
	v25 =	vmov s2;
	v26 =	vmov s9;
	[tilespmem:s22+$0x280] =	vst v19  }
0x1a9: {  	s10 =	simm.s32 $0x9;
	s5 =	simm.s32 $0xE;
	v27 =	vmov s21;
	v19 =	vmov s23;
	v28 =	vmov s25;
	[tilespmem:s22+$0x180] =	vst v17  }
0x1aa: {  	s20 =	simm.s32 $0x4;
	v11 =	vld.idx.msk [tilespmem:v11+s11+$0x0], $0xffff;
	v29 =	vmov s10;
	s10 =	simm.s32 $0xF;
	v61 =	vmov s5;
	v20 =	vand.u32 $0x72, v26;
	[tilespmem:s22+$0xFFFFFC80] =	vst v15  }
0x1ab: {  	v26 =	vmov s20;
	v30 =	vmov s10;
	v25 =	vand.u32 $0x71, v25;
	v17 =	vld.idx.msk [tilespmem:v18+s11+$0x0], $0xffff;
	[tilespmem:s22+$0xFFFFFD00] =	vst v21  }
0x1ac: {  	v16 =	vld.idx.msk [tilespmem:v16+s11+$0x0], $0xffff;
	s20 =	simm.s32 $0xD;
	v19 =	vand.u32 $0x77, v19;
	v18 =	vand.u32 $0x74, v26;
	v26 =	vand.u32 $0x78, v28;
	[tilespmem:s22+$0xFFFFFE80] =	vst v22  }
0x1ad: {  	s15 =	simm.s32 $0xA;
	s17 =	simm.s32 $0xC;
	v12 =	vld.idx.msk [tilespmem:v12+s11+$0x0], $0xffff;
	v31 =	vmov s20;
	v30 =	vand.u32 $0x7F, v30;
	v28 =	vand.u32 $0x7E, v61;
	[tilespmem:s22+$0xFFFFFC00] =	vst v14  }
0x1ae: {  	s21 =	simm.s32 $0xB;
	s23 =	simm.s32 $0x6;
	v15 =	vbroadcast v26, $0x0;
	v26 =	vmov s15;
	v21 =	vmov s17;
	[tilespmem:s22+$0xFFFFFE00] =	vst v13  }
0x1af: {  	s25 =	simm.s32 $0x3;
	v30 =	vbroadcast v30, $0x0;
	v22 =	vmov s21;
	v14 =	vmov s23;
	[tilespmem:s22+$0xFFFFFF00] =	vst v11;
	v10 =	vld.idx.msk [tilespmem:v10+s11+$0x0], $0xffff  }
0x1b0: {  	v13 =	vbroadcast v20, $0x0;
	v20 =	vmov s25;
	v11 =	vbroadcast v18, $0x0;
	[tilespmem:s22+$0x380] =	vst v17;
	v17 =	vld.idx.msk [tilespmem:v23+s11+$0x0], $0xffff  }
0x1b1: {  	[tilespmem:s22+$0x80] =	vst v16;
	v15 =	vor.u32 v9, v15;
	v16 =	vand.u32 $0x7C, v21;
	v21 =	vand.u32 $0x7D, v31  }
0x1b2: {  	[tilespmem:s22+$0x100] =	vst v12;
	v22 =	vand.u32 $0x7B, v22;
	v16 =	vbroadcast v16, $0x0;
	v12 =	vbroadcast v21, $0x0  }
0x1b3: {  	v13 =	vor.u32 v9, v13;
	v23 =	vand.u32 $0x7A, v26;
	v26 =	vand.u32 $0x79, v29  }
0x1b4: {  	v63 =	vbroadcast v22, $0x0;
	v16 =	vor.u32 v9, v16;
	v26 =	vbroadcast v26, $0x0;
	[tilespmem:s22+$0x300] =	vst v10  }
0x1b5: {  	v10 =	vand.u32 $0x70, v24;
	v24 =	vand.u32 $0x75, v27;
	[tilespmem:s22+$0xFFFFFD80] =	vst v17;
	v17 =	vbroadcast v19, $0x0  }
0x1b6: {  	v27 =	vbroadcast v10, $0x0;
	v10 =	vand.u32 $0x76, v14;
	v14 =	vand.u32 $0x73, v20  }
0x1b7: {  	v22 =	vbroadcast v24, $0x0;
	v19 =	vbroadcast v28, $0x0;
	v18 =	vld.idx.msk [tilespmem:v15+s11+$0x0], $0xffff;
	v62 =	vor.u32 v9, v17  }
0x1b8: {  	v20 =	vor.u32 v9, v11;
	v10 =	vbroadcast v10, $0x0;
	v14 =	vbroadcast v14, $0x0  }
0x1b9: {  	v15 =	vbroadcast v23, $0x0;
	v23 =	vor.u32 v9, v12;
	v21 =	vld.idx.msk [tilespmem:v16+s11+$0x0], $0xffff;
	v12 =	vor.u32 v9, v22  }
0x1ba: {  	v22 =	vor.u32 v9, v30;
	v17 =	vor.u32 v9, v10;
	v10 =	vor.u32 v9, v14  }
0x1bb: {  	v14 =	vor.u32 v9, v27;
	v16 =	vor.u32 v9, v19;
	v11 =	vor.u32 v9, v15;
	v15 =	vld.idx.msk [tilespmem:v13+s11+$0x0], $0xffff  }
0x1bc: {  	s12 =	simm.s32 $0x10;
	s10 =	simm.s32 $0xF170;
	v24 =	vbroadcast v25, $0x0;
	v19 =	vor.u32 v9, v63;
	v13 =	vor.u32 v9, v26;
	[tilespmem:s6+$0x0] =	vst v18;
	v18 =	vld.idx.msk [tilespmem:v62+s11+$0x0], $0xffff  }
.LBB2_18:
0x1bd: {  	s2 =	sadd.s32 $0x1, s12  }
0x1be: {  	v25 =	vmov s12;
	s9 =	sadd.s32 $0x2, s12;
	s15 =	sadd.s32 $0xE, s12;
	[tilespmem:s6+$0x200] =	vst v21;
	v21 =	vld.idx.msk [tilespmem:v23+s11+$0x0], $0xffff;
	s17 =	smov.u32 s12  }
0x1bf: {  	s20 =	sadd.s32 $0x9, s12;
	v23 =	vmov s2;
	v26 =	vmov s9;
	s2 =	sadd.s32 $0x4, s12;
	s9 =	sadd.s32 $0x5, s12;
	v24 =	vor.u32 v9, v24;
	v20 =	vld.idx.msk [tilespmem:v20+s11+$0x0], $0xffff  }
0x1c0: {  	s22 =	sadd.s32 $0x3, s12;
	v26 =	vand.u32 $0x72, v26;
	v27 =	vmov s2;
	v28 =	vmov s9;
	s2 =	sadd.s32 $0x7, s12;
	s9 =	sadd.s32 $0x8, s12;
	v17 =	vld.idx.msk [tilespmem:v17+s11+$0x0], $0xffff  }
0x1c1: {  	s21 =	sadd.s32 $0x10, s12;
	s23 =	sadd.s32 $0x6, s17;
	v31 =	vmov s20;
	v29 =	vmov s2;
	v30 =	vmov s9;
	s2 =	sadd.s32 $0xF, s17;
	v22 =	vld.idx.msk [tilespmem:v22+s11+$0x0], $0xffff  }
0x1c2: {  	p1 =	slt.u32 s12, $0x30;
	v32 =	vmov s15;
	v27 =	vand.u32 $0x74, v27;
	s9 =	sadd.s32 $0xA, s17;
	v30 =	vand.u32 $0x78, v30;
	[tilespmem:s6+$0xFFFFFD00] =	vst v15;
	v15 =	vld.idx.msk [tilespmem:v16+s11+$0x0], $0xffff  }
0x1c3: {  	s12 =	sadd.s32 $0xD, s17;
	v33 =	vmov s2;
	v16 =	vbroadcast v30, $0x0;
	v30 =	vmov s9;
	s9 =	sadd.s32 $0xC, s17;
	[tilespmem:s6+$0xFFFFFF80] =	vst v18;
	v18 =	vld.idx.msk [tilespmem:v19+s11+$0x0], $0xffff  }
0x1c4: {  	v34 =	vmov s12;
	s2 =	sadd.s32 $0xB, s17;
	v19 =	vand.u32 $0x71, v23;
	v23 =	vmov s9;
	v24 =	vld.idx.msk [tilespmem:v24+s11+$0x0], $0xffff;
	[tilespmem:s6+$0x280] =	vst v21  }
0x1c5: {  	v33 =	vand.u32 $0x7F, v33;
	v21 =	vmov s2;
	v16 =	vor.u32 v9, v16;
	v14 =	vld.idx.msk [tilespmem:v14+s11+$0x0], $0xffff;
	[tilespmem:s6+$0xFFFFFE00] =	vst v20  }
0x1c6: {  	v32 =	vand.u32 $0x7E, v32;
	v20 =	vand.u32 $0x7C, v23;
	v23 =	vand.u32 $0x7D, v34;
	v12 =	vld.idx.msk [tilespmem:v12+s11+$0x0], $0xffff;
	[tilespmem:s6+$0xFFFFFF00] =	vst v17  }
0x1c7: {  	v33 =	vbroadcast v33, $0x0;
	v17 =	vand.u32 $0x7B, v21;
	v20 =	vbroadcast v20, $0x0;
	v11 =	vld.idx.msk [tilespmem:v11+s11+$0x0], $0xffff;
	[tilespmem:s6+$0x380] =	vst v22  }
0x1c8: {  	v21 =	vmov s23;
	v22 =	vand.u32 $0x77, v29;
	v29 =	vand.u32 $0x7A, v30;
	v13 =	vld.idx.msk [tilespmem:v13+s11+$0x0], $0xffff;
	[tilespmem:s6+$0x300] =	vst v15  }
0x1c9: {  	v15 =	vbroadcast v26, $0x0;
	v26 =	vmov s22;
	v20 =	vor.u32 v9, v20;
	v10 =	vld.idx.msk [tilespmem:v10+s11+$0x0], $0xffff;
	[tilespmem:s6+$0x180] =	vst v18  }
0x1ca: {  	v18 =	vand.u32 $0x70, v25;
	v25 =	vand.u32 $0x75, v28;
	v28 =	vand.u32 $0x79, v31;
	v16 =	vld.idx.msk [tilespmem:v16+s11+$0x0], $0xffff;
	[tilespmem:s6+$0xFFFFFC80] =	vst v24  }
0x1cb: {  	v23 =	vbroadcast v23, $0x0;
	v21 =	vand.u32 $0x76, v21;
	v18 =	vbroadcast v18, $0x0;
	[tilespmem:s6+$0xFFFFFC00] =	vst v14  }
0x1cc: {  	v22 =	vbroadcast v22, $0x0;
	v24 =	vbroadcast v32, $0x0;
	v14 =	vand.u32 $0x73, v26;
	[tilespmem:s6+$0xFFFFFE80] =	vst v12  }
0x1cd: {  	v15 =	vor.u32 v9, v15;
	v26 =	vbroadcast v21, $0x0;
	v12 =	vbroadcast v27, $0x0;
	[tilespmem:s6+$0x100] =	vst v11  }
0x1ce: {  	v27 =	vor.u32 v9, v22;
	v11 =	vbroadcast v29, $0x0;
	v29 =	vbroadcast v17, $0x0;
	v21 =	vld.idx.msk [tilespmem:v20+s11+$0x0], $0xffff;
	[tilespmem:s6+$0x80] =	vst v13  }
.Ltmp11:
0x1cf: {  	v23 =	vor.u32 v9, v23;
	v13 =	vbroadcast v14, $0x0;
	v14 =	vbroadcast v25, $0x0;
	[tilespmem:s6+$0xFFFFFD80] =	vst v10;
	s6 =	smov.u32 s10;
	(pc) =	sbr.rel @p1 .LBB2_18-.Ltmp11, $4  }
0x1d0: {  	v17 =	vor.u32 v9, v26;
	v20 =	vor.u32 v9, v12;
	v11 =	vor.u32 v9, v11;
	[tilespmem:s10+$0x0] =	vst v16  }
0x1d1: {  	v10 =	vor.u32 v9, v13;
	v12 =	vor.u32 v9, v14;
	v13 =	vbroadcast v28, $0x0  }
0x1d2: {  	v22 =	vor.u32 v9, v33;
	v14 =	vor.u32 v9, v18;
	v16 =	vor.u32 v9, v24;
	v15 =	vld.idx.msk [tilespmem:v15+s11+$0x0], $0xffff  }
0x1d3: {  	s12 =	smov.u32 s21;
	v24 =	vbroadcast v19, $0x0;
	v19 =	vor.u32 v9, v29;
	s10 =	sadd.s32 $0x800, s10;
	v13 =	vor.u32 v9, v13;
	v18 =	vld.idx.msk [tilespmem:v27+s11+$0x0], $0xffff  }
0x1d4: {  	_ =	sdelay $0x3  }
0x1d5: {  	v23 =	vld.idx.msk [tilespmem:v23+s11+$0x0], $0xffff  }
0x1d6: {  	v20 =	vld.idx.msk [tilespmem:v20+s11+$0x0], $0xffff  }
0x1d7: {  	[tilespmem:s6+$0x200] =	vst v21;
	v17 =	vld.idx.msk [tilespmem:v17+s11+$0x0], $0xffff  }
0x1d8: {  	v60 =	vld.idx.msk [tilespmem:v22+s11+$0x0], $0xffff;
	[tilespmem:s6+$0xFFFFFD00] =	vst v15  }
0x1d9: {  	v61 =	vld.idx.msk [tilespmem:v16+s11+$0x0], $0xffff;
	[tilespmem:s6+$0xFFFFFF80] =	vst v18  }
0x1da: {  	v62 =	vld.idx.msk [tilespmem:v19+s11+$0x0], $0xffff;
	v24 =	vor.u32 v9, v24;
	[tilespmem:s6+$0x280] =	vst v23  }
0x1db: {  	v14 =	vld.idx.msk [tilespmem:v14+s11+$0x0], $0xffff;
	[tilespmem:s6+$0xFFFFFE00] =	vst v20  }
0x1dc: {  	v12 =	vld.idx.msk [tilespmem:v12+s11+$0x0], $0xffff;
	[tilespmem:s6+$0xFFFFFF00] =	vst v17  }
0x1dd: {  	v11 =	vld.idx.msk [tilespmem:v11+s11+$0x0], $0xffff;
	[tilespmem:s6+$0x380] =	vst v60  }
0x1de: {  	v13 =	vld.idx.msk [tilespmem:v13+s11+$0x0], $0xffff;
	[tilespmem:s6+$0x300] =	vst v61  }
0x1df: {  	[tilespmem:s6+$0x180] =	vst v62;
	v63 =	vld.idx.msk [tilespmem:v24+s11+$0x0], $0xffff  }
0x1e0: {  	[tilespmem:s6+$0xFFFFFC00] =	vst v14  }
0x1e1: {  	[tilespmem:s6+$0xFFFFFE80] =	vst v12  }
0x1e2: {  	v10 =	vld.idx.msk [tilespmem:v10+s11+$0x0], $0xffff;
	[tilespmem:s6+$0x100] =	vst v11  }
0x1e3: {  	p1 =	sne.s32 s7, $0x18;
	[tilespmem:s6+$0x80] =	vst v13  }
.Ltmp12:
0x1e4: {  	[tilespmem:s6+$0xFFFFFC80] =	vst v63;
	(pc) =	sbr.rel @p1 .LBB2_21-.Ltmp12, $4  }
0x1e5: {  	s2 =	sshll.u32 s7, $0x12;
	s5 =	rddreg [dreg:$0x8]  }
0x1e6: {  	s23 =	simm.s32 $0x400;
	s22 =	sadd.s32 s5, s2  }
0x1e7: {  	s25 =	simm.s32 $0x20000;
	s9 =	simm.s32 $0xE500;
	[tilespmem:s6+$0xFFFFFD80] =	vst v10;
	s2 =	sadd.s32 s16, s22  }
0x1e8: {  	[hbm4b:s2+s23] =	stream.strided.scatter [tilespmem:s9], [sflag:$0x3], $0x2000, s25, s23, $0x38;
	[tilespmem:$0x12500] =	vst v63  }
.Ltmp13:
0x1e9: {  	(pc) =	sbr.rel .LBB2_22-.Ltmp13, $4  }
0x1ea: {  	_ = 	snop  }
0x1eb: {  	_ =	swait.ge [sflag:s18], $0x4000  }
0x1ec: {  	[sflag:s18] =	ssyncset.done $0x0  }
0x1ed: {  	[sflag:s18] =	ssyncadd.s32 $0xFFFFC000  }
.LBB2_21:
0x1ee: {  	s2 =	sadd.s32 $0x2, s8  }
0x1ef: {  	s6 =	sor.u32 s24, s2  }
0x1f0: {  	v10 =	vadd.s32 s6, v1;
	_ =	sdelay $0x4  }
0x1f1: {  	s12 =	sadd.s32 s26, s2;
	v10 =	vld.idx.msk [tilespmem:v10+s3+$0x0], $0xffff  }
0x1f2: {  	v11 =	vadd.s32 s12, v1;
	_ =	sdelay $0x3  }
0x1f3: {  	[tilespmem:$0x6400] =	vst v10  }
0x1f4: {  	s15 =	sadd.s32 s28, s2;
	v10 =	vld.idx.msk [tilespmem:v11+s3+$0x0], $0xffff  }
0x1f5: {  	v11 =	vadd.s32 s15, v1;
	_ =	sdelay $0x3  }
0x1f6: {  	[tilespmem:$0x6410] =	vst v10  }
0x1f7: {  	s17 =	sadd.s32 s29, s2;
	v10 =	vld.idx.msk [tilespmem:v11+s3+$0x0], $0xffff  }
0x1f8: {  	v11 =	vadd.s32 s17, v1;
	_ =	sdelay $0x3  }
0x1f9: {  	[tilespmem:$0x6420] =	vst v10  }
0x1fa: {  	s20 =	sor.u32 s30, s2;
	v10 =	vld.idx.msk [tilespmem:v11+s3+$0x0], $0xffff  }
0x1fb: {  	v11 =	vadd.s32 s20, v1;
	_ =	sdelay $0x3  }
0x1fc: {  	[tilespmem:$0x6430] =	vst v10  }
0x1fd: {  	s21 =	sadd.s32 s31, s2;
	v10 =	vld.idx.msk [tilespmem:v11+s3+$0x0], $0xffff  }
0x1fe: {  	v11 =	vadd.s32 s21, v1;
	_ =	sdelay $0x3  }
0x1ff: {  	[tilespmem:$0x6440] =	vst v10  }
0x200: {  	s23 =	sadd.s32 s1, s2;
	v10 =	vld.idx.msk [tilespmem:v11+s3+$0x0], $0xffff  }
0x201: {  	v11 =	vadd.s32 s23, v1;
	_ =	sdelay $0x3  }
0x202: {  	[tilespmem:$0x6450] =	vst v10  }
0x203: {  	s2 =	sadd.s32 s0, s2;
	v10 =	vld.idx.msk [tilespmem:v11+s3+$0x0], $0xffff  }
0x204: {  	v11 =	vadd.s32 s2, v1;
	_ =	sdelay $0x3  }
0x205: {  	[tilespmem:$0x6460] =	vst v10  }
0x206: {  	v10 =	vld.idx.msk [tilespmem:v11+s3+$0x0], $0xffff;
	_ =	sdelay $0x4  }
.Ltmp14:
0x207: {  	s25 =	simm.s32 $0x80;
	s5 =	simm.s32 $0x6400;
	[tilespmem:$0x6470] =	vst v10;
	(pc) =	sbr.rel @p0 .LBB2_23-.Ltmp14, $4  }
0x208: {  	[tilespmem:s11], [sflag:$0x1] =	stream.indirect.gather [hbm4b:s4+s25], $0x80, s5, s25, $0xb8;
	[tilespmem:$0x12500] =	vst v63  }
0x209: {  	_ =	swait.ge [sflag:s18], $0x4000  }
0x20a: {  	[sflag:s18] =	ssyncset.done $0x0  }
0x20b: {  	[sflag:s18] =	ssyncadd.s32 $0xFFFFC000  }
.LBB2_22:
0x20c: {  	_ =	swait.ge [sflag:s19], $0x2000  }
0x20d: {  	[sflag:s19] =	ssyncset.done $0x0  }
0x20e: {  	[sflag:s19] =	ssyncadd.s32 $0xFFFFE000  }
.LBB2_23:
0x20f: {  	s2 =	simm.s32 $0x0;
	s6 =	simm.s32 $0x1;
	s9 =	simm.s32 $0x2  }
0x210: {  	s21 =	simm.s32 $0x4;
	s23 =	simm.s32 $0x5;
	s12 =	simm.s32 $0x8;
	v10 =	vmov s2;
	v11 =	vmov s6;
	v12 =	vmov s9  }
0x211: {  	s25 =	simm.s32 $0x9;
	s10 =	simm.s32 $0xE;
	s15 =	simm.s32 $0xF;
	v13 =	vmov s21;
	v14 =	vmov s23;
	v15 =	vmov s12  }
0x212: {  	s17 =	simm.s32 $0xC;
	s20 =	simm.s32 $0xD;
	v18 =	vmov s25;
	v17 =	vmov s10;
	v20 =	vmov s15  }
0x213: {  	s6 =	simm.s32 $0x7;
	v21 =	vmov s17;
	v22 =	vmov s20;
	v12 =	vand.u32 $0x72, v12  }
0x214: {  	s21 =	simm.s32 $0xB;
	v16 =	vmov s6;
	v19 =	vand.u32 $0x74, v13;
	v13 =	vand.u32 $0x78, v15  }
0x215: {  	v24 =	vmov s21;
	v20 =	vand.u32 $0x7F, v20;
	v21 =	vand.u32 $0x7C, v21  }
0x216: {  	v22 =	vand.u32 $0x7D, v22;
	v25 =	vand.u32 $0x7E, v17;
	v10 =	vand.u32 $0x70, v10  }
0x217: {  	s5 =	smov.u32 s16;
	s16 =	simm.s32 $0xA;
	v27 =	vand.u32 $0x75, v14;
	v29 =	vand.u32 $0x79, v18;
	v15 =	vbroadcast v13, $0x0  }
0x218: {  	s23 =	simm.s32 $0x6;
	v13 =	vmov s16;
	v24 =	vand.u32 $0x7B, v24;
	v17 =	vbroadcast v21, $0x0  }
0x219: {  	s25 =	simm.s32 $0x3;
	v30 =	vbroadcast v20, $0x0;
	v20 =	vmov s23;
	v16 =	vand.u32 $0x77, v16  }
0x21a: {  	v12 =	vbroadcast v12, $0x0;
	v21 =	vmov s25;
	v23 =	vor.u32 v0, v15  }
0x21b: {  	v39 =	vbroadcast v29, $0x0;
	v26 =	vand.u32 $0x7A, v13;
	v13 =	vbroadcast v10, $0x0  }
0x21c: {  	v14 =	vand.u32 $0x76, v20;
	v20 =	vbroadcast v22, $0x0;
	v28 =	vor.u32 v0, v17  }
0x21d: {  	v18 =	vand.u32 $0x73, v21;
	v21 =	vbroadcast v16, $0x0;
	v10 =	vbroadcast v25, $0x0  }
0x21e: {  	v16 =	vbroadcast v19, $0x0;
	v38 =	vbroadcast v24, $0x0;
	v25 =	vor.u32 v0, v12  }
0x21f: {  	v14 =	vbroadcast v14, $0x0;
	v19 =	vbroadcast v26, $0x0;
	v37 =	vor.u32 v0, v21;
	v31 =	vld.idx.msk [tilespmem:v23+s13+$0x0], $0xffff  }
0x220: {  	v11 =	vand.u32 $0x71, v11;
	v22 =	vbroadcast v18, $0x0;
	v18 =	vbroadcast v27, $0x0  }
0x221: {  	v34 =	vor.u32 v0, v30;
	v35 =	vor.u32 v0, v20;
	v32 =	vor.u32 v0, v16;
	v33 =	vld.idx.msk [tilespmem:v28+s13+$0x0], $0xffff  }
0x222: {  	v26 =	vor.u32 v0, v13;
	v29 =	vor.u32 v0, v10;
	v27 =	vor.u32 v0, v14  }
0x223: {  	s21 =	simm.s32 $0x10900;
	v22 =	vor.u32 v0, v22;
	v24 =	vor.u32 v0, v18;
	v23 =	vor.u32 v0, v19;
	v28 =	vld.idx.msk [tilespmem:v25+s13+$0x0], $0xffff  }
0x224: {  	s10 =	simm.s32 $0x11100;
	s6 =	simm.s32 $0x10910;
	s23 =	simm.s32 $0x10;
	v36 =	vbroadcast v11, $0x0;
	v25 =	vor.u32 v0, v39;
	v30 =	vld.idx.msk [tilespmem:v37+s13+$0x0], $0xffff;
	[tilespmem:s21+$0x0] =	vst v31;
	v31 =	vor.u32 v0, v38  }
.LBB2_24:
0x225: {  	s2 =	sadd.s32 $0x1, s23  }
0x226: {  	v37 =	vmov s23;
	s9 =	sadd.s32 $0x2, s23;
	s15 =	sadd.s32 $0xE, s23;
	[tilespmem:s21+$0x200] =	vst v33;
	v33 =	vld.idx.msk [tilespmem:v35+s13+$0x0], $0xffff;
	s20 =	smov.u32 s23  }
0x227: {  	s17 =	sadd.s32 $0x9, s23;
	v35 =	vmov s2;
	v38 =	vmov s9;
	s2 =	sadd.s32 $0x4, s23;
	s9 =	sadd.s32 $0x5, s23;
	v36 =	vor.u32 v0, v36;
	v32 =	vld.idx.msk [tilespmem:v32+s13+$0x0], $0xffff  }
0x228: {  	s12 =	sadd.s32 $0x3, s23;
	v38 =	vand.u32 $0x72, v38;
	v39 =	vmov s2;
	v40 =	vmov s9;
	s2 =	sadd.s32 $0x7, s23;
	s9 =	sadd.s32 $0x8, s23;
	v27 =	vld.idx.msk [tilespmem:v27+s13+$0x0], $0xffff  }
0x229: {  	s25 =	sadd.s32 $0x6, s20;
	v43 =	vmov s17;
	s17 =	sadd.s32 $0x10, s23;
	v41 =	vmov s2;
	v42 =	vmov s9;
	s2 =	sadd.s32 $0xF, s20;
	v34 =	vld.idx.msk [tilespmem:v34+s13+$0x0], $0xffff  }
0x22a: {  	p0 =	slt.u32 s23, $0x30;
	v44 =	vmov s15;
	v39 =	vand.u32 $0x74, v39;
	s9 =	sadd.s32 $0xA, s20;
	v42 =	vand.u32 $0x78, v42;
	[tilespmem:s21+$0xFFFFFD00] =	vst v28;
	v28 =	vld.idx.msk [tilespmem:v29+s13+$0x0], $0xffff  }
0x22b: {  	s15 =	sadd.s32 $0xD, s20;
	v45 =	vmov s2;
	v29 =	vbroadcast v42, $0x0;
	v42 =	vmov s9;
	s9 =	sadd.s32 $0xC, s20;
	[tilespmem:s21+$0xFFFFFF80] =	vst v30;
	v30 =	vld.idx.msk [tilespmem:v31+s13+$0x0], $0xffff  }
0x22c: {  	v46 =	vmov s15;
	s2 =	sadd.s32 $0xB, s20;
	v31 =	vand.u32 $0x71, v35;
	v35 =	vmov s9;
	v36 =	vld.idx.msk [tilespmem:v36+s13+$0x0], $0xffff;
	[tilespmem:s21+$0x280] =	vst v33  }
0x22d: {  	v45 =	vand.u32 $0x7F, v45;
	v33 =	vmov s2;
	v29 =	vor.u32 v0, v29;
	v26 =	vld.idx.msk [tilespmem:v26+s13+$0x0], $0xffff;
	[tilespmem:s21+$0xFFFFFE00] =	vst v32  }
0x22e: {  	v44 =	vand.u32 $0x7E, v44;
	v32 =	vand.u32 $0x7C, v35;
	v35 =	vand.u32 $0x7D, v46;
	v24 =	vld.idx.msk [tilespmem:v24+s13+$0x0], $0xffff;
	[tilespmem:s21+$0xFFFFFF00] =	vst v27  }
0x22f: {  	v45 =	vbroadcast v45, $0x0;
	v27 =	vand.u32 $0x7B, v33;
	v32 =	vbroadcast v32, $0x0;
	v23 =	vld.idx.msk [tilespmem:v23+s13+$0x0], $0xffff;
	[tilespmem:s21+$0x380] =	vst v34  }
0x230: {  	v33 =	vmov s25;
	v34 =	vand.u32 $0x77, v41;
	v41 =	vand.u32 $0x7A, v42;
	v25 =	vld.idx.msk [tilespmem:v25+s13+$0x0], $0xffff;
	[tilespmem:s21+$0x300] =	vst v28  }
0x231: {  	v28 =	vbroadcast v38, $0x0;
	v38 =	vmov s12;
	v32 =	vor.u32 v0, v32;
	v22 =	vld.idx.msk [tilespmem:v22+s13+$0x0], $0xffff;
	[tilespmem:s21+$0x180] =	vst v30  }
0x232: {  	v30 =	vand.u32 $0x70, v37;
	v37 =	vand.u32 $0x75, v40;
	v40 =	vand.u32 $0x79, v43;
	v29 =	vld.idx.msk [tilespmem:v29+s13+$0x0], $0xffff;
	[tilespmem:s21+$0xFFFFFC80] =	vst v36  }
0x233: {  	v35 =	vbroadcast v35, $0x0;
	v33 =	vand.u32 $0x76, v33;
	v30 =	vbroadcast v30, $0x0;
	[tilespmem:s21+$0xFFFFFC00] =	vst v26  }
0x234: {  	v34 =	vbroadcast v34, $0x0;
	v36 =	vbroadcast v44, $0x0;
	v26 =	vand.u32 $0x73, v38;
	[tilespmem:s21+$0xFFFFFE80] =	vst v24  }
0x235: {  	v28 =	vor.u32 v0, v28;
	v38 =	vbroadcast v33, $0x0;
	v24 =	vbroadcast v39, $0x0;
	[tilespmem:s21+$0x100] =	vst v23  }
0x236: {  	v39 =	vor.u32 v0, v34;
	v23 =	vbroadcast v41, $0x0;
	v41 =	vbroadcast v27, $0x0;
	v33 =	vld.idx.msk [tilespmem:v32+s13+$0x0], $0xffff;
	[tilespmem:s21+$0x80] =	vst v25  }
.Ltmp15:
0x237: {  	v35 =	vor.u32 v0, v35;
	v25 =	vbroadcast v26, $0x0;
	v26 =	vbroadcast v37, $0x0;
	[tilespmem:s21+$0xFFFFFD80] =	vst v22;
	s21 =	smov.u32 s10;
	(pc) =	sbr.rel @p0 .LBB2_24-.Ltmp15, $4  }
0x238: {  	v27 =	vor.u32 v0, v38;
	v32 =	vor.u32 v0, v24;
	v23 =	vor.u32 v0, v23;
	[tilespmem:s10+$0x0] =	vst v29  }
0x239: {  	v22 =	vor.u32 v0, v25;
	v24 =	vor.u32 v0, v26;
	v25 =	vbroadcast v40, $0x0  }
0x23a: {  	v34 =	vor.u32 v0, v45;
	v26 =	vor.u32 v0, v30;
	v29 =	vor.u32 v0, v36;
	v28 =	vld.idx.msk [tilespmem:v28+s13+$0x0], $0xffff  }
0x23b: {  	s23 =	smov.u32 s17;
	v36 =	vbroadcast v31, $0x0;
	v31 =	vor.u32 v0, v41;
	s10 =	sadd.s32 $0x800, s10;
	v25 =	vor.u32 v0, v25;
	v30 =	vld.idx.msk [tilespmem:v39+s13+$0x0], $0xffff  }
0x23c: {  	_ =	sdelay $0x3  }
0x23d: {  	v35 =	vld.idx.msk [tilespmem:v35+s13+$0x0], $0xffff  }
0x23e: {  	v32 =	vld.idx.msk [tilespmem:v32+s13+$0x0], $0xffff  }
0x23f: {  	[tilespmem:s21+$0x200] =	vst v33;
	v27 =	vld.idx.msk [tilespmem:v27+s13+$0x0], $0xffff  }
0x240: {  	v59 =	vld.idx.msk [tilespmem:v34+s13+$0x0], $0xffff;
	[tilespmem:s21+$0xFFFFFD00] =	vst v28  }
0x241: {  	v60 =	vld.idx.msk [tilespmem:v29+s13+$0x0], $0xffff;
	[tilespmem:s21+$0xFFFFFF80] =	vst v30  }
0x242: {  	v61 =	vld.idx.msk [tilespmem:v31+s13+$0x0], $0xffff;
	[tilespmem:s21+$0x280] =	vst v35  }
0x243: {  	v26 =	vld.idx.msk [tilespmem:v26+s13+$0x0], $0xffff;
	v36 =	vor.u32 v0, v36;
	[tilespmem:s21+$0xFFFFFE00] =	vst v32  }
0x244: {  	v24 =	vld.idx.msk [tilespmem:v24+s13+$0x0], $0xffff;
	[tilespmem:s21+$0xFFFFFF00] =	vst v27  }
0x245: {  	v23 =	vld.idx.msk [tilespmem:v23+s13+$0x0], $0xffff;
	[tilespmem:s21+$0x380] =	vst v59  }
0x246: {  	v25 =	vld.idx.msk [tilespmem:v25+s13+$0x0], $0xffff;
	[tilespmem:s21+$0x300] =	vst v60  }
0x247: {  	v22 =	vld.idx.msk [tilespmem:v22+s13+$0x0], $0xffff;
	[tilespmem:s21+$0x180] =	vst v61  }
0x248: {  	[tilespmem:s21+$0xFFFFFC00] =	vst v26;
	v62 =	vld.idx.msk [tilespmem:v36+s13+$0x0], $0xffff  }
0x249: {  	s2 =	simm.s32 $0xB;
	v15 =	vor.u32 v3, v15;
	[tilespmem:s21+$0xFFFFFE80] =	vst v24  }
0x24a: {  	v21 =	vor.u32 v3, v21;
	v11 =	vbroadcast v11, $0x0;
	v26 =	vmov s2;
	[tilespmem:s21+$0x100] =	vst v23  }
0x24b: {  	v23 =	vor.u32 v3, v17;
	[tilespmem:s21+$0x80] =	vst v25;
	v24 =	vand.u32 $0x7B, v26  }
0x24c: {  	s20 =	simm.s32 $0x9;
	[tilespmem:s21+$0xFFFFFD80] =	vst v22;
	v27 =	vor.u32 v3, v11;
	v17 =	vbroadcast v24, $0x0  }
0x24d: {  	s23 =	simm.s32 $0xF;
	v25 =	vor.u32 v3, v20;
	v24 =	vmov s20;
	[tilespmem:s21+$0xFFFFFC80] =	vst v62  }
0x24e: {  	v20 =	vand.u32 $0x79, v24;
	v24 =	vor.u32 v3, v17;
	v17 =	vmov s23;
	v26 =	vld.idx.msk [tilespmem:v15+s13+$0x0], $0xffff  }
0x24f: {  	s25 =	simm.s32 $0x3;
	v11 =	vand.u32 $0x7F, v17;
	v15 =	vbroadcast v20, $0x0;
	v21 =	vld.idx.msk [tilespmem:v21+s13+$0x0], $0xffff  }
0x250: {  	v22 =	vmov s25;
	v63 =	vbroadcast v11, $0x0;
	v20 =	vld.idx.msk [tilespmem:v23+s13+$0x0], $0xffff;
	v23 =	vor.u32 v3, v12  }
0x251: {  	v12 =	vor.u32 v3, v13;
	v13 =	vor.u32 v3, v14;
	v14 =	vld.idx.msk [tilespmem:v27+s13+$0x0], $0xffff;
	v17 =	vor.u32 v3, v15  }
0x252: {  	v15 =	vor.u32 v3, v19;
	v19 =	vld.idx.msk [tilespmem:v25+s13+$0x0], $0xffff;
	v25 =	vand.u32 $0x73, v22;
	v22 =	vor.u32 v3, v18  }
0x253: {  	s10 =	simm.s32 $0x10;
	s23 =	simm.s32 $0x11110;
	v11 =	vor.u32 v3, v16;
	s21 =	simm.s32 $0x10920;
	v16 =	vld.idx.msk [tilespmem:v24+s13+$0x0], $0xffff;
	v18 =	vor.u32 v3, v63;
	v24 =	vbroadcast v25, $0x0;
	[tilespmem:s6+$0x0] =	vst v26  }
.LBB2_26:
0x254: {  	s2 =	sadd.s32 $0x1, s10  }
0x255: {  	v25 =	vmov s10;
	s9 =	sadd.s32 $0x2, s10;
	s12 =	sadd.s32 $0xF, s10;
	[tilespmem:s6+$0xFFFFFF80] =	vst v21;
	s15 =	smov.u32 s10  }
0x256: {  	s17 =	sadd.s32 $0xB, s10;
	v21 =	vmov s2;
	v26 =	vmov s9;
	s2 =	sadd.s32 $0x4, s10;
	s9 =	sadd.s32 $0x5, s10;
	v23 =	vld.idx.msk [tilespmem:v23+s13+$0x0], $0xffff;
	v10 =	vor.u32 v3, v10  }
0x257: {  	s20 =	sadd.s32 $0xE, s10;
	v24 =	vor.u32 v3, v24;
	v27 =	vmov s2;
	v28 =	vmov s9;
	s2 =	sadd.s32 $0x7, s10;
	s9 =	sadd.s32 $0x8, s10;
	v22 =	vld.idx.msk [tilespmem:v22+s13+$0x0], $0xffff;
	[tilespmem:s6+$0x200] =	vst v20  }
0x258: {  	p0 =	slt.u32 s10, $0x30;
	s25 =	sadd.s32 $0x6, s15;
	v20 =	vand.u32 $0x71, v21;
	s10 =	sadd.s32 $0x10, s10;
	v21 =	vmov s2;
	v29 =	vmov s9;
	v17 =	vld.idx.msk [tilespmem:v17+s13+$0x0], $0xffff;
	[tilespmem:s6+$0x280] =	vst v19  }
0x259: {  	v19 =	vand.u32 $0x72, v26;
	s2 =	sadd.s32 $0x3, s15;
	v26 =	vand.u32 $0x74, v27;
	s9 =	sadd.s32 $0xA, s15;
	v27 =	vand.u32 $0x78, v29;
	[tilespmem:s6+$0x180] =	vst v16;
	v16 =	vld.idx.msk [tilespmem:v18+s13+$0x0], $0xffff  }
0x25a: {  	s16 =	sadd.s32 $0xD, s15;
	v29 =	vmov s12;
	v18 =	vbroadcast v27, $0x0;
	v27 =	vmov s9;
	s9 =	sadd.s32 $0xC, s15;
	v12 =	vld.idx.msk [tilespmem:v12+s13+$0x0], $0xffff;
	[tilespmem:s6+$0xFFFFFC80] =	vst v14  }
0x25b: {  	v30 =	vmov s16;
	s12 =	sadd.s32 $0x9, s15;
	v14 =	vand.u32 $0x70, v25;
	v25 =	vmov s9;
	v11 =	vld.idx.msk [tilespmem:v11+s13+$0x0], $0xffff  }
0x25c: {  	v31 =	vmov s20;
	v28 =	vand.u32 $0x75, v28;
	v18 =	vor.u32 v3, v18;
	[tilespmem:s6+$0xFFFFFD00] =	vst v23;
	v10 =	vld.idx.msk [tilespmem:v10+s13+$0x0], $0xffff  }
0x25d: {  	v21 =	vand.u32 $0x77, v21;
	v27 =	vand.u32 $0x7A, v27;
	v23 =	vmov s25;
	[tilespmem:s6+$0xFFFFFE80] =	vst v22;
	v15 =	vld.idx.msk [tilespmem:v15+s13+$0x0], $0xffff  }
0x25e: {  	v21 =	vbroadcast v21, $0x0;
	v22 =	vand.u32 $0x7C, v25;
	v25 =	vand.u32 $0x7F, v29;
	v24 =	vld.idx.msk [tilespmem:v24+s13+$0x0], $0xffff;
	[tilespmem:s6+$0x80] =	vst v17  }
0x25f: {  	v29 =	vand.u32 $0x7D, v30;
	v17 =	vmov s17;
	v22 =	vbroadcast v22, $0x0;
	v13 =	vld.idx.msk [tilespmem:v13+s13+$0x0], $0xffff;
	[tilespmem:s6+$0x380] =	vst v16  }
0x260: {  	v16 =	vbroadcast v19, $0x0;
	v19 =	vor.u32 v3, v21;
	v21 =	vbroadcast v29, $0x0;
	[tilespmem:s6+$0xFFFFFC00] =	vst v12  }
0x261: {  	v17 =	vand.u32 $0x7B, v17;
	v22 =	vor.u32 v3, v22;
	v12 =	vld.idx.msk [tilespmem:v18+s13+$0x0], $0xffff;
	v18 =	vmov s12;
	[tilespmem:s6+$0xFFFFFE00] =	vst v11  }
0x262: {  	v17 =	vbroadcast v17, $0x0;
	v11 =	vand.u32 $0x76, v23;
	v29 =	vor.u32 v3, v21;
	[tilespmem:s6+$0x300] =	vst v10  }
0x263: {  	v30 =	vmov s2;
	v10 =	vbroadcast v20, $0x0;
	v18 =	vand.u32 $0x79, v18;
	[tilespmem:s6+$0x100] =	vst v15  }
0x264: {  	v28 =	vbroadcast v28, $0x0;
	v15 =	vbroadcast v18, $0x0;
	v18 =	vor.u32 v3, v17;
	[tilespmem:s6+$0xFFFFFD80] =	vst v24  }
0x265: {  	v10 =	vor.u32 v3, v10;
	v24 =	vbroadcast v26, $0x0;
	v21 =	vld.idx.msk [tilespmem:v19+s13+$0x0], $0xffff;
	v19 =	vbroadcast v27, $0x0;
	[tilespmem:s6+$0xFFFFFF00] =	vst v13;
	s6 =	smov.u32 s23  }
.Ltmp16:
0x266: {  	v25 =	vbroadcast v25, $0x0;
	v13 =	vbroadcast v14, $0x0;
	v17 =	vor.u32 v3, v15;
	v20 =	vld.idx.msk [tilespmem:v22+s13+$0x0], $0xffff;
	(pc) =	sbr.rel @p0 .LBB2_26-.Ltmp16, $4  }
0x267: {  	v23 =	vor.u32 v3, v16;
	v14 =	vbroadcast v11, $0x0;
	[tilespmem:s23+$0x0] =	vst v12;
	v15 =	vor.u32 v3, v19;
	v19 =	vld.idx.msk [tilespmem:v29+s13+$0x0], $0xffff  }
0x268: {  	v26 =	vand.u32 $0x73, v30;
	v11 =	vor.u32 v3, v24;
	v22 =	vor.u32 v3, v28  }
0x269: {  	v12 =	vor.u32 v3, v13;
	v13 =	vor.u32 v3, v14;
	v16 =	vld.idx.msk [tilespmem:v18+s13+$0x0], $0xffff;
	v18 =	vand.u32 $0x7E, v31  }
0x26a: {  	s12 =	simm.s32 $0x0;
	v24 =	vbroadcast v26, $0x0;
	s23 =	sadd.s32 $0x800, s23;
	v14 =	vld.idx.msk [tilespmem:v10+s13+$0x0], $0xffff;
	v10 =	vbroadcast v18, $0x0;
	v18 =	vor.u32 v3, v25  }
0x26b: {  	_ =	sdelay $0x3  }
0x26c: {  	[tilespmem:s6+$0xFFFFFF80] =	vst v21;
	v21 =	vld.idx.msk [tilespmem:v23+s13+$0x0], $0xffff  }
0x26d: {  	s2 =	simm.s32 $0x1;
	s9 =	simm.s32 $0x2;
	v22 =	vld.idx.msk [tilespmem:v22+s13+$0x0], $0xffff;
	[tilespmem:s6+$0x200] =	vst v20;
	v10 =	vor.u32 v3, v10;
	v23 =	vor.u32 v3, v24  }
0x26e: {  	s17 =	simm.s32 $0x5;
	s20 =	simm.s32 $0x7;
	s23 =	simm.s32 $0x8;
	v30 =	vld.idx.msk [tilespmem:v12+s13+$0x0], $0xffff;
	v24 =	vmov s12;
	v25 =	vmov s2;
	v26 =	vmov s9  }
0x26f: {  	s16 =	simm.s32 $0x4;
	s10 =	simm.s32 $0x9;
	v27 =	vmov s17;
	[tilespmem:s6+$0x280] =	vst v19;
	v19 =	vmov s20;
	v28 =	vmov s23  }
0x270: {  	v31 =	vld.idx.msk [tilespmem:v11+s13+$0x0], $0xffff;
	v29 =	vmov s10;
	s17 =	simm.s32 $0xD;
	s20 =	simm.s32 $0xB;
	v20 =	vand.u32 $0x72, v26;
	v26 =	vmov s16;
	[tilespmem:s6+$0x180] =	vst v16  }
0x271: {  	v17 =	vld.idx.msk [tilespmem:v17+s13+$0x0], $0xffff;
	v11 =	vand.u32 $0x71, v25;
	v25 =	vmov s17;
	v32 =	vmov s20;
	[tilespmem:s6+$0xFFFFFC80] =	vst v14  }
0x272: {  	s25 =	simm.s32 $0xE;
	s10 =	simm.s32 $0xF;
	v19 =	vand.u32 $0x77, v19;
	v16 =	vld.idx.msk [tilespmem:v18+s13+$0x0], $0xffff;
	v18 =	vand.u32 $0x74, v26;
	v26 =	vand.u32 $0x78, v28;
	[tilespmem:s6+$0xFFFFFD00] =	vst v21  }
0x273: {  	s15 =	simm.s32 $0xA;
	s16 =	simm.s32 $0xC;
	v28 =	vmov s25;
	v12 =	vbroadcast v26, $0x0;
	v26 =	vmov s10;
	[tilespmem:s6+$0xFFFFFE80] =	vst v22  }
0x274: {  	v15 =	vld.idx.msk [tilespmem:v15+s13+$0x0], $0xffff;
	s25 =	simm.s32 $0x3;
	v14 =	vmov s15;
	v21 =	vmov s16;
	v26 =	vand.u32 $0x7F, v26;
	[tilespmem:s6+$0xFFFFFC00] =	vst v30  }
0x275: {  	v30 =	vand.u32 $0x7A, v14;
	[tilespmem:s6+$0xFFFFFE00] =	vst v31;
	v31 =	vmov s25;
	v10 =	vld.idx.msk [tilespmem:v10+s13+$0x0], $0xffff;
	v22 =	vor.u32 v4, v12  }
0x276: {  	[tilespmem:s6+$0x80] =	vst v17;
	v17 =	vand.u32 $0x7C, v21;
	v21 =	vand.u32 $0x7D, v25;
	v25 =	vand.u32 $0x7E, v28;
	v23 =	vld.idx.msk [tilespmem:v23+s13+$0x0], $0xffff  }
0x277: {  	s23 =	simm.s32 $0x6;
	v28 =	vand.u32 $0x7B, v32;
	v34 =	vbroadcast v26, $0x0;
	[tilespmem:s6+$0x380] =	vst v16;
	v16 =	vbroadcast v17, $0x0;
	v17 =	vld.idx.msk [tilespmem:v13+s13+$0x0], $0xffff  }
0x278: {  	v26 =	vmov s23;
	v38 =	vbroadcast v28, $0x0;
	v13 =	vbroadcast v20, $0x0  }
0x279: {  	[tilespmem:s6+$0x100] =	vst v15;
	v15 =	vand.u32 $0x76, v26;
	v20 =	vbroadcast v21, $0x0;
	v21 =	vbroadcast v19, $0x0  }
0x27a: {  	v15 =	vbroadcast v15, $0x0;
	v19 =	vbroadcast v30, $0x0;
	v33 =	vor.u32 v4, v16;
	[tilespmem:s6+$0x300] =	vst v10  }
0x27b: {  	v34 =	vor.u32 v4, v34;
	v37 =	vor.u32 v4, v21;
	v10 =	vand.u32 $0x70, v24;
	[tilespmem:s6+$0xFFFFFD80] =	vst v23  }
0x27c: {  	v24 =	vand.u32 $0x75, v27;
	v27 =	vand.u32 $0x79, v29;
	v23 =	vand.u32 $0x73, v31;
	[tilespmem:s6+$0xFFFFFF00] =	vst v17  }
0x27d: {  	v14 =	vbroadcast v10, $0x0;
	v10 =	vbroadcast v25, $0x0;
	v25 =	vor.u32 v4, v13;
	v31 =	vld.idx.msk [tilespmem:v22+s13+$0x0], $0xffff  }
0x27e: {  	v35 =	vor.u32 v4, v20;
	v39 =	vbroadcast v27, $0x0;
	v17 =	vbroadcast v18, $0x0  }
0x27f: {  	v29 =	vor.u32 v4, v15;
	v18 =	vbroadcast v24, $0x0;
	v22 =	vbroadcast v23, $0x0;
	v33 =	vld.idx.msk [tilespmem:v33+s13+$0x0], $0xffff  }
0x280: {  	v23 =	vor.u32 v4, v19;
	v26 =	vor.u32 v4, v14;
	v32 =	vor.u32 v4, v17  }
0x281: {  	v28 =	vor.u32 v4, v10;
	v24 =	vor.u32 v4, v18;
	v30 =	vld.idx.msk [tilespmem:v37+s13+$0x0], $0xffff;
	v22 =	vor.u32 v4, v22  }
0x282: {  	s17 =	simm.s32 $0x10;
	v36 =	vbroadcast v11, $0x0;
	s10 =	simm.s32 $0x11120;
	s6 =	simm.s32 $0x10930;
	v27 =	vld.idx.msk [tilespmem:v25+s13+$0x0], $0xffff;
	v25 =	vor.u32 v4, v39;
	[tilespmem:s21+$0x0] =	vst v31;
	v31 =	vor.u32 v4, v38  }
.LBB2_28:
0x283: {  	s2 =	sadd.s32 $0x1, s17  }
0x284: {  	v37 =	vmov s17;
	s9 =	sadd.s32 $0x2, s17;
	s15 =	sadd.s32 $0xE, s17;
	[tilespmem:s21+$0x200] =	vst v33;
	v33 =	vld.idx.msk [tilespmem:v35+s13+$0x0], $0xffff;
	s16 =	smov.u32 s17  }
0x285: {  	s20 =	sadd.s32 $0x9, s17;
	v35 =	vmov s2;
	v38 =	vmov s9;
	s2 =	sadd.s32 $0x4, s17;
	s9 =	sadd.s32 $0x5, s17;
	v36 =	vor.u32 v4, v36;
	v32 =	vld.idx.msk [tilespmem:v32+s13+$0x0], $0xffff  }
0x286: {  	s12 =	sadd.s32 $0x3, s17;
	v38 =	vand.u32 $0x72, v38;
	v39 =	vmov s2;
	v40 =	vmov s9;
	s2 =	sadd.s32 $0x7, s17;
	s9 =	sadd.s32 $0x8, s17;
	v29 =	vld.idx.msk [tilespmem:v29+s13+$0x0], $0xffff  }
0x287: {  	s23 =	sadd.s32 $0x10, s17;
	s25 =	sadd.s32 $0x6, s16;
	v43 =	vmov s20;
	v41 =	vmov s2;
	v42 =	vmov s9;
	s2 =	sadd.s32 $0xF, s16;
	v34 =	vld.idx.msk [tilespmem:v34+s13+$0x0], $0xffff  }
0x288: {  	p0 =	slt.u32 s17, $0x30;
	v44 =	vmov s15;
	v39 =	vand.u32 $0x74, v39;
	s9 =	sadd.s32 $0xA, s16;
	v42 =	vand.u32 $0x78, v42;
	[tilespmem:s21+$0xFFFFFD00] =	vst v27;
	v27 =	vld.idx.msk [tilespmem:v28+s13+$0x0], $0xffff  }
0x289: {  	s15 =	sadd.s32 $0xD, s16;
	v45 =	vmov s2;
	v28 =	vbroadcast v42, $0x0;
	v42 =	vmov s9;
	s9 =	sadd.s32 $0xC, s16;
	[tilespmem:s21+$0xFFFFFF80] =	vst v30;
	v30 =	vld.idx.msk [tilespmem:v31+s13+$0x0], $0xffff  }
0x28a: {  	v46 =	vmov s15;
	s2 =	sadd.s32 $0xB, s16;
	v31 =	vand.u32 $0x71, v35;
	v35 =	vmov s9;
	v36 =	vld.idx.msk [tilespmem:v36+s13+$0x0], $0xffff;
	[tilespmem:s21+$0x280] =	vst v33  }
0x28b: {  	v45 =	vand.u32 $0x7F, v45;
	v33 =	vmov s2;
	v28 =	vor.u32 v4, v28;
	v26 =	vld.idx.msk [tilespmem:v26+s13+$0x0], $0xffff;
	[tilespmem:s21+$0xFFFFFE00] =	vst v32  }
0x28c: {  	v44 =	vand.u32 $0x7E, v44;
	v32 =	vand.u32 $0x7C, v35;
	v35 =	vand.u32 $0x7D, v46;
	v24 =	vld.idx.msk [tilespmem:v24+s13+$0x0], $0xffff;
	[tilespmem:s21+$0xFFFFFF00] =	vst v29  }
0x28d: {  	v45 =	vbroadcast v45, $0x0;
	v29 =	vand.u32 $0x7B, v33;
	v32 =	vbroadcast v32, $0x0;
	v23 =	vld.idx.msk [tilespmem:v23+s13+$0x0], $0xffff;
	[tilespmem:s21+$0x380] =	vst v34  }
0x28e: {  	v33 =	vmov s25;
	v34 =	vand.u32 $0x77, v41;
	v41 =	vand.u32 $0x7A, v42;
	v25 =	vld.idx.msk [tilespmem:v25+s13+$0x0], $0xffff;
	[tilespmem:s21+$0x300] =	vst v27  }
0x28f: {  	v27 =	vbroadcast v38, $0x0;
	v38 =	vmov s12;
	v32 =	vor.u32 v4, v32;
	v22 =	vld.idx.msk [tilespmem:v22+s13+$0x0], $0xffff;
	[tilespmem:s21+$0x180] =	vst v30  }
0x290: {  	v30 =	vand.u32 $0x70, v37;
	v37 =	vand.u32 $0x75, v40;
	v40 =	vand.u32 $0x79, v43;
	v28 =	vld.idx.msk [tilespmem:v28+s13+$0x0], $0xffff;
	[tilespmem:s21+$0xFFFFFC80] =	vst v36  }
0x291: {  	v35 =	vbroadcast v35, $0x0;
	v33 =	vand.u32 $0x76, v33;
	v30 =	vbroadcast v30, $0x0;
	[tilespmem:s21+$0xFFFFFC00] =	vst v26  }
0x292: {  	v34 =	vbroadcast v34, $0x0;
	v36 =	vbroadcast v44, $0x0;
	v26 =	vand.u32 $0x73, v38;
	[tilespmem:s21+$0xFFFFFE80] =	vst v24  }
0x293: {  	v27 =	vor.u32 v4, v27;
	v38 =	vbroadcast v33, $0x0;
	v24 =	vbroadcast v39, $0x0;
	[tilespmem:s21+$0x100] =	vst v23  }
0x294: {  	v39 =	vor.u32 v4, v34;
	v23 =	vbroadcast v41, $0x0;
	v41 =	vbroadcast v29, $0x0;
	v33 =	vld.idx.msk [tilespmem:v32+s13+$0x0], $0xffff;
	[tilespmem:s21+$0x80] =	vst v25  }
.Ltmp17:
0x295: {  	v35 =	vor.u32 v4, v35;
	v25 =	vbroadcast v26, $0x0;
	v26 =	vbroadcast v37, $0x0;
	[tilespmem:s21+$0xFFFFFD80] =	vst v22;
	s21 =	smov.u32 s10;
	(pc) =	sbr.rel @p0 .LBB2_28-.Ltmp17, $4  }
0x296: {  	v29 =	vor.u32 v4, v38;
	v32 =	vor.u32 v4, v24;
	v23 =	vor.u32 v4, v23;
	[tilespmem:s10+$0x0] =	vst v28  }
0x297: {  	v22 =	vor.u32 v4, v25;
	v24 =	vor.u32 v4, v26;
	v25 =	vbroadcast v40, $0x0  }
0x298: {  	v34 =	vor.u32 v4, v45;
	v26 =	vor.u32 v4, v30;
	v28 =	vor.u32 v4, v36;
	v27 =	vld.idx.msk [tilespmem:v27+s13+$0x0], $0xffff  }
0x299: {  	s17 =	smov.u32 s23;
	v36 =	vbroadcast v31, $0x0;
	v31 =	vor.u32 v4, v41;
	s10 =	sadd.s32 $0x800, s10;
	v25 =	vor.u32 v4, v25;
	v30 =	vld.idx.msk [tilespmem:v39+s13+$0x0], $0xffff  }
0x29a: {  	_ =	sdelay $0x3  }
0x29b: {  	v35 =	vld.idx.msk [tilespmem:v35+s13+$0x0], $0xffff  }
0x29c: {  	v32 =	vld.idx.msk [tilespmem:v32+s13+$0x0], $0xffff  }
0x29d: {  	[tilespmem:s21+$0x200] =	vst v33;
	v29 =	vld.idx.msk [tilespmem:v29+s13+$0x0], $0xffff  }
0x29e: {  	v59 =	vld.idx.msk [tilespmem:v34+s13+$0x0], $0xffff;
	[tilespmem:s21+$0xFFFFFD00] =	vst v27  }
0x29f: {  	v60 =	vld.idx.msk [tilespmem:v31+s13+$0x0], $0xffff;
	[tilespmem:s21+$0xFFFFFF80] =	vst v30  }
0x2a0: {  	v26 =	vld.idx.msk [tilespmem:v26+s13+$0x0], $0xffff;
	[tilespmem:s21+$0x280] =	vst v35  }
0x2a1: {  	v24 =	vld.idx.msk [tilespmem:v24+s13+$0x0], $0xffff;
	v36 =	vor.u32 v4, v36;
	[tilespmem:s21+$0xFFFFFE00] =	vst v32  }
0x2a2: {  	v23 =	vld.idx.msk [tilespmem:v23+s13+$0x0], $0xffff;
	[tilespmem:s21+$0xFFFFFF00] =	vst v29  }
0x2a3: {  	v25 =	vld.idx.msk [tilespmem:v25+s13+$0x0], $0xffff;
	[tilespmem:s21+$0x380] =	vst v59  }
0x2a4: {  	v22 =	vld.idx.msk [tilespmem:v22+s13+$0x0], $0xffff;
	[tilespmem:s21+$0x180] =	vst v60  }
0x2a5: {  	v27 =	vld.idx.msk [tilespmem:v28+s13+$0x0], $0xffff;
	[tilespmem:s21+$0xFFFFFC00] =	vst v26  }
0x2a6: {  	s2 =	simm.s32 $0xB;
	[tilespmem:s21+$0xFFFFFE80] =	vst v24;
	v61 =	vld.idx.msk [tilespmem:v36+s13+$0x0], $0xffff  }
0x2a7: {  	v12 =	vor.u32 v5, v12;
	v26 =	vmov s2;
	[tilespmem:s21+$0x100] =	vst v23  }
0x2a8: {  	v21 =	vor.u32 v5, v21;
	[tilespmem:s21+$0x80] =	vst v25;
	v24 =	vand.u32 $0x7B, v26  }
0x2a9: {  	s20 =	simm.s32 $0x9;
	v16 =	vor.u32 v5, v16;
	[tilespmem:s21+$0xFFFFFD80] =	vst v22;
	v23 =	vbroadcast v24, $0x0  }
0x2aa: {  	v11 =	vbroadcast v11, $0x0;
	v25 =	vor.u32 v5, v20;
	v24 =	vmov s20;
	[tilespmem:s21+$0x300] =	vst v27  }
0x2ab: {  	s23 =	simm.s32 $0xF;
	v20 =	vand.u32 $0x79, v24;
	v24 =	vor.u32 v5, v23;
	[tilespmem:s21+$0xFFFFFC80] =	vst v61  }
0x2ac: {  	v22 =	vmov s23;
	v27 =	vor.u32 v5, v11;
	v26 =	vld.idx.msk [tilespmem:v12+s13+$0x0], $0xffff  }
0x2ad: {  	s25 =	simm.s32 $0x3;
	v18 =	vor.u32 v5, v18;
	v11 =	vand.u32 $0x7F, v22;
	v22 =	vld.idx.msk [tilespmem:v21+s13+$0x0], $0xffff  }
0x2ae: {  	v62 =	vmov s25;
	v63 =	vbroadcast v11, $0x0;
	v23 =	vor.u32 v5, v13;
	v21 =	vld.idx.msk [tilespmem:v16+s13+$0x0], $0xffff  }
0x2af: {  	v11 =	vor.u32 v5, v17;
	v12 =	vbroadcast v20, $0x0;
	v16 =	vor.u32 v5, v19;
	v19 =	vld.idx.msk [tilespmem:v25+s13+$0x0], $0xffff  }
0x2b0: {  	v13 =	vor.u32 v5, v15;
	v15 =	vor.u32 v5, v63;
	v25 =	vand.u32 $0x73, v62;
	v17 =	vld.idx.msk [tilespmem:v24+s13+$0x0], $0xffff  }
0x2b1: {  	s10 =	simm.s32 $0x10;
	s23 =	simm.s32 $0x11130;
	s21 =	simm.s32 $0x10940;
	v20 =	vor.u32 v5, v12;
	v12 =	vor.u32 v5, v14;
	v14 =	vld.idx.msk [tilespmem:v27+s13+$0x0], $0xffff;
	v24 =	vbroadcast v25, $0x0;
	[tilespmem:s6+$0x0] =	vst v26  }
.LBB2_30:
0x2b2: {  	s2 =	sadd.s32 $0x1, s10  }
0x2b3: {  	v25 =	vmov s10;
	s9 =	sadd.s32 $0x2, s10;
	s12 =	sadd.s32 $0xF, s10;
	[tilespmem:s6+$0xFFFFFF80] =	vst v22;
	s15 =	smov.u32 s10  }
0x2b4: {  	s16 =	sadd.s32 $0xB, s10;
	v22 =	vmov s2;
	v26 =	vmov s9;
	s2 =	sadd.s32 $0x4, s10;
	s9 =	sadd.s32 $0x5, s10;
	v23 =	vld.idx.msk [tilespmem:v23+s13+$0x0], $0xffff;
	v10 =	vor.u32 v5, v10  }
0x2b5: {  	s17 =	sadd.s32 $0xE, s10;
	v24 =	vor.u32 v5, v24;
	v27 =	vmov s2;
	v28 =	vmov s9;
	s2 =	sadd.s32 $0x7, s10;
	s9 =	sadd.s32 $0x8, s10;
	v18 =	vld.idx.msk [tilespmem:v18+s13+$0x0], $0xffff;
	[tilespmem:s6+$0x200] =	vst v21  }
0x2b6: {  	p0 =	slt.u32 s10, $0x30;
	s20 =	sadd.s32 $0x6, s15;
	v21 =	vand.u32 $0x71, v22;
	s10 =	sadd.s32 $0x10, s10;
	v22 =	vmov s2;
	v29 =	vmov s9;
	v20 =	vld.idx.msk [tilespmem:v20+s13+$0x0], $0xffff;
	[tilespmem:s6+$0x280] =	vst v19  }
0x2b7: {  	v19 =	vand.u32 $0x72, v26;
	s2 =	sadd.s32 $0x3, s15;
	v26 =	vand.u32 $0x74, v27;
	s9 =	sadd.s32 $0xA, s15;
	v27 =	vand.u32 $0x78, v29;
	[tilespmem:s6+$0x180] =	vst v17;
	v15 =	vld.idx.msk [tilespmem:v15+s13+$0x0], $0xffff  }
0x2b8: {  	s25 =	sadd.s32 $0xD, s15;
	v29 =	vmov s12;
	v17 =	vbroadcast v27, $0x0;
	v27 =	vmov s9;
	s9 =	sadd.s32 $0xC, s15;
	v12 =	vld.idx.msk [tilespmem:v12+s13+$0x0], $0xffff;
	[tilespmem:s6+$0xFFFFFC80] =	vst v14  }
0x2b9: {  	v30 =	vmov s25;
	s12 =	sadd.s32 $0x9, s15;
	v14 =	vand.u32 $0x70, v25;
	v25 =	vmov s9;
	v11 =	vld.idx.msk [tilespmem:v11+s13+$0x0], $0xffff  }
0x2ba: {  	v31 =	vmov s17;
	v28 =	vand.u32 $0x75, v28;
	v17 =	vor.u32 v5, v17;
	[tilespmem:s6+$0xFFFFFD00] =	vst v23;
	v10 =	vld.idx.msk [tilespmem:v10+s13+$0x0], $0xffff  }
0x2bb: {  	v22 =	vand.u32 $0x77, v22;
	v27 =	vand.u32 $0x7A, v27;
	v23 =	vmov s20;
	[tilespmem:s6+$0xFFFFFE80] =	vst v18;
	v16 =	vld.idx.msk [tilespmem:v16+s13+$0x0], $0xffff  }
0x2bc: {  	v18 =	vbroadcast v22, $0x0;
	v22 =	vand.u32 $0x7C, v25;
	v25 =	vand.u32 $0x7F, v29;
	v24 =	vld.idx.msk [tilespmem:v24+s13+$0x0], $0xffff;
	[tilespmem:s6+$0x80] =	vst v20  }
0x2bd: {  	v29 =	vand.u32 $0x7D, v30;
	v20 =	vmov s16;
	v22 =	vbroadcast v22, $0x0;
	v13 =	vld.idx.msk [tilespmem:v13+s13+$0x0], $0xffff;
	[tilespmem:s6+$0x380] =	vst v15  }
0x2be: {  	v15 =	vbroadcast v19, $0x0;
	v18 =	vor.u32 v5, v18;
	v19 =	vbroadcast v29, $0x0;
	[tilespmem:s6+$0xFFFFFC00] =	vst v12  }
0x2bf: {  	v20 =	vand.u32 $0x7B, v20;
	v29 =	vor.u32 v5, v22;
	v12 =	vld.idx.msk [tilespmem:v17+s13+$0x0], $0xffff;
	v17 =	vmov s12;
	[tilespmem:s6+$0xFFFFFE00] =	vst v11  }
0x2c0: {  	v20 =	vbroadcast v20, $0x0;
	v11 =	vand.u32 $0x76, v23;
	v19 =	vor.u32 v5, v19;
	[tilespmem:s6+$0x300] =	vst v10  }
0x2c1: {  	v30 =	vmov s2;
	v10 =	vbroadcast v21, $0x0;
	v17 =	vand.u32 $0x79, v17;
	[tilespmem:s6+$0x100] =	vst v16  }
0x2c2: {  	v28 =	vbroadcast v28, $0x0;
	v16 =	vbroadcast v17, $0x0;
	v17 =	vor.u32 v5, v20;
	[tilespmem:s6+$0xFFFFFD80] =	vst v24  }
0x2c3: {  	v10 =	vor.u32 v5, v10;
	v24 =	vbroadcast v26, $0x0;
	v22 =	vld.idx.msk [tilespmem:v18+s13+$0x0], $0xffff;
	v18 =	vbroadcast v27, $0x0;
	[tilespmem:s6+$0xFFFFFF00] =	vst v13;
	s6 =	smov.u32 s23  }
.Ltmp18:
0x2c4: {  	v25 =	vbroadcast v25, $0x0;
	v13 =	vbroadcast v14, $0x0;
	v20 =	vor.u32 v5, v16;
	v21 =	vld.idx.msk [tilespmem:v29+s13+$0x0], $0xffff;
	(pc) =	sbr.rel @p0 .LBB2_30-.Ltmp18, $4  }
0x2c5: {  	v23 =	vor.u32 v5, v15;
	v14 =	vbroadcast v11, $0x0;
	[tilespmem:s23+$0x0] =	vst v12;
	v16 =	vor.u32 v5, v18;
	v19 =	vld.idx.msk [tilespmem:v19+s13+$0x0], $0xffff  }
0x2c6: {  	v15 =	vand.u32 $0x73, v30;
	v11 =	vor.u32 v5, v24;
	v18 =	vor.u32 v5, v28  }
0x2c7: {  	v26 =	vand.u32 $0x7E, v31;
	v12 =	vor.u32 v5, v13;
	v13 =	vor.u32 v5, v14;
	v17 =	vld.idx.msk [tilespmem:v17+s13+$0x0], $0xffff  }
0x2c8: {  	s12 =	simm.s32 $0x0;
	v24 =	vbroadcast v15, $0x0;
	v15 =	vor.u32 v5, v25;
	s23 =	sadd.s32 $0x800, s23;
	v14 =	vld.idx.msk [tilespmem:v10+s13+$0x0], $0xffff;
	v10 =	vbroadcast v26, $0x0  }
0x2c9: {  	_ =	sdelay $0x3  }
0x2ca: {  	[tilespmem:s6+$0xFFFFFF80] =	vst v22;
	v22 =	vld.idx.msk [tilespmem:v23+s13+$0x0], $0xffff  }
0x2cb: {  	s2 =	simm.s32 $0x1;
	s9 =	simm.s32 $0x2;
	v18 =	vld.idx.msk [tilespmem:v18+s13+$0x0], $0xffff;
	v10 =	vor.u32 v5, v10;
	v23 =	vor.u32 v5, v24  }
0x2cc: {  	s17 =	simm.s32 $0x5;
	v20 =	vld.idx.msk [tilespmem:v20+s13+$0x0], $0xffff;
	s20 =	simm.s32 $0x7;
	s23 =	simm.s32 $0x8;
	v24 =	vmov s12;
	v25 =	vmov s2;
	v26 =	vmov s9  }
0x2cd: {  	s16 =	simm.s32 $0x4;
	s10 =	simm.s32 $0x9;
	v27 =	vmov s17;
	[tilespmem:s6+$0x280] =	vst v19;
	v19 =	vmov s20;
	v28 =	vmov s23  }
0x2ce: {  	[tilespmem:s6+$0x200] =	vst v21;
	v15 =	vld.idx.msk [tilespmem:v15+s13+$0x0], $0xffff;
	v29 =	vmov s10;
	s17 =	simm.s32 $0xD;
	s20 =	simm.s32 $0xB;
	v21 =	vand.u32 $0x72, v26;
	v26 =	vmov s16  }
0x2cf: {  	v31 =	vld.idx.msk [tilespmem:v11+s13+$0x0], $0xffff;
	v11 =	vand.u32 $0x71, v25;
	v25 =	vmov s17;
	v32 =	vmov s20;
	[tilespmem:s6+$0x180] =	vst v17  }
0x2d0: {  	s25 =	simm.s32 $0xE;
	s15 =	simm.s32 $0xA;
	v30 =	vld.idx.msk [tilespmem:v12+s13+$0x0], $0xffff;
	v19 =	vand.u32 $0x77, v19;
	v17 =	vand.u32 $0x74, v26;
	v26 =	vand.u32 $0x78, v28;
	[tilespmem:s6+$0xFFFFFC80] =	vst v14  }
0x2d1: {  	s10 =	simm.s32 $0xF;
	s16 =	simm.s32 $0xC;
	v28 =	vmov s25;
	v12 =	vbroadcast v26, $0x0;
	v14 =	vmov s15;
	[tilespmem:s6+$0xFFFFFD00] =	vst v22  }
0x2d2: {  	v33 =	vld.idx.msk [tilespmem:v16+s13+$0x0], $0xffff;
	v26 =	vmov s10;
	v17 =	vbroadcast v17, $0x0;
	v22 =	vmov s16;
	[tilespmem:s6+$0x80] =	vst v20  }
0x2d3: {  	s25 =	simm.s32 $0x3;
	v26 =	vand.u32 $0x7F, v26;
	v20 =	vand.u32 $0x7D, v25;
	[tilespmem:s6+$0x380] =	vst v15;
	v25 =	vand.u32 $0x7B, v32;
	v15 =	vld.idx.msk [tilespmem:v13+s13+$0x0], $0xffff  }
0x2d4: {  	[tilespmem:s6+$0xFFFFFE80] =	vst v18;
	v13 =	vbroadcast v21, $0x0;
	v21 =	vmov s25;
	v18 =	vor.u32 v6, v12;
	v23 =	vld.idx.msk [tilespmem:v23+s13+$0x0], $0xffff  }
0x2d5: {  	s23 =	simm.s32 $0x6;
	[tilespmem:s6+$0xFFFFFC00] =	vst v30;
	v10 =	vld.idx.msk [tilespmem:v10+s13+$0x0], $0xffff;
	v16 =	vand.u32 $0x7C, v22;
	v22 =	vand.u32 $0x7E, v28;
	v34 =	vbroadcast v26, $0x0  }
0x2d6: {  	[tilespmem:s6+$0xFFFFFE00] =	vst v31;
	v26 =	vmov s23;
	v28 =	vand.u32 $0x7A, v14;
	v16 =	vbroadcast v16, $0x0  }
0x2d7: {  	[tilespmem:s6+$0x100] =	vst v33;
	v20 =	vbroadcast v20, $0x0;
	v38 =	vbroadcast v25, $0x0;
	v32 =	vor.u32 v6, v17  }
0x2d8: {  	v26 =	vand.u32 $0x76, v26;
	v31 =	vor.u32 v6, v13;
	v30 =	vor.u32 v6, v16;
	[tilespmem:s6+$0xFFFFFF00] =	vst v15  }
0x2d9: {  	v35 =	vor.u32 v6, v20;
	[tilespmem:s6+$0xFFFFFD80] =	vst v23;
	v23 =	vand.u32 $0x73, v21;
	v21 =	vbroadcast v19, $0x0  }
0x2da: {  	v34 =	vor.u32 v6, v34;
	v15 =	vbroadcast v26, $0x0;
	[tilespmem:s6+$0x300] =	vst v10;
	v10 =	vand.u32 $0x70, v24  }
0x2db: {  	v24 =	vand.u32 $0x75, v27;
	v19 =	vbroadcast v28, $0x0;
	v36 =	vld.idx.msk [tilespmem:v18+s13+$0x0], $0xffff;
	v37 =	vor.u32 v6, v21  }
0x2dc: {  	v27 =	vand.u32 $0x79, v29;
	v14 =	vbroadcast v10, $0x0;
	v10 =	vbroadcast v22, $0x0  }
0x2dd: {  	v22 =	vbroadcast v23, $0x0;
	v18 =	vbroadcast v24, $0x0;
	v29 =	vor.u32 v6, v15;
	v33 =	vld.idx.msk [tilespmem:v30+s13+$0x0], $0xffff  }
0x2de: {  	v25 =	vbroadcast v27, $0x0;
	v27 =	vld.idx.msk [tilespmem:v31+s13+$0x0], $0xffff;
	v31 =	vor.u32 v6, v38;
	v23 =	vor.u32 v6, v19  }
0x2df: {  	v22 =	vor.u32 v6, v22;
	v24 =	vor.u32 v6, v18;
	v26 =	vor.u32 v6, v14  }
0x2e0: {  	s17 =	simm.s32 $0x10;
	s10 =	simm.s32 $0x11140;
	s6 =	simm.s32 $0x10950;
	v28 =	vor.u32 v6, v10;
	v25 =	vor.u32 v6, v25;
	[tilespmem:s21+$0x0] =	vst v36;
	v36 =	vbroadcast v11, $0x0;
	v30 =	vld.idx.msk [tilespmem:v37+s13+$0x0], $0xffff  }
.LBB2_32:
0x2e1: {  	s2 =	sadd.s32 $0x1, s17  }
0x2e2: {  	v37 =	vmov s17;
	s9 =	sadd.s32 $0x2, s17;
	s15 =	sadd.s32 $0xE, s17;
	[tilespmem:s21+$0x200] =	vst v33;
	v33 =	vld.idx.msk [tilespmem:v35+s13+$0x0], $0xffff;
	s16 =	smov.u32 s17  }
0x2e3: {  	s20 =	sadd.s32 $0x9, s17;
	v35 =	vmov s2;
	v38 =	vmov s9;
	s2 =	sadd.s32 $0x4, s17;
	s9 =	sadd.s32 $0x5, s17;
	v36 =	vor.u32 v6, v36;
	v32 =	vld.idx.msk [tilespmem:v32+s13+$0x0], $0xffff  }
0x2e4: {  	s12 =	sadd.s32 $0x3, s17;
	v38 =	vand.u32 $0x72, v38;
	v39 =	vmov s2;
	v40 =	vmov s9;
	s2 =	sadd.s32 $0x7, s17;
	s9 =	sadd.s32 $0x8, s17;
	v29 =	vld.idx.msk [tilespmem:v29+s13+$0x0], $0xffff  }
0x2e5: {  	s23 =	sadd.s32 $0x10, s17;
	s25 =	sadd.s32 $0x6, s16;
	v43 =	vmov s20;
	v41 =	vmov s2;
	v42 =	vmov s9;
	s2 =	sadd.s32 $0xF, s16;
	v34 =	vld.idx.msk [tilespmem:v34+s13+$0x0], $0xffff  }
0x2e6: {  	p0 =	slt.u32 s17, $0x30;
	v44 =	vmov s15;
	v39 =	vand.u32 $0x74, v39;
	s9 =	sadd.s32 $0xA, s16;
	v42 =	vand.u32 $0x78, v42;
	[tilespmem:s21+$0xFFFFFD00] =	vst v27;
	v27 =	vld.idx.msk [tilespmem:v28+s13+$0x0], $0xffff  }
0x2e7: {  	s15 =	sadd.s32 $0xD, s16;
	v45 =	vmov s2;
	v28 =	vbroadcast v42, $0x0;
	v42 =	vmov s9;
	s9 =	sadd.s32 $0xC, s16;
	[tilespmem:s21+$0xFFFFFF80] =	vst v30;
	v30 =	vld.idx.msk [tilespmem:v31+s13+$0x0], $0xffff  }
0x2e8: {  	v46 =	vmov s15;
	s2 =	sadd.s32 $0xB, s16;
	v31 =	vand.u32 $0x71, v35;
	v35 =	vmov s9;
	v36 =	vld.idx.msk [tilespmem:v36+s13+$0x0], $0xffff;
	[tilespmem:s21+$0x280] =	vst v33  }
0x2e9: {  	v45 =	vand.u32 $0x7F, v45;
	v33 =	vmov s2;
	v28 =	vor.u32 v6, v28;
	v26 =	vld.idx.msk [tilespmem:v26+s13+$0x0], $0xffff;
	[tilespmem:s21+$0xFFFFFE00] =	vst v32  }
0x2ea: {  	v44 =	vand.u32 $0x7E, v44;
	v32 =	vand.u32 $0x7C, v35;
	v35 =	vand.u32 $0x7D, v46;
	v24 =	vld.idx.msk [tilespmem:v24+s13+$0x0], $0xffff;
	[tilespmem:s21+$0xFFFFFF00] =	vst v29  }
0x2eb: {  	v45 =	vbroadcast v45, $0x0;
	v29 =	vand.u32 $0x7B, v33;
	v32 =	vbroadcast v32, $0x0;
	v23 =	vld.idx.msk [tilespmem:v23+s13+$0x0], $0xffff;
	[tilespmem:s21+$0x380] =	vst v34  }
0x2ec: {  	v33 =	vmov s25;
	v34 =	vand.u32 $0x77, v41;
	v41 =	vand.u32 $0x7A, v42;
	v25 =	vld.idx.msk [tilespmem:v25+s13+$0x0], $0xffff;
	[tilespmem:s21+$0x300] =	vst v27  }
0x2ed: {  	v27 =	vbroadcast v38, $0x0;
	v38 =	vmov s12;
	v32 =	vor.u32 v6, v32;
	v22 =	vld.idx.msk [tilespmem:v22+s13+$0x0], $0xffff;
	[tilespmem:s21+$0x180] =	vst v30  }
0x2ee: {  	v30 =	vand.u32 $0x70, v37;
	v37 =	vand.u32 $0x75, v40;
	v40 =	vand.u32 $0x79, v43;
	v28 =	vld.idx.msk [tilespmem:v28+s13+$0x0], $0xffff;
	[tilespmem:s21+$0xFFFFFC80] =	vst v36  }
0x2ef: {  	v35 =	vbroadcast v35, $0x0;
	v33 =	vand.u32 $0x76, v33;
	v30 =	vbroadcast v30, $0x0;
	[tilespmem:s21+$0xFFFFFC00] =	vst v26  }
0x2f0: {  	v34 =	vbroadcast v34, $0x0;
	v36 =	vbroadcast v44, $0x0;
	v26 =	vand.u32 $0x73, v38;
	[tilespmem:s21+$0xFFFFFE80] =	vst v24  }
0x2f1: {  	v27 =	vor.u32 v6, v27;
	v38 =	vbroadcast v33, $0x0;
	v24 =	vbroadcast v39, $0x0;
	[tilespmem:s21+$0x100] =	vst v23  }
0x2f2: {  	v39 =	vor.u32 v6, v34;
	v23 =	vbroadcast v41, $0x0;
	v41 =	vbroadcast v29, $0x0;
	v33 =	vld.idx.msk [tilespmem:v32+s13+$0x0], $0xffff;
	[tilespmem:s21+$0x80] =	vst v25  }
.Ltmp19:
0x2f3: {  	v35 =	vor.u32 v6, v35;
	v25 =	vbroadcast v26, $0x0;
	v26 =	vbroadcast v37, $0x0;
	[tilespmem:s21+$0xFFFFFD80] =	vst v22;
	s21 =	smov.u32 s10;
	(pc) =	sbr.rel @p0 .LBB2_32-.Ltmp19, $4  }
0x2f4: {  	v29 =	vor.u32 v6, v38;
	v32 =	vor.u32 v6, v24;
	v23 =	vor.u32 v6, v23;
	[tilespmem:s10+$0x0] =	vst v28  }
0x2f5: {  	v22 =	vor.u32 v6, v25;
	v24 =	vor.u32 v6, v26;
	v25 =	vbroadcast v40, $0x0  }
0x2f6: {  	v34 =	vor.u32 v6, v45;
	v26 =	vor.u32 v6, v30;
	v28 =	vor.u32 v6, v36;
	v27 =	vld.idx.msk [tilespmem:v27+s13+$0x0], $0xffff  }
0x2f7: {  	s17 =	smov.u32 s23;
	v36 =	vbroadcast v31, $0x0;
	v31 =	vor.u32 v6, v41;
	s10 =	sadd.s32 $0x800, s10;
	v25 =	vor.u32 v6, v25;
	v30 =	vld.idx.msk [tilespmem:v39+s13+$0x0], $0xffff  }
0x2f8: {  	_ =	sdelay $0x3  }
0x2f9: {  	v35 =	vld.idx.msk [tilespmem:v35+s13+$0x0], $0xffff  }
0x2fa: {  	v32 =	vld.idx.msk [tilespmem:v32+s13+$0x0], $0xffff  }
0x2fb: {  	[tilespmem:s21+$0x200] =	vst v33;
	v29 =	vld.idx.msk [tilespmem:v29+s13+$0x0], $0xffff  }
0x2fc: {  	v60 =	vld.idx.msk [tilespmem:v34+s13+$0x0], $0xffff;
	[tilespmem:s21+$0xFFFFFD00] =	vst v27  }
0x2fd: {  	v61 =	vld.idx.msk [tilespmem:v31+s13+$0x0], $0xffff;
	[tilespmem:s21+$0xFFFFFF80] =	vst v30  }
0x2fe: {  	v26 =	vld.idx.msk [tilespmem:v26+s13+$0x0], $0xffff;
	[tilespmem:s21+$0x280] =	vst v35  }
0x2ff: {  	v24 =	vld.idx.msk [tilespmem:v24+s13+$0x0], $0xffff;
	v36 =	vor.u32 v6, v36;
	[tilespmem:s21+$0xFFFFFE00] =	vst v32  }
0x300: {  	v23 =	vld.idx.msk [tilespmem:v23+s13+$0x0], $0xffff;
	[tilespmem:s21+$0xFFFFFF00] =	vst v29  }
0x301: {  	v25 =	vld.idx.msk [tilespmem:v25+s13+$0x0], $0xffff;
	[tilespmem:s21+$0x380] =	vst v60  }
0x302: {  	v22 =	vld.idx.msk [tilespmem:v22+s13+$0x0], $0xffff;
	[tilespmem:s21+$0x180] =	vst v61  }
0x303: {  	v27 =	vld.idx.msk [tilespmem:v28+s13+$0x0], $0xffff;
	[tilespmem:s21+$0xFFFFFC00] =	vst v26  }
0x304: {  	[tilespmem:s21+$0xFFFFFE80] =	vst v24;
	v62 =	vld.idx.msk [tilespmem:v36+s13+$0x0], $0xffff  }
0x305: {  	s2 =	simm.s32 $0xB;
	v12 =	vor.u32 v7, v12;
	[tilespmem:s21+$0x100] =	vst v23  }
0x306: {  	v21 =	vor.u32 v7, v21;
	v11 =	vbroadcast v11, $0x0;
	v26 =	vmov s2;
	[tilespmem:s21+$0x80] =	vst v25  }
0x307: {  	v23 =	vor.u32 v7, v16;
	[tilespmem:s21+$0xFFFFFD80] =	vst v22;
	v24 =	vand.u32 $0x7B, v26  }
0x308: {  	s20 =	simm.s32 $0x9;
	v16 =	vbroadcast v24, $0x0;
	[tilespmem:s21+$0x300] =	vst v27;
	v27 =	vor.u32 v7, v11  }
0x309: {  	s23 =	simm.s32 $0xF;
	v25 =	vor.u32 v7, v20;
	v24 =	vmov s20;
	[tilespmem:s21+$0xFFFFFC80] =	vst v62  }
0x30a: {  	v20 =	vand.u32 $0x79, v24;
	v24 =	vor.u32 v7, v16;
	v16 =	vmov s23;
	v26 =	vld.idx.msk [tilespmem:v12+s13+$0x0], $0xffff  }
0x30b: {  	s25 =	simm.s32 $0x3;
	v11 =	vand.u32 $0x7F, v16;
	v12 =	vbroadcast v20, $0x0;
	v21 =	vld.idx.msk [tilespmem:v21+s13+$0x0], $0xffff  }
0x30c: {  	v22 =	vmov s25;
	v63 =	vbroadcast v11, $0x0;
	v11 =	vor.u32 v7, v14;
	v20 =	vld.idx.msk [tilespmem:v23+s13+$0x0], $0xffff  }
0x30d: {  	v14 =	vor.u32 v7, v15;
	v23 =	vor.u32 v7, v13;
	v15 =	vld.idx.msk [tilespmem:v27+s13+$0x0], $0xffff;
	v16 =	vor.u32 v7, v12  }
0x30e: {  	v12 =	vor.u32 v7, v19;
	v19 =	vld.idx.msk [tilespmem:v25+s13+$0x0], $0xffff;
	v25 =	vand.u32 $0x73, v22;
	v22 =	vor.u32 v7, v18  }
0x30f: {  	s10 =	simm.s32 $0x10;
	s23 =	simm.s32 $0x11150;
	s21 =	simm.s32 $0x10960;
	v13 =	vor.u32 v7, v17;
	v17 =	vld.idx.msk [tilespmem:v24+s13+$0x0], $0xffff;
	v18 =	vor.u32 v7, v63;
	v24 =	vbroadcast v25, $0x0;
	[tilespmem:s6+$0x0] =	vst v26  }
.LBB2_34:
0x310: {  	s2 =	sadd.s32 $0x1, s10  }
0x311: {  	v25 =	vmov s10;
	s9 =	sadd.s32 $0x2, s10;
	s12 =	sadd.s32 $0xF, s10;
	[tilespmem:s6+$0xFFFFFF80] =	vst v21;
	s15 =	smov.u32 s10  }
0x312: {  	s16 =	sadd.s32 $0xB, s10;
	v21 =	vmov s2;
	v26 =	vmov s9;
	s2 =	sadd.s32 $0x4, s10;
	s9 =	sadd.s32 $0x5, s10;
	v23 =	vld.idx.msk [tilespmem:v23+s13+$0x0], $0xffff;
	v10 =	vor.u32 v7, v10  }
0x313: {  	s17 =	sadd.s32 $0xE, s10;
	v24 =	vor.u32 v7, v24;
	v27 =	vmov s2;
	v28 =	vmov s9;
	s2 =	sadd.s32 $0x7, s10;
	s9 =	sadd.s32 $0x8, s10;
	v22 =	vld.idx.msk [tilespmem:v22+s13+$0x0], $0xffff;
	[tilespmem:s6+$0x200] =	vst v20  }
0x314: {  	p0 =	slt.u32 s10, $0x30;
	s20 =	sadd.s32 $0x6, s15;
	v20 =	vand.u32 $0x71, v21;
	s10 =	sadd.s32 $0x10, s10;
	v21 =	vmov s2;
	v29 =	vmov s9;
	v16 =	vld.idx.msk [tilespmem:v16+s13+$0x0], $0xffff;
	[tilespmem:s6+$0x280] =	vst v19  }
0x315: {  	v19 =	vand.u32 $0x72, v26;
	s2 =	sadd.s32 $0x3, s15;
	v26 =	vand.u32 $0x74, v27;
	s9 =	sadd.s32 $0xA, s15;
	v27 =	vand.u32 $0x78, v29;
	[tilespmem:s6+$0x180] =	vst v17;
	v17 =	vld.idx.msk [tilespmem:v18+s13+$0x0], $0xffff  }
0x316: {  	s25 =	sadd.s32 $0xD, s15;
	v29 =	vmov s12;
	v18 =	vbroadcast v27, $0x0;
	v27 =	vmov s9;
	s9 =	sadd.s32 $0xC, s15;
	v11 =	vld.idx.msk [tilespmem:v11+s13+$0x0], $0xffff;
	[tilespmem:s6+$0xFFFFFC80] =	vst v15  }
0x317: {  	v30 =	vmov s25;
	s12 =	sadd.s32 $0x9, s15;
	v15 =	vand.u32 $0x70, v25;
	v25 =	vmov s9;
	v13 =	vld.idx.msk [tilespmem:v13+s13+$0x0], $0xffff  }
0x318: {  	v31 =	vmov s17;
	v28 =	vand.u32 $0x75, v28;
	v18 =	vor.u32 v7, v18;
	[tilespmem:s6+$0xFFFFFD00] =	vst v23;
	v10 =	vld.idx.msk [tilespmem:v10+s13+$0x0], $0xffff  }
0x319: {  	v21 =	vand.u32 $0x77, v21;
	v27 =	vand.u32 $0x7A, v27;
	v23 =	vmov s20;
	[tilespmem:s6+$0xFFFFFE80] =	vst v22;
	v12 =	vld.idx.msk [tilespmem:v12+s13+$0x0], $0xffff  }
0x31a: {  	v21 =	vbroadcast v21, $0x0;
	v22 =	vand.u32 $0x7C, v25;
	v25 =	vand.u32 $0x7F, v29;
	v24 =	vld.idx.msk [tilespmem:v24+s13+$0x0], $0xffff;
	[tilespmem:s6+$0x80] =	vst v16  }
0x31b: {  	v29 =	vand.u32 $0x7D, v30;
	v16 =	vmov s16;
	v22 =	vbroadcast v22, $0x0;
	v14 =	vld.idx.msk [tilespmem:v14+s13+$0x0], $0xffff;
	[tilespmem:s6+$0x380] =	vst v17  }
0x31c: {  	v17 =	vbroadcast v19, $0x0;
	v19 =	vor.u32 v7, v21;
	v21 =	vbroadcast v29, $0x0;
	[tilespmem:s6+$0xFFFFFC00] =	vst v11  }
0x31d: {  	v16 =	vand.u32 $0x7B, v16;
	v22 =	vor.u32 v7, v22;
	v11 =	vld.idx.msk [tilespmem:v18+s13+$0x0], $0xffff;
	v18 =	vmov s12;
	[tilespmem:s6+$0xFFFFFE00] =	vst v13  }
0x31e: {  	v16 =	vbroadcast v16, $0x0;
	v13 =	vand.u32 $0x76, v23;
	v29 =	vor.u32 v7, v21;
	[tilespmem:s6+$0x300] =	vst v10  }
0x31f: {  	v30 =	vmov s2;
	v10 =	vbroadcast v20, $0x0;
	v18 =	vand.u32 $0x79, v18;
	[tilespmem:s6+$0x100] =	vst v12  }
0x320: {  	v28 =	vbroadcast v28, $0x0;
	v12 =	vbroadcast v18, $0x0;
	v18 =	vor.u32 v7, v16;
	[tilespmem:s6+$0xFFFFFD80] =	vst v24  }
0x321: {  	v10 =	vor.u32 v7, v10;
	v24 =	vbroadcast v26, $0x0;
	v21 =	vld.idx.msk [tilespmem:v19+s13+$0x0], $0xffff;
	v19 =	vbroadcast v27, $0x0;
	[tilespmem:s6+$0xFFFFFF00] =	vst v14;
	s6 =	smov.u32 s23  }
.Ltmp20:
0x322: {  	v25 =	vbroadcast v25, $0x0;
	v14 =	vbroadcast v15, $0x0;
	v16 =	vor.u32 v7, v12;
	v20 =	vld.idx.msk [tilespmem:v22+s13+$0x0], $0xffff;
	(pc) =	sbr.rel @p0 .LBB2_34-.Ltmp20, $4  }
0x323: {  	v23 =	vor.u32 v7, v17;
	v15 =	vbroadcast v13, $0x0;
	[tilespmem:s23+$0x0] =	vst v11;
	v12 =	vor.u32 v7, v19;
	v19 =	vld.idx.msk [tilespmem:v29+s13+$0x0], $0xffff  }
0x324: {  	v26 =	vand.u32 $0x73, v30;
	v13 =	vor.u32 v7, v24;
	v22 =	vor.u32 v7, v28  }
0x325: {  	v11 =	vor.u32 v7, v14;
	v14 =	vor.u32 v7, v15;
	v17 =	vld.idx.msk [tilespmem:v18+s13+$0x0], $0xffff;
	v18 =	vand.u32 $0x7E, v31  }
0x326: {  	s12 =	simm.s32 $0x0;
	v24 =	vbroadcast v26, $0x0;
	s23 =	sadd.s32 $0x800, s23;
	v15 =	vld.idx.msk [tilespmem:v10+s13+$0x0], $0xffff;
	v10 =	vbroadcast v18, $0x0;
	v18 =	vor.u32 v7, v25  }
0x327: {  	_ =	sdelay $0x3  }
0x328: {  	[tilespmem:s6+$0xFFFFFF80] =	vst v21;
	v21 =	vld.idx.msk [tilespmem:v23+s13+$0x0], $0xffff  }
0x329: {  	s2 =	simm.s32 $0x1;
	s9 =	simm.s32 $0x2;
	v22 =	vld.idx.msk [tilespmem:v22+s13+$0x0], $0xffff;
	v25 =	vmov s12;
	v23 =	vor.u32 v7, v10  }
0x32a: {  	s17 =	simm.s32 $0x5;
	v16 =	vld.idx.msk [tilespmem:v16+s13+$0x0], $0xffff;
	s20 =	simm.s32 $0x7;
	s23 =	simm.s32 $0x8;
	v24 =	vor.u32 v7, v24;
	v10 =	vmov s2;
	v26 =	vmov s9  }
0x32b: {  	s16 =	simm.s32 $0x4;
	s10 =	simm.s32 $0x9;
	v27 =	vmov s17;
	[tilespmem:s6+$0x280] =	vst v19;
	v19 =	vmov s20;
	v28 =	vmov s23  }
0x32c: {  	[tilespmem:s6+$0x200] =	vst v20;
	v30 =	vld.idx.msk [tilespmem:v11+s13+$0x0], $0xffff;
	v29 =	vmov s10;
	s20 =	simm.s32 $0xB;
	v20 =	vand.u32 $0x72, v26;
	v26 =	vmov s16  }
0x32d: {  	v31 =	vld.idx.msk [tilespmem:v13+s13+$0x0], $0xffff;
	v10 =	vand.u32 $0x71, v10;
	v32 =	vmov s20;
	v19 =	vand.u32 $0x77, v19;
	[tilespmem:s6+$0x180] =	vst v17  }
0x32e: {  	s25 =	simm.s32 $0xE;
	s16 =	simm.s32 $0xC;
	v29 =	vand.u32 $0x79, v29;
	v17 =	vld.idx.msk [tilespmem:v18+s13+$0x0], $0xffff;
	v26 =	vand.u32 $0x74, v26;
	v18 =	vand.u32 $0x78, v28;
	[tilespmem:s6+$0xFFFFFC80] =	vst v15  }
0x32f: {  	s15 =	simm.s32 $0xA;
	v33 =	vld.idx.msk [tilespmem:v12+s13+$0x0], $0xffff;
	s10 =	simm.s32 $0xF;
	v28 =	vmov s25;
	v13 =	vmov s16;
	v19 =	vbroadcast v19, $0x0;
	[tilespmem:s6+$0xFFFFFD00] =	vst v21  }
0x330: {  	s17 =	simm.s32 $0xD;
	v11 =	vbroadcast v18, $0x0;
	v15 =	vmov s15;
	v18 =	vmov s10;
	[tilespmem:s6+$0xFFFFFE80] =	vst v22  }
0x331: {  	v12 =	vand.u32 $0x7C, v13;
	v21 =	vmov s17;
	v18 =	vand.u32 $0x7F, v18;
	[tilespmem:s6+$0x80] =	vst v16;
	v23 =	vld.idx.msk [tilespmem:v23+s13+$0x0], $0xffff  }
0x332: {  	s25 =	simm.s32 $0x3;
	v13 =	vbroadcast v12, $0x0;
	[tilespmem:s6+$0xFFFFFC00] =	vst v30;
	v30 =	vand.u32 $0x7A, v15;
	v15 =	vbroadcast v20, $0x0;
	v24 =	vld.idx.msk [tilespmem:v24+s13+$0x0], $0xffff  }
0x333: {  	[tilespmem:s6+$0xFFFFFE00] =	vst v31;
	v20 =	vmov s25;
	v16 =	vand.u32 $0x7D, v21;
	v21 =	vand.u32 $0x7E, v28;
	v28 =	vld.idx.msk [tilespmem:v14+s13+$0x0], $0xffff  }
0x334: {  	s23 =	simm.s32 $0x6;
	[tilespmem:s6+$0x100] =	vst v33;
	v35 =	vor.u32 v8, v19;
	v22 =	vor.u32 v8, v11;
	v12 =	vbroadcast v18, $0x0  }
0x335: {  	v18 =	vmov s23;
	v14 =	vand.u32 $0x70, v25;
	v31 =	vor.u32 v8, v13;
	[tilespmem:s6+$0x380] =	vst v17  }
0x336: {  	v14 =	vbroadcast v14, $0x0;
	v25 =	vand.u32 $0x76, v18;
	v18 =	vbroadcast v16, $0x0;
	[tilespmem:s6+$0x300] =	vst v23  }
0x337: {  	v16 =	vbroadcast v21, $0x0;
	v63 =	vor.u32 v8, v15;
	v17 =	vand.u32 $0x7B, v32;
	[tilespmem:s6+$0xFFFFFD80] =	vst v24  }
0x338: {  	v21 =	vbroadcast v25, $0x0;
	v38 =	vor.u32 v8, v12;
	v17 =	vbroadcast v17, $0x0;
	[tilespmem:s6+$0xFFFFFF00] =	vst v28  }
0x339: {  	v39 =	vor.u32 v8, v18;
	v32 =	vor.u32 v8, v16;
	v23 =	vand.u32 $0x75, v27;
	v34 =	vld.idx.msk [tilespmem:v22+s13+$0x0], $0xffff  }
0x33a: {  	v24 =	vand.u32 $0x73, v20;
	v20 =	vbroadcast v26, $0x0;
	v22 =	vbroadcast v30, $0x0  }
0x33b: {  	v33 =	vor.u32 v8, v21;
	v24 =	vbroadcast v24, $0x0;
	v25 =	vbroadcast v23, $0x0;
	v37 =	vld.idx.msk [tilespmem:v31+s13+$0x0], $0xffff  }
0x33c: {  	v23 =	vbroadcast v29, $0x0;
	v30 =	vor.u32 v8, v14;
	v36 =	vor.u32 v8, v20  }
0x33d: {  	v31 =	vld.idx.msk [tilespmem:v63+s13+$0x0], $0xffff;
	v27 =	vor.u32 v8, v22;
	v26 =	vor.u32 v8, v24;
	v28 =	vor.u32 v8, v25  }
0x33e: {  	v40 =	vbroadcast v10, $0x0;
	s10 =	simm.s32 $0x11160;
	s17 =	simm.s32 $0x10;
	s6 =	simm.s32 $0x10970;
	v29 =	vor.u32 v8, v23;
	[tilespmem:s21+$0x0] =	vst v34;
	v34 =	vld.idx.msk [tilespmem:v35+s13+$0x0], $0xffff;
	v35 =	vor.u32 v8, v17  }
.LBB2_36:
0x33f: {  	s2 =	sadd.s32 $0x1, s17  }
0x340: {  	v41 =	vmov s17;
	s9 =	sadd.s32 $0x2, s17;
	s15 =	sadd.s32 $0xE, s17;
	[tilespmem:s21+$0x200] =	vst v37;
	v37 =	vld.idx.msk [tilespmem:v39+s13+$0x0], $0xffff;
	s16 =	smov.u32 s17  }
0x341: {  	s20 =	sadd.s32 $0x9, s17;
	v39 =	vmov s2;
	v42 =	vmov s9;
	s2 =	sadd.s32 $0x4, s17;
	s9 =	sadd.s32 $0x5, s17;
	v40 =	vor.u32 v8, v40;
	v36 =	vld.idx.msk [tilespmem:v36+s13+$0x0], $0xffff  }
0x342: {  	s12 =	sadd.s32 $0x3, s17;
	v42 =	vand.u32 $0x72, v42;
	v43 =	vmov s2;
	v44 =	vmov s9;
	s2 =	sadd.s32 $0x7, s17;
	s9 =	sadd.s32 $0x8, s17;
	v33 =	vld.idx.msk [tilespmem:v33+s13+$0x0], $0xffff  }
0x343: {  	s23 =	sadd.s32 $0x10, s17;
	s25 =	sadd.s32 $0x6, s16;
	v47 =	vmov s20;
	v45 =	vmov s2;
	v46 =	vmov s9;
	s2 =	sadd.s32 $0xF, s16;
	v38 =	vld.idx.msk [tilespmem:v38+s13+$0x0], $0xffff  }
0x344: {  	p0 =	slt.u32 s17, $0x30;
	v48 =	vmov s15;
	v43 =	vand.u32 $0x74, v43;
	s9 =	sadd.s32 $0xA, s16;
	v46 =	vand.u32 $0x78, v46;
	[tilespmem:s21+$0xFFFFFD00] =	vst v31;
	v31 =	vld.idx.msk [tilespmem:v32+s13+$0x0], $0xffff  }
0x345: {  	s15 =	sadd.s32 $0xD, s16;
	v49 =	vmov s2;
	v32 =	vbroadcast v46, $0x0;
	v46 =	vmov s9;
	s9 =	sadd.s32 $0xC, s16;
	[tilespmem:s21+$0xFFFFFF80] =	vst v34;
	v34 =	vld.idx.msk [tilespmem:v35+s13+$0x0], $0xffff  }
0x346: {  	v50 =	vmov s15;
	s2 =	sadd.s32 $0xB, s16;
	v35 =	vand.u32 $0x71, v39;
	v39 =	vmov s9;
	v40 =	vld.idx.msk [tilespmem:v40+s13+$0x0], $0xffff;
	[tilespmem:s21+$0x280] =	vst v37  }
0x347: {  	v49 =	vand.u32 $0x7F, v49;
	v37 =	vmov s2;
	v32 =	vor.u32 v8, v32;
	v30 =	vld.idx.msk [tilespmem:v30+s13+$0x0], $0xffff;
	[tilespmem:s21+$0xFFFFFE00] =	vst v36  }
0x348: {  	v48 =	vand.u32 $0x7E, v48;
	v36 =	vand.u32 $0x7C, v39;
	v39 =	vand.u32 $0x7D, v50;
	v28 =	vld.idx.msk [tilespmem:v28+s13+$0x0], $0xffff;
	[tilespmem:s21+$0xFFFFFF00] =	vst v33  }
0x349: {  	v49 =	vbroadcast v49, $0x0;
	v33 =	vand.u32 $0x7B, v37;
	v36 =	vbroadcast v36, $0x0;
	v27 =	vld.idx.msk [tilespmem:v27+s13+$0x0], $0xffff;
	[tilespmem:s21+$0x380] =	vst v38  }
0x34a: {  	v37 =	vmov s25;
	v38 =	vand.u32 $0x77, v45;
	v45 =	vand.u32 $0x7A, v46;
	v29 =	vld.idx.msk [tilespmem:v29+s13+$0x0], $0xffff;
	[tilespmem:s21+$0x300] =	vst v31  }
0x34b: {  	v31 =	vbroadcast v42, $0x0;
	v42 =	vmov s12;
	v36 =	vor.u32 v8, v36;
	v26 =	vld.idx.msk [tilespmem:v26+s13+$0x0], $0xffff;
	[tilespmem:s21+$0x180] =	vst v34  }
0x34c: {  	v34 =	vand.u32 $0x70, v41;
	v41 =	vand.u32 $0x75, v44;
	v44 =	vand.u32 $0x79, v47;
	v32 =	vld.idx.msk [tilespmem:v32+s13+$0x0], $0xffff;
	[tilespmem:s21+$0xFFFFFC80] =	vst v40  }
0x34d: {  	v39 =	vbroadcast v39, $0x0;
	v37 =	vand.u32 $0x76, v37;
	v34 =	vbroadcast v34, $0x0;
	[tilespmem:s21+$0xFFFFFC00] =	vst v30  }
0x34e: {  	v38 =	vbroadcast v38, $0x0;
	v40 =	vbroadcast v48, $0x0;
	v30 =	vand.u32 $0x73, v42;
	[tilespmem:s21+$0xFFFFFE80] =	vst v28  }
0x34f: {  	v31 =	vor.u32 v8, v31;
	v42 =	vbroadcast v37, $0x0;
	v28 =	vbroadcast v43, $0x0;
	[tilespmem:s21+$0x100] =	vst v27  }
0x350: {  	v43 =	vor.u32 v8, v38;
	v27 =	vbroadcast v45, $0x0;
	v45 =	vbroadcast v33, $0x0;
	v37 =	vld.idx.msk [tilespmem:v36+s13+$0x0], $0xffff;
	[tilespmem:s21+$0x80] =	vst v29  }
.Ltmp21:
0x351: {  	v39 =	vor.u32 v8, v39;
	v29 =	vbroadcast v30, $0x0;
	v30 =	vbroadcast v41, $0x0;
	[tilespmem:s21+$0xFFFFFD80] =	vst v26;
	s21 =	smov.u32 s10;
	(pc) =	sbr.rel @p0 .LBB2_36-.Ltmp21, $4  }
0x352: {  	v33 =	vor.u32 v8, v42;
	v36 =	vor.u32 v8, v28;
	v27 =	vor.u32 v8, v27;
	[tilespmem:s10+$0x0] =	vst v32  }
0x353: {  	v26 =	vor.u32 v8, v29;
	v28 =	vor.u32 v8, v30;
	v29 =	vbroadcast v44, $0x0  }
0x354: {  	v38 =	vor.u32 v8, v49;
	v30 =	vor.u32 v8, v34;
	v32 =	vor.u32 v8, v40;
	v31 =	vld.idx.msk [tilespmem:v31+s13+$0x0], $0xffff  }
0x355: {  	s17 =	smov.u32 s23;
	v40 =	vbroadcast v35, $0x0;
	v35 =	vor.u32 v8, v45;
	s10 =	sadd.s32 $0x800, s10;
	v29 =	vor.u32 v8, v29;
	v34 =	vld.idx.msk [tilespmem:v43+s13+$0x0], $0xffff  }
0x356: {  	_ =	sdelay $0x3  }
0x357: {  	v39 =	vld.idx.msk [tilespmem:v39+s13+$0x0], $0xffff  }
0x358: {  	v36 =	vld.idx.msk [tilespmem:v36+s13+$0x0], $0xffff  }
0x359: {  	[tilespmem:s21+$0x200] =	vst v37;
	v33 =	vld.idx.msk [tilespmem:v33+s13+$0x0], $0xffff  }
0x35a: {  	v59 =	vld.idx.msk [tilespmem:v38+s13+$0x0], $0xffff;
	[tilespmem:s21+$0xFFFFFD00] =	vst v31  }
0x35b: {  	v60 =	vld.idx.msk [tilespmem:v32+s13+$0x0], $0xffff;
	[tilespmem:s21+$0xFFFFFF80] =	vst v34  }
0x35c: {  	v61 =	vld.idx.msk [tilespmem:v35+s13+$0x0], $0xffff;
	[tilespmem:s21+$0x280] =	vst v39  }
0x35d: {  	v30 =	vld.idx.msk [tilespmem:v30+s13+$0x0], $0xffff;
	v40 =	vor.u32 v8, v40;
	[tilespmem:s21+$0xFFFFFE00] =	vst v36  }
0x35e: {  	v28 =	vld.idx.msk [tilespmem:v28+s13+$0x0], $0xffff;
	[tilespmem:s21+$0xFFFFFF00] =	vst v33  }
0x35f: {  	v27 =	vld.idx.msk [tilespmem:v27+s13+$0x0], $0xffff;
	[tilespmem:s21+$0x380] =	vst v59  }
0x360: {  	v29 =	vld.idx.msk [tilespmem:v29+s13+$0x0], $0xffff;
	[tilespmem:s21+$0x300] =	vst v60  }
0x361: {  	v26 =	vld.idx.msk [tilespmem:v26+s13+$0x0], $0xffff;
	[tilespmem:s21+$0x180] =	vst v61  }
0x362: {  	[tilespmem:s21+$0xFFFFFC00] =	vst v30;
	v62 =	vld.idx.msk [tilespmem:v40+s13+$0x0], $0xffff  }
0x363: {  	v11 =	vor.u32 v9, v11;
	[tilespmem:s21+$0xFFFFFE80] =	vst v28  }
0x364: {  	[tilespmem:s21+$0x100] =	vst v27  }
0x365: {  	v13 =	vor.u32 v9, v13;
	[tilespmem:s21+$0x80] =	vst v29  }
0x366: {  	[tilespmem:s21+$0xFFFFFD80] =	vst v26  }
0x367: {  	v27 =	vor.u32 v9, v15;
	[tilespmem:s21+$0xFFFFFC80] =	vst v62  }
0x368: {  	v63 =	vor.u32 v9, v19;
	v28 =	vld.idx.msk [tilespmem:v11+s13+$0x0], $0xffff;
	_ =	sdelay $0x1  }
0x369: {  	v20 =	vor.u32 v9, v20;
	v19 =	vor.u32 v9, v21;
	v26 =	vor.u32 v9, v18;
	v21 =	vld.idx.msk [tilespmem:v13+s13+$0x0], $0xffff  }
0x36a: {  	v14 =	vor.u32 v9, v14;
	v16 =	vor.u32 v9, v16;
	v17 =	vor.u32 v9, v17  }
0x36b: {  	v15 =	vor.u32 v9, v25;
	v13 =	vor.u32 v9, v22;
	v11 =	vor.u32 v9, v24;
	v18 =	vld.idx.msk [tilespmem:v27+s13+$0x0], $0xffff  }
0x36c: {  	s17 =	simm.s32 $0x10;
	s10 =	simm.s32 $0x11170;
	v22 =	vor.u32 v9, v12;
	v24 =	vbroadcast v10, $0x0;
	v12 =	vld.idx.msk [tilespmem:v63+s13+$0x0], $0xffff;
	v10 =	vor.u32 v9, v23;
	[tilespmem:s6+$0x0] =	vst v28  }
.LBB2_38:
0x36d: {  	s2 =	sadd.s32 $0x1, s17  }
0x36e: {  	v23 =	vmov s17;
	s9 =	sadd.s32 $0x2, s17;
	s15 =	sadd.s32 $0xE, s17;
	[tilespmem:s6+$0x200] =	vst v21;
	v21 =	vld.idx.msk [tilespmem:v26+s13+$0x0], $0xffff;
	s16 =	smov.u32 s17  }
0x36f: {  	s20 =	sadd.s32 $0x9, s17;
	v25 =	vmov s2;
	v26 =	vmov s9;
	s2 =	sadd.s32 $0x4, s17;
	s9 =	sadd.s32 $0x5, s17;
	v24 =	vor.u32 v9, v24;
	v20 =	vld.idx.msk [tilespmem:v20+s13+$0x0], $0xffff  }
0x370: {  	s12 =	sadd.s32 $0x3, s17;
	v26 =	vand.u32 $0x72, v26;
	v27 =	vmov s2;
	v28 =	vmov s9;
	s2 =	sadd.s32 $0x7, s17;
	s9 =	sadd.s32 $0x8, s17;
	v19 =	vld.idx.msk [tilespmem:v19+s13+$0x0], $0xffff  }
0x371: {  	s21 =	sadd.s32 $0x10, s17;
	s23 =	sadd.s32 $0x6, s16;
	v31 =	vmov s20;
	v29 =	vmov s2;
	v30 =	vmov s9;
	s2 =	sadd.s32 $0xF, s16;
	v22 =	vld.idx.msk [tilespmem:v22+s13+$0x0], $0xffff  }
0x372: {  	p0 =	slt.u32 s17, $0x30;
	v32 =	vmov s15;
	v27 =	vand.u32 $0x74, v27;
	s9 =	sadd.s32 $0xA, s16;
	v30 =	vand.u32 $0x78, v30;
	[tilespmem:s6+$0xFFFFFD00] =	vst v18;
	v16 =	vld.idx.msk [tilespmem:v16+s13+$0x0], $0xffff  }
0x373: {  	s15 =	sadd.s32 $0xD, s16;
	v33 =	vmov s2;
	v18 =	vbroadcast v30, $0x0;
	v30 =	vmov s9;
	s9 =	sadd.s32 $0xC, s16;
	[tilespmem:s6+$0xFFFFFF80] =	vst v12;
	v12 =	vld.idx.msk [tilespmem:v17+s13+$0x0], $0xffff  }
0x374: {  	v34 =	vmov s15;
	s2 =	sadd.s32 $0xB, s16;
	v17 =	vand.u32 $0x71, v25;
	v25 =	vmov s9;
	v24 =	vld.idx.msk [tilespmem:v24+s13+$0x0], $0xffff;
	[tilespmem:s6+$0x280] =	vst v21  }
0x375: {  	v33 =	vand.u32 $0x7F, v33;
	v21 =	vmov s2;
	v18 =	vor.u32 v9, v18;
	v14 =	vld.idx.msk [tilespmem:v14+s13+$0x0], $0xffff;
	[tilespmem:s6+$0xFFFFFE00] =	vst v20  }
0x376: {  	v32 =	vand.u32 $0x7E, v32;
	v20 =	vand.u32 $0x7C, v25;
	v25 =	vand.u32 $0x7D, v34;
	v15 =	vld.idx.msk [tilespmem:v15+s13+$0x0], $0xffff;
	[tilespmem:s6+$0xFFFFFF00] =	vst v19  }
0x377: {  	v33 =	vbroadcast v33, $0x0;
	v19 =	vand.u32 $0x7B, v21;
	v20 =	vbroadcast v20, $0x0;
	v13 =	vld.idx.msk [tilespmem:v13+s13+$0x0], $0xffff;
	[tilespmem:s6+$0x380] =	vst v22  }
0x378: {  	v21 =	vmov s23;
	v22 =	vand.u32 $0x77, v29;
	v29 =	vand.u32 $0x7A, v30;
	v10 =	vld.idx.msk [tilespmem:v10+s13+$0x0], $0xffff;
	[tilespmem:s6+$0x300] =	vst v16  }
0x379: {  	v16 =	vbroadcast v26, $0x0;
	v26 =	vmov s12;
	v20 =	vor.u32 v9, v20;
	v11 =	vld.idx.msk [tilespmem:v11+s13+$0x0], $0xffff;
	[tilespmem:s6+$0x180] =	vst v12  }
0x37a: {  	v12 =	vand.u32 $0x70, v23;
	v23 =	vand.u32 $0x75, v28;
	v28 =	vand.u32 $0x79, v31;
	v18 =	vld.idx.msk [tilespmem:v18+s13+$0x0], $0xffff;
	[tilespmem:s6+$0xFFFFFC80] =	vst v24  }
0x37b: {  	v21 =	vand.u32 $0x76, v21;
	v12 =	vbroadcast v12, $0x0;
	v24 =	vbroadcast v25, $0x0;
	[tilespmem:s6+$0xFFFFFC00] =	vst v14  }
0x37c: {  	v22 =	vbroadcast v22, $0x0;
	v25 =	vbroadcast v32, $0x0;
	v14 =	vand.u32 $0x73, v26;
	[tilespmem:s6+$0xFFFFFE80] =	vst v15  }
0x37d: {  	v16 =	vor.u32 v9, v16;
	v15 =	vbroadcast v27, $0x0;
	v27 =	vbroadcast v21, $0x0;
	[tilespmem:s6+$0x100] =	vst v13  }
0x37e: {  	v30 =	vor.u32 v9, v22;
	v13 =	vbroadcast v29, $0x0;
	v29 =	vbroadcast v19, $0x0;
	v21 =	vld.idx.msk [tilespmem:v20+s13+$0x0], $0xffff;
	[tilespmem:s6+$0x80] =	vst v10  }
.Ltmp22:
0x37f: {  	v26 =	vor.u32 v9, v24;
	v10 =	vbroadcast v14, $0x0;
	v14 =	vbroadcast v23, $0x0;
	[tilespmem:s6+$0xFFFFFD80] =	vst v11;
	s6 =	smov.u32 s10;
	(pc) =	sbr.rel @p0 .LBB2_38-.Ltmp22, $4  }
0x380: {  	v20 =	vor.u32 v9, v15;
	v19 =	vor.u32 v9, v27;
	v13 =	vor.u32 v9, v13;
	[tilespmem:s10+$0x0] =	vst v18  }
0x381: {  	v11 =	vor.u32 v9, v10;
	v15 =	vor.u32 v9, v14;
	v10 =	vbroadcast v28, $0x0  }
0x382: {  	v22 =	vor.u32 v9, v33;
	v14 =	vor.u32 v9, v12;
	v18 =	vld.idx.msk [tilespmem:v16+s13+$0x0], $0xffff;
	v16 =	vor.u32 v9, v25  }
0x383: {  	s17 =	smov.u32 s21;
	v24 =	vbroadcast v17, $0x0;
	v17 =	vor.u32 v9, v29;
	s10 =	sadd.s32 $0x800, s10;
	v10 =	vor.u32 v9, v10;
	v12 =	vld.idx.msk [tilespmem:v30+s13+$0x0], $0xffff  }
0x384: {  	_ =	sdelay $0x3  }
0x385: {  	v23 =	vld.idx.msk [tilespmem:v26+s13+$0x0], $0xffff  }
0x386: {  	v20 =	vld.idx.msk [tilespmem:v20+s13+$0x0], $0xffff  }
0x387: {  	[tilespmem:s6+$0x200] =	vst v21;
	v19 =	vld.idx.msk [tilespmem:v19+s13+$0x0], $0xffff  }
0x388: {  	v61 =	vld.idx.msk [tilespmem:v22+s13+$0x0], $0xffff;
	[tilespmem:s6+$0xFFFFFD00] =	vst v18  }
0x389: {  	v16 =	vld.idx.msk [tilespmem:v16+s13+$0x0], $0xffff;
	[tilespmem:s6+$0xFFFFFF80] =	vst v12  }
0x38a: {  	v62 =	vld.idx.msk [tilespmem:v17+s13+$0x0], $0xffff;
	[tilespmem:s6+$0x280] =	vst v23  }
0x38b: {  	v14 =	vld.idx.msk [tilespmem:v14+s13+$0x0], $0xffff;
	v24 =	vor.u32 v9, v24;
	[tilespmem:s6+$0xFFFFFE00] =	vst v20  }
0x38c: {  	v15 =	vld.idx.msk [tilespmem:v15+s13+$0x0], $0xffff;
	[tilespmem:s6+$0xFFFFFF00] =	vst v19  }
0x38d: {  	v13 =	vld.idx.msk [tilespmem:v13+s13+$0x0], $0xffff;
	[tilespmem:s6+$0x380] =	vst v61  }
0x38e: {  	v10 =	vld.idx.msk [tilespmem:v10+s13+$0x0], $0xffff;
	[tilespmem:s6+$0x300] =	vst v16  }
0x38f: {  	v11 =	vld.idx.msk [tilespmem:v11+s13+$0x0], $0xffff;
	[tilespmem:s6+$0x180] =	vst v62  }
0x390: {  	[tilespmem:s6+$0xFFFFFC00] =	vst v14;
	v63 =	vld.idx.msk [tilespmem:v24+s13+$0x0], $0xffff  }
0x391: {  	p0 =	seq.s32 s7, $0x18;
	[tilespmem:s6+$0xFFFFFE80] =	vst v15  }
.Ltmp23:
0x392: {  	[tilespmem:s6+$0x100] =	vst v13;
	(pc) =	sbr.rel @p0 .LBB2_41-.Ltmp23, $4  }
0x393: {  	[tilespmem:s6+$0x80] =	vst v10  }
0x394: {  	s2 =	sor.u32 $0x20000, s22;
	s16 =	smov.u32 s5;
	s23 =	simm.s32 $0x400;
	[tilespmem:s6+$0xFFFFFD80] =	vst v11  }
0x395: {  	s25 =	simm.s32 $0x20000;
	s9 =	simm.s32 $0x10500;
	s2 =	sadd.s32 s5, s2;
	[tilespmem:s6+$0xFFFFFC80] =	vst v63  }
0x396: {  	[hbm4b:s2+s23] =	stream.strided.scatter [tilespmem:s9], [sflag:$0x4], $0x2000, s25, s23, $0x38;
	[tilespmem:$0x12500] =	vst v63  }
0x397: {  	s2 =	sadd.s32 $0x3, s8  }
0x398: {  	s6 =	sor.u32 s24, s2  }
0x399: {  	v10 =	vadd.s32 s6, v1;
	_ =	sdelay $0x4  }
0x39a: {  	s15 =	sadd.s32 s26, s2;
	v10 =	vld.idx.msk [tilespmem:v10+s3+$0x0], $0xffff  }
0x39b: {  	v11 =	vadd.s32 s15, v1;
	_ =	sdelay $0x3  }
0x39c: {  	[tilespmem:$0x6480] =	vst v10  }
0x39d: {  	s17 =	sadd.s32 s28, s2;
	v10 =	vld.idx.msk [tilespmem:v11+s3+$0x0], $0xffff  }
0x39e: {  	v11 =	vadd.s32 s17, v1;
	_ =	sdelay $0x3  }
0x39f: {  	[tilespmem:$0x6490] =	vst v10  }
0x3a0: {  	s20 =	sadd.s32 s29, s2;
	v10 =	vld.idx.msk [tilespmem:v11+s3+$0x0], $0xffff  }
0x3a1: {  	v11 =	vadd.s32 s20, v1;
	_ =	sdelay $0x3  }
0x3a2: {  	[tilespmem:$0x64A0] =	vst v10  }
0x3a3: {  	s21 =	sor.u32 s30, s2;
	v10 =	vld.idx.msk [tilespmem:v11+s3+$0x0], $0xffff  }
0x3a4: {  	v11 =	vadd.s32 s21, v1;
	_ =	sdelay $0x3  }
0x3a5: {  	[tilespmem:$0x64B0] =	vst v10  }
0x3a6: {  	s22 =	sadd.s32 s31, s2;
	v10 =	vld.idx.msk [tilespmem:v11+s3+$0x0], $0xffff  }
0x3a7: {  	v11 =	vadd.s32 s22, v1;
	_ =	sdelay $0x3  }
0x3a8: {  	[tilespmem:$0x64C0] =	vst v10  }
0x3a9: {  	s23 =	sadd.s32 s1, s2;
	v10 =	vld.idx.msk [tilespmem:v11+s3+$0x0], $0xffff  }
0x3aa: {  	v11 =	vadd.s32 s23, v1;
	_ =	sdelay $0x3  }
0x3ab: {  	[tilespmem:$0x64D0] =	vst v10  }
0x3ac: {  	s2 =	sadd.s32 s0, s2;
	v10 =	vld.idx.msk [tilespmem:v11+s3+$0x0], $0xffff  }
0x3ad: {  	v11 =	vadd.s32 s2, v1;
	_ =	sdelay $0x3  }
0x3ae: {  	[tilespmem:$0x64E0] =	vst v10  }
0x3af: {  	v10 =	vld.idx.msk [tilespmem:v11+s3+$0x0], $0xffff;
	_ =	sdelay $0x1  }
.Ltmp24:
0x3b0: {  	_ = 	snop;
	(pc) =	sbr.rel .LBB2_3-.Ltmp24, $3  }
0x3b1: {  	_ =	sdelay $0x1  }
0x3b2: {  	s25 =	simm.s32 $0x80;
	s5 =	simm.s32 $0x6480;
	s7 =	sadd.s32 $0x1, s7;
	[tilespmem:$0x64F0] =	vst v10  }
0x3b3: {  	[tilespmem:s13], [sflag:$0x2] =	stream.indirect.gather [hbm4b:s4+s25], $0x80, s5, s25, $0xb8;
	[tilespmem:$0x12500] =	vst v63  }
.LBB2_43:
0x3b4: {  	_ =	sfence.sel $0x180000  }
0x3b5: {  	[bflag:$0x0] =	sbarrier.arrive $0xFFFF  }
0x3b6: {  	_ =	strace $0x90000047  }
0x3b7: {  	s0 =	stileid.u32;
	[bflag:$0x2] =	sbarrier.arrive $0xFFFF  }
0x3b8: {  	p0 =	sne.s32 s0, $0x0;
	s0 =	rddreg [dreg:$0x2]  }
0x3b9: {  	s0 =	sadd.s32 @!p0 $0x100000, s0  }
0x3ba: {  	[sflag:s0] =	ssyncadd.tile.s32 @!p0 $0x1;
	_ =	shalt  }
.Lfunc_end2:
_tile_overlayer_lowered:
.L_overlay_start_2:
0x3bb: {  	(tag) =	ssettag $0x2  }
0x3bc: {  	s0 =	rddreg [dreg:$0x0];
	s2 =	stileid.u32  }
0x3bd: {  	s1 =	rddreg [dreg:$0x1];
	p0 =	sne.s32 s2, $0x0  }
0x3be: {  	s3 =	rddreg [dreg:$0x2];
	[bflag:$0x3] =	sbarrier.arrive $0xFFFF;
	s2 =	simm.s32 @!p0 $0x1C05  }
0x3bf: {  	[timem:s3], [sflag:s2] =	dma.local @!p0 [hbm:s0], s1  }
0x3c0: {  	s0 =	simm.s32 @!p0 $0x5  }
0x3c1: {  	_ =	swait.ge @!p0 [sflag:s0], s1  }
0x3c2: {  	s1 =	ssub.s32 @!p0 $0x0, s1;
	[sflag:s0] =	ssyncset.done @!p0 $0x0  }
0x3c3: {  	[sflag:s0] =	ssyncadd.s32 @!p0 s1  }
0x3c4: {  	[bflag:$0x3] =	sbarrier.arrive $0xFFFF  }
0x3c5: {  	_ =	shalt  }

</sc_bundles>
